<compile_context>
chip_gen: v7x
topology: tpu7x:2x2x1
jax: 0.10.2.dev20260603
libtpu: 0.0.44.dev20260713+nightly
codegen_flags: <defaults>
</compile_context>

<pallas_src>
import jax
import jax.numpy as jnp
from jax import lax
from jax.experimental import pallas as pl
from jax.experimental.pallas import tpu as pltpu
from jax.experimental.pallas import tpu_sc as plsc

_N = 50000
_E = 800000
_DH = 80
_CH = 128
_EC = 64
_NP = 50176
_EP = 802816
_NC = 2
_NS = 16
_ROWCHUNKS = _NP // _CH
_BN = 1024
_BE = 4096
_F32 = jnp.float32


def _sc_mesh():
    return plsc.VectorSubcoreMesh(core_axis_name="c", subcore_axis_name="s")


def _zero_acc(zv_hbm, acc, s):
    nz = (_ROWCHUNKS + _NS - 1) // _NS

    def zbody(j, carry):
        ch = s + j * _NS

        @pl.when(ch < _ROWCHUNKS)
        def _():
            pltpu.sync_copy(zv_hbm, acc.at[pl.ds(ch * _CH, _CH)])

        return carry

    lax.fori_loop(0, nz, zbody, 0)


def _copy_out(acc, out_view, s):
    nz = (_ROWCHUNKS + _NS - 1) // _NS

    def obody(j, carry):
        ch = s + j * _NS

        @pl.when(ch < _ROWCHUNKS)
        def _():
            pltpu.sync_copy(acc.at[pl.ds(ch * _CH, _CH)],
                            out_view.at[pl.ds(ch * _CH, _CH)])

        return carry

    lax.fori_loop(0, nz, obody, 0)


def _tc_ea_prep(edge_attr):

    def body(ea_ref, ea8_ref):
        ea8_ref[:, 0:6] = ea_ref[...]
        ea8_ref[:, 6:7] = jnp.ones((_BE, 1), _F32)
        ea8_ref[:, 7:8] = jnp.zeros((_BE, 1), _F32)

    return pl.pallas_call(
        body,
        grid=((_E + _BE - 1) // _BE,),
        in_specs=[pl.BlockSpec((_BE, 6), lambda i: (i, 0))],
        out_specs=pl.BlockSpec((_BE, 8), lambda i: (i, 0)),
        out_shape=jax.ShapeDtypeStruct((_E, 8), _F32),
        compiler_params=pltpu.CompilerParams(
            dimension_semantics=("arbitrary",),
        ),
    )(edge_attr)


def _tc_node_prep(h):

    def body(h_ref, h0p_ref, hh2_ref):
        i = pl.program_id(0)
        row = i * _BN + lax.broadcasted_iota(jnp.int32, (_BN, 1), 0)
        hp = jnp.concatenate([h_ref[...], jnp.zeros((_BN, 5), _F32)], axis=1)
        hp = jnp.where(row < _N, hp, 0.0)
        h0p_ref[...] = hp
        hh2_ref[0] = hp[:, :40]
        hh2_ref[1] = hp[:, 40:]

    return pl.pallas_call(
        body,
        grid=(_NP // _BN,),
        in_specs=[pl.BlockSpec((_BN, 75), lambda i: (i, 0))],
        out_specs=[
            pl.BlockSpec((_BN, _DH), lambda i: (i, 0)),
            pl.BlockSpec((_NC, _BN, 40), lambda i: (0, i, 0)),
        ],
        out_shape=[
            jax.ShapeDtypeStruct((_NP, _DH), _F32),
            jax.ShapeDtypeStruct((_NC, _NP, 40), _F32),
        ],
        compiler_params=pltpu.CompilerParams(
            dimension_semantics=("arbitrary",),
        ),
    )(h)


def _sc_edge_stats(edge_index, ea8, zeros8):

    def body(ei_hbm, ea_hbm, z_hbm, out_hbm, acc, idx_v, ea_v):
        c = lax.axis_index("c")
        s = lax.axis_index("s")
        _zero_acc(z_hbm, acc, s)
        plsc.subcore_barrier()

        nch_sc = (_E // _NC) // _CH
        nloop = (nch_sc + _NS - 1) // _NS

        def ebody(j, carry):
            ch = s + j * _NS

            @pl.when(ch < nch_sc)
            def _():
                base = c * (_E // _NC) + ch * _CH
                pltpu.sync_copy(ei_hbm.at[1, pl.ds(base, _CH)], idx_v)
                pltpu.sync_copy(ea_hbm.at[pl.ds(base, _CH)], ea_v)
                pltpu.sync_copy(ea_v, acc.at[idx_v], add=True)

            return carry

        lax.fori_loop(0, nloop, ebody, 0)
        plsc.subcore_barrier()
        _copy_out(acc, out_hbm.at[c], s)

    return pl.kernel(
        body,
        out_type=jax.ShapeDtypeStruct((_NC, _NP, 8), _F32),
        mesh=_sc_mesh(),
        scratch_types=[
            pltpu.MemorySpace.VMEM_SHARED((_NP, 8), _F32),
            pltpu.VMEM((_CH,), jnp.int32),
            pltpu.VMEM((_CH, 8), _F32),
        ],
        compiler_params=pltpu.CompilerParams(use_tc_tiling_on_sc=False),
    )(edge_index, ea8, zeros8)


def _sc_gather_segsum(edge_index, hh2, zeros40):

    def body(ei_hbm, tab_hbm, z_hbm, out_hbm,
             acc, ss0, ss1, sd0, sd1, rows,
             gs0, gs1, is0, is1, ds0, ds1):
        c = lax.axis_index("c")
        s = lax.axis_index("s")
        gsem = [gs0, gs1]
        isem = [is0, is1]
        dsem = [ds0, ds1]
        ssidx = [ss0, ss1]
        sdidx = [sd0, sd1]
        _zero_acc(z_hbm, acc, s)
        plsc.subcore_barrier()

        nch = _E // _EC
        nloop = (nch + _NS - 1) // _NS

        def sidx_start(j, b):
            pltpu.make_async_copy(ei_hbm.at[0, pl.ds((s + j * _NS) * _EC, _EC)],
                                  ssidx[b], isem[b]).start()

        def sidx_wait(j, b):
            pltpu.make_async_copy(ei_hbm.at[0, pl.ds((s + j * _NS) * _EC, _EC)],
                                  ssidx[b], isem[b]).wait()

        def didx_start(j, b):
            pltpu.make_async_copy(ei_hbm.at[1, pl.ds((s + j * _NS) * _EC, _EC)],
                                  sdidx[b], dsem[b]).start()

        def didx_wait(j, b):
            pltpu.make_async_copy(ei_hbm.at[1, pl.ds((s + j * _NS) * _EC, _EC)],
                                  sdidx[b], dsem[b]).wait()

        def gather_start(b):
            pltpu.make_async_copy(tab_hbm.at[c].at[ssidx[b]], rows.at[b],
                                  gsem[b]).start()

        def gather_wait(b):
            pltpu.make_async_copy(tab_hbm.at[c].at[ssidx[b]], rows.at[b],
                                  gsem[b]).wait()

        for b in (0, 1):
            sidx_start(b, b)
            didx_start(b, b)
        for b in (0, 1):
            sidx_wait(b, b)
            gather_start(b)

        def mbody(jj, carry):
            for b in range(2):
                j = 2 * jj + b

                @pl.when(s + j * _NS < nch)
                def _():
                    gather_wait(b)
                    didx_wait(j, b)
                    pltpu.sync_copy(rows.at[b], acc.at[sdidx[b]], add=True)

                    @pl.when(s + (j + 2) * _NS < nch)
                    def _():
                        didx_start(j + 2, b)
                        sidx_start(j + 2, b)
                        sidx_wait(j + 2, b)
                        gather_start(b)

            return carry

        lax.fori_loop(0, (nloop + 1) // 2, mbody, 0)
        plsc.subcore_barrier()
        _copy_out(acc, out_hbm.at[c], s)

    return pl.kernel(
        body,
        out_type=jax.ShapeDtypeStruct((_NC, _NP, 40), _F32),
        mesh=_sc_mesh(),
        scratch_types=[
            pltpu.MemorySpace.VMEM_SHARED((_NP, 40), _F32),
            pltpu.VMEM((_EC,), jnp.int32),
            pltpu.VMEM((_EC,), jnp.int32),
            pltpu.VMEM((_EC,), jnp.int32),
            pltpu.VMEM((_EC,), jnp.int32),
            pltpu.VMEM((2, _EC, 40), _F32),
            pltpu.SemaphoreType.DMA,
            pltpu.SemaphoreType.DMA,
            pltpu.SemaphoreType.DMA,
            pltpu.SemaphoreType.DMA,
            pltpu.SemaphoreType.DMA,
            pltpu.SemaphoreType.DMA,
        ],
        compiler_params=pltpu.CompilerParams(use_tc_tiling_on_sc=False),
    )(edge_index, hh2, zeros40)


def _tc_round(hh2, g2, s7p, At, Wt, Mt, bb):

    def body(hh_ref, g_ref, s_ref, At_ref, Wt_ref, Mt_ref, bb_ref, out_ref):
        hh = jnp.concatenate([hh_ref[0], hh_ref[1]], axis=1)
        g = jnp.concatenate([g_ref[0], g_ref[1]], axis=1)
        sv = s_ref[0] + s_ref[1]
        t = (jnp.dot(hh, At_ref[...], preferred_element_type=_F32)
             + jnp.dot(g, Wt_ref[...], preferred_element_type=_F32)
             + jnp.dot(sv, Mt_ref[...], preferred_element_type=_F32)
             + bb_ref[...])
        r = jnp.maximum(t, 0.0)
        out_ref[0] = r[:, :40]
        out_ref[1] = r[:, 40:]

    return pl.pallas_call(
        body,
        grid=(_NP // _BN,),
        in_specs=[
            pl.BlockSpec((_NC, _BN, 40), lambda i: (0, i, 0)),
            pl.BlockSpec((_NC, _BN, 40), lambda i: (0, i, 0)),
            pl.BlockSpec((_NC, _BN, 8), lambda i: (0, i, 0)),
            pl.BlockSpec((_DH, _DH), lambda i: (0, 0)),
            pl.BlockSpec((_DH, _DH), lambda i: (0, 0)),
            pl.BlockSpec((8, _DH), lambda i: (0, 0)),
            pl.BlockSpec((1, _DH), lambda i: (0, 0)),
        ],
        out_specs=pl.BlockSpec((_NC, _BN, 40), lambda i: (0, i, 0)),
        out_shape=jax.ShapeDtypeStruct((_NC, _NP, 40), _F32),
        compiler_params=pltpu.CompilerParams(
            dimension_semantics=("arbitrary",),
        ),
    )(hh2, g2, s7p, At, Wt, Mt, bb)


def _tc_readout(hh2, h0p, Pt, Qt, Rb, out_wt, out_b2):

    def body(hh_ref, h0_ref, Pt_ref, Qt_ref, Rb_ref, ow_ref, ob_ref,
             out_ref, acc_ref):
        i = pl.program_id(0)

        @pl.when(i == 0)
        def _():
            acc_ref[...] = jnp.zeros_like(acc_ref)

        hh = jnp.concatenate([hh_ref[0], hh_ref[1]], axis=1)
        reads = (jnp.dot(hh, Pt_ref[...], preferred_element_type=_F32)
                 + jnp.dot(h0_ref[...], Qt_ref[...], preferred_element_type=_F32)
                 + Rb_ref[...])
        reads = jnp.maximum(reads, 0.0)
        gid = i * _BN + lax.broadcasted_iota(jnp.int32, (_BN, 1), 0)
        reads = jnp.where(gid < _N, reads, 0.0)
        acc_ref[...] += jnp.sum(reads.reshape(_BN // 8, 8, 128), axis=0)

        @pl.when(i == _NP // _BN - 1)
        def _():
            tot = jnp.sum(acc_ref[...], axis=0, keepdims=True)
            v = jnp.tanh(tot)
            out_ref[...] = jnp.dot(v, ow_ref[...],
                                   preferred_element_type=_F32) + ob_ref[...]

    return pl.pallas_call(
        body,
        grid=(_NP // _BN,),
        in_specs=[
            pl.BlockSpec((_NC, _BN, 40), lambda i: (0, i, 0)),
            pl.BlockSpec((_BN, _DH), lambda i: (i, 0)),
            pl.BlockSpec((_DH, 128), lambda i: (0, 0)),
            pl.BlockSpec((_DH, 128), lambda i: (0, 0)),
            pl.BlockSpec((1, 128), lambda i: (0, 0)),
            pl.BlockSpec((128, 1), lambda i: (0, 0)),
            pl.BlockSpec((1, 1), lambda i: (0, 0)),
        ],
        out_specs=pl.BlockSpec((1, 1), lambda i: (0, 0)),
        out_shape=jax.ShapeDtypeStruct((1, 1), _F32),
        scratch_shapes=[pltpu.VMEM((8, 128), _F32)],
        compiler_params=pltpu.CompilerParams(
            dimension_semantics=("arbitrary",),
        ),
    )(hh2, h0p, Pt, Qt, Rb, out_wt, out_b2)


def kernel(h, edge_index, edge_attr, R_w, R_b, E_w, E_b,
           U0_w, U0_b, U1_w, U1_b, U2_w, U2_b,
           V0_w, V0_b, V1_w, V1_b, V2_w, V2_b,
           out_w, out_b):
    h0p, hh2 = _tc_node_prep(h)
    ea8 = _tc_ea_prep(edge_attr)

    zeros8 = jnp.zeros((_CH, 8), _F32)
    zeros40 = jnp.zeros((_CH, 40), _F32)

    Uw = [U0_w, U1_w, U2_w]
    Ub = [U0_b, U1_b, U2_b]
    Vw = [V0_w, V1_w, V2_w]
    Vb = [V0_b, V1_b, V2_b]
    Ats, Wts, Mts, bbs = [], [], [], []
    for k in range(3):
        A = Uw[k][:, :75]
        B = Uw[k][:, 75:150]
        C = Uw[k][:, 150:156]
        W = B @ Vw[k]
        At = jnp.zeros((_DH, _DH), _F32).at[:75, :75].set(A.T)
        Wt = jnp.zeros((_DH, _DH), _F32).at[:75, :75].set(W.T)
        m6 = C @ E_w
        v7 = C @ E_b + B @ Vb[k]
        Mt = jnp.zeros((8, _DH), _F32)
        Mt = Mt.at[:6, :75].set(m6.T).at[6, :75].set(v7)
        bb = jnp.zeros((1, _DH), _F32).at[0, :75].set(Ub[k])
        Ats.append(At); Wts.append(Wt); Mts.append(Mt); bbs.append(bb)

    Pt = jnp.zeros((_DH, 128), _F32).at[:75, :].set(R_w[:, :75].T)
    Qt = jnp.zeros((_DH, 128), _F32).at[:75, :].set(R_w[:, 75:].T)
    Rb2 = R_b.reshape(1, 128)
    out_wt = out_w.reshape(1, 128).T
    out_b2 = out_b.reshape(1, 1)

    g2 = _sc_gather_segsum(edge_index, hh2, zeros40)
    s7p = _sc_edge_stats(edge_index, ea8, zeros8)

    for k in range(3):
        hh2 = _tc_round(hh2, g2, s7p, Ats[k], Wts[k], Mts[k], bbs[k])
        if k < 2:
            g2 = _sc_gather_segsum(edge_index, hh2, zeros40)

    return _tc_readout(hh2, h0p, Pt, Qt, Rb2, out_wt, out_b2)

# --- scband reference (transcript-rebuilt; emitter-appended) ---
"""Pipeline reference for scband-mpnn-35390530519259 (READ-ONLY COPY).

The authoritative reference and input builder live on the scoring server;
editing this copy changes nothing except your own understanding.
"""

import jax, jax.numpy as jnp
import numpy as np

N = 50000
E = 800000
T = 3
D_H = 75
D_E = 6


def _lin_params(key, out_f, in_f):
    k1, k2 = jax.random.split(key)
    bound = 1.0 / np.sqrt(in_f)
    w = jax.random.uniform(k1, (out_f, in_f), minval=-bound, maxval=bound, dtype=jnp.float32)
    b = jax.random.uniform(k2, (out_f,), minval=-bound, maxval=bound, dtype=jnp.float32)
    return w, b


def setup_inputs(seed: int = 0) -> dict:
    key = jax.random.key(seed)
    ks = jax.random.split(key, 16)
    inp = {}
    inp['h'] = jax.random.normal(ks[0], (N, D_H), dtype=jnp.float32)
    inp['edge_index'] = jax.random.randint(ks[1], (2, E), 0, N, dtype=jnp.int32)
    inp['edge_attr'] = jax.random.normal(ks[2], (E, D_E), dtype=jnp.float32)
    inp['R_w'], inp['R_b'] = _lin_params(ks[3], 128, 150)
    inp['E_w'], inp['E_b'] = _lin_params(ks[4], 6, 6)
    inp['U0_w'], inp['U0_b'] = _lin_params(ks[5], 75, 156)
    inp['U1_w'], inp['U1_b'] = _lin_params(ks[6], 75, 156)
    inp['U2_w'], inp['U2_b'] = _lin_params(ks[7], 75, 156)
    inp['V0_w'], inp['V0_b'] = _lin_params(ks[8], 75, 75)
    inp['V1_w'], inp['V1_b'] = _lin_params(ks[9], 75, 75)
    inp['V2_w'], inp['V2_b'] = _lin_params(ks[10], 75, 75)
    inp['out_w'], inp['out_b'] = _lin_params(ks[11], 1, 128)
    return inp


def reference(h, edge_index, edge_attr, R_w, R_b, E_w, E_b,
              U0_w, U0_b, U1_w, U1_b, U2_w, U2_b,
              V0_w, V0_b, V1_w, V1_b, V2_w, V2_b,
              out_w, out_b):
    # Tensorized, faithful-in-math version of the dict-based MPNN:
    # for T rounds: per edge (v <- w): m_w = V_k(h[w]); m_e = E(e_vw);
    #   h[v] = ReLU(U_k(cat(h[v], m_w, m_e)))  (messages aggregated per dst node)
    # readout: tanh(sum_v ReLU(R(cat(h_T[v], h_0[v])))); output: Linear(128 -> 1)
    Uw = [U0_w, U1_w, U2_w]
    Ub = [U0_b, U1_b, U2_b]
    Vw = [V0_w, V1_w, V2_w]
    Vb = [V0_b, V1_b, V2_b]
    src = edge_index[0]
    dst = edge_index[1]
    h0 = h
    hh = h
    for k in range(T):
        m_w = hh[src] @ Vw[k].T + Vb[k]                       # gather + Linear(75,75) per edge
        m_e = edge_attr @ E_w.T + E_b                          # Linear(6,6) per edge
        m_agg = jax.ops.segment_sum(m_w, dst, num_segments=N)  # scatter-add to dst
        e_agg = jax.ops.segment_sum(m_e, dst, num_segments=N)
        cat = jnp.concatenate([hh, m_agg, e_agg], axis=1)      # [N, 156]
        hh = jax.nn.relu(cat @ Uw[k].T + Ub[k])                # [N, 75]
    reads = jax.nn.relu(jnp.concatenate([hh, h0], axis=1) @ R_w.T + R_b)  # [N, 128]
    readout = jnp.tanh(jnp.sum(reads, axis=0, keepdims=True))             # [1, 128]
    return readout @ out_w.T + out_b                                      # [1, 1]

if __name__ == "__main__":
    import jax
    _d = setup_inputs()
    print(jax.jit(kernel)(*tuple(_d.values())))

</pallas_src>

<mosaic_0001>
#map = affine_map<(d0, d1) -> (0, 0)>
#map1 = affine_map<(d0, d1) -> (0, 0, 0)>
module attributes {stable_mosaic.version = 14 : i64} {
  func.func @body(%arg0: i32, %arg1: i32, %arg2: memref<2x800000xi32, #tpu.memory_space<hbm>>, %arg3: memref<2x50176x40xf32, #tpu.memory_space<hbm>>, %arg4: memref<128x40xf32, #tpu.memory_space<hbm>>, %arg5: memref<2x50176x40xf32, #tpu.memory_space<hbm>>, %arg6: memref<50176x40xf32, #tpu.memory_space<vmem_shared>>, %arg7: memref<64xi32, #tpu.memory_space<vmem>>, %arg8: memref<64xi32, #tpu.memory_space<vmem>>, %arg9: memref<64xi32, #tpu.memory_space<vmem>>, %arg10: memref<64xi32, #tpu.memory_space<vmem>>, %arg11: memref<2x64x40xf32, #tpu.memory_space<vmem>>, %arg12: memref<!tpu.dma_semaphore, #tpu.memory_space<semaphore_mem>>, %arg13: memref<!tpu.dma_semaphore, #tpu.memory_space<semaphore_mem>>, %arg14: memref<!tpu.dma_semaphore, #tpu.memory_space<semaphore_mem>>, %arg15: memref<!tpu.dma_semaphore, #tpu.memory_space<semaphore_mem>>, %arg16: memref<!tpu.dma_semaphore, #tpu.memory_space<semaphore_mem>>, %arg17: memref<!tpu.dma_semaphore, #tpu.memory_space<semaphore_mem>>) attributes {dimension_semantics = [#tpu.dimension_semantics<core_parallel>, #tpu.dimension_semantics<subcore_parallel>], iteration_bounds = array<i64: 2, 16>, scalar_prefetch = 0 : i64, scratch_operands = 12 : i64, tpu.core_type = #tpu.core_type<sc_vector_subcore>, window_params = [{transform_indices = #map}, {transform_indices = #map1}, {transform_indices = #map}, {transform_indices = #map1}]} {
    %scan3A = arith.constant 0 : i32
    %scan3A_0 = arith.constant 0 : i32
    %scan3A_1 = arith.constant 25 : i32
    %scan3A_2 = arith.addi %scan3A_0, %scan3A_1 : i32
    %scan3A_3 = arith.constant 1 : i32
    scf.for %scan3A_92 = %scan3A_0 to %scan3A_2 step %scan3A_3  : i32 {
      %mul3A_93 = arith.constant 16 : i32
      %mul3A_94 = arith.muli %scan3A_92, %mul3A_93 : i32
      %add3A_95 = arith.addi %arg1, %mul3A_94 : i32
      %lt3A = arith.constant 392 : i32
      %lt3A_96 = arith.cmpi slt, %add3A_95, %lt3A : i32
      %convert_element_type3A = arith.extui %lt3A_96 : i1 to i32
      %cond3A = arith.constant 0 : i32
      %cond3A_97 = arith.cmpi ne, %convert_element_type3A, %cond3A : i32
      scf.if %cond3A_97 {
        %mul3A_98 = arith.constant 128 : i32
        %mul3A_99 = arith.muli %add3A_95, %mul3A_98 : i32
        "tpu.region"() ({
          %run_scoped3A = tpu.sem_alloc : memref<!tpu.dma_semaphore, #tpu.memory_space<semaphore_mem>>
          %dma_start3A_100 = arith.constant 0 : i32
          %dma_start3A_101 = tpu.memref_slice %arg6[%mul3A_99, %dma_start3A_100] : memref<50176x40xf32, #tpu.memory_space<vmem_shared>> -> memref<128x40xf32, #tpu.memory_space<vmem_shared>>
          tpu.enqueue_dma source(%arg4 : memref<128x40xf32, #tpu.memory_space<hbm>>) target(%dma_start3A_101 : memref<128x40xf32, #tpu.memory_space<vmem_shared>>) target_semaphore(%run_scoped3A : memref<!tpu.dma_semaphore, #tpu.memory_space<semaphore_mem>>)
          %dma_wait3A_102 = arith.constant 0 : i32
          %dma_wait3A_103 = tpu.memref_slice %arg6[%mul3A_99, %dma_wait3A_102] : memref<50176x40xf32, #tpu.memory_space<vmem_shared>> -> memref<128x40xf32, #tpu.memory_space<vmem_shared>>
          tpu.wait_dma2 semaphore(%run_scoped3A : memref<!tpu.dma_semaphore, #tpu.memory_space<semaphore_mem>>) src(%arg4 : memref<128x40xf32, #tpu.memory_space<hbm>>) dst(%dma_wait3A_103 : memref<128x40xf32, #tpu.memory_space<vmem_shared>>)
          tpu.yield
        }) : () -> ()
      } else {
      }
    }
    %scan3A_4 = arith.constant 25 : i32
    %barrier3A = arith.constant 0 : index
    tpu.barrier barrier_id(%barrier3A)
    %add3A = arith.constant 0 : i32
    %add3A_5 = arith.addi %arg1, %add3A : i32
    %mul3A = arith.constant 64 : i32
    %mul3A_6 = arith.muli %add3A_5, %mul3A : i32
    %dma_start3A = arith.constant 0 : i32
    %dma_start3A_7 = tpu.memref_slice %arg2[%dma_start3A, %mul3A_6] : memref<2x800000xi32, #tpu.memory_space<hbm>> -> memref<1x64xi32, #tpu.memory_space<hbm>>
    %dma_start3A_8 = tpu.memref_squeeze %dma_start3A_7 : memref<1x64xi32, #tpu.memory_space<hbm>> -> memref<64xi32, #tpu.memory_space<hbm>>
    %dma_start3A_9 = tpu.memref_slice %arg2[%dma_start3A, %mul3A_6] : memref<2x800000xi32, #tpu.memory_space<hbm>> -> memref<1x64xi32, #tpu.memory_space<hbm>>
    %dma_start3A_10 = tpu.memref_squeeze %dma_start3A_9 : memref<1x64xi32, #tpu.memory_space<hbm>> -> memref<64xi32, #tpu.memory_space<hbm>>
    tpu.enqueue_dma source(%dma_start3A_10 : memref<64xi32, #tpu.memory_space<hbm>>) target(%arg7 : memref<64xi32, #tpu.memory_space<vmem>>) target_semaphore(%arg14 : memref<!tpu.dma_semaphore, #tpu.memory_space<semaphore_mem>>)
    %add3A_11 = arith.constant 0 : i32
    %add3A_12 = arith.addi %arg1, %add3A_11 : i32
    %mul3A_13 = arith.constant 64 : i32
    %mul3A_14 = arith.muli %add3A_12, %mul3A_13 : i32
    %dma_start3A_15 = arith.constant 1 : i32
    %dma_start3A_16 = tpu.memref_slice %arg2[%dma_start3A_15, %mul3A_14] : memref<2x800000xi32, #tpu.memory_space<hbm>> -> memref<1x64xi32, #tpu.memory_space<hbm>>
    %dma_start3A_17 = tpu.memref_squeeze %dma_start3A_16 : memref<1x64xi32, #tpu.memory_space<hbm>> -> memref<64xi32, #tpu.memory_space<hbm>>
    %dma_start3A_18 = tpu.memref_slice %arg2[%dma_start3A_15, %mul3A_14] : memref<2x800000xi32, #tpu.memory_space<hbm>> -> memref<1x64xi32, #tpu.memory_space<hbm>>
    %dma_start3A_19 = tpu.memref_squeeze %dma_start3A_18 : memref<1x64xi32, #tpu.memory_space<hbm>> -> memref<64xi32, #tpu.memory_space<hbm>>
    tpu.enqueue_dma source(%dma_start3A_19 : memref<64xi32, #tpu.memory_space<hbm>>) target(%arg9 : memref<64xi32, #tpu.memory_space<vmem>>) target_semaphore(%arg16 : memref<!tpu.dma_semaphore, #tpu.memory_space<semaphore_mem>>)
    %add3A_20 = arith.constant 16 : i32
    %add3A_21 = arith.addi %arg1, %add3A_20 : i32
    %mul3A_22 = arith.constant 64 : i32
    %mul3A_23 = arith.muli %add3A_21, %mul3A_22 : i32
    %dma_start3A_24 = arith.constant 0 : i32
    %dma_start3A_25 = tpu.memref_slice %arg2[%dma_start3A_24, %mul3A_23] : memref<2x800000xi32, #tpu.memory_space<hbm>> -> memref<1x64xi32, #tpu.memory_space<hbm>>
    %dma_start3A_26 = tpu.memref_squeeze %dma_start3A_25 : memref<1x64xi32, #tpu.memory_space<hbm>> -> memref<64xi32, #tpu.memory_space<hbm>>
    %dma_start3A_27 = tpu.memref_slice %arg2[%dma_start3A_24, %mul3A_23] : memref<2x800000xi32, #tpu.memory_space<hbm>> -> memref<1x64xi32, #tpu.memory_space<hbm>>
    %dma_start3A_28 = tpu.memref_squeeze %dma_start3A_27 : memref<1x64xi32, #tpu.memory_space<hbm>> -> memref<64xi32, #tpu.memory_space<hbm>>
    tpu.enqueue_dma source(%dma_start3A_28 : memref<64xi32, #tpu.memory_space<hbm>>) target(%arg8 : memref<64xi32, #tpu.memory_space<vmem>>) target_semaphore(%arg15 : memref<!tpu.dma_semaphore, #tpu.memory_space<semaphore_mem>>)
    %add3A_29 = arith.constant 16 : i32
    %add3A_30 = arith.addi %arg1, %add3A_29 : i32
    %mul3A_31 = arith.constant 64 : i32
    %mul3A_32 = arith.muli %add3A_30, %mul3A_31 : i32
    %dma_start3A_33 = arith.constant 1 : i32
    %dma_start3A_34 = tpu.memref_slice %arg2[%dma_start3A_33, %mul3A_32] : memref<2x800000xi32, #tpu.memory_space<hbm>> -> memref<1x64xi32, #tpu.memory_space<hbm>>
    %dma_start3A_35 = tpu.memref_squeeze %dma_start3A_34 : memref<1x64xi32, #tpu.memory_space<hbm>> -> memref<64xi32, #tpu.memory_space<hbm>>
    %dma_start3A_36 = tpu.memref_slice %arg2[%dma_start3A_33, %mul3A_32] : memref<2x800000xi32, #tpu.memory_space<hbm>> -> memref<1x64xi32, #tpu.memory_space<hbm>>
    %dma_start3A_37 = tpu.memref_squeeze %dma_start3A_36 : memref<1x64xi32, #tpu.memory_space<hbm>> -> memref<64xi32, #tpu.memory_space<hbm>>
    tpu.enqueue_dma source(%dma_start3A_37 : memref<64xi32, #tpu.memory_space<hbm>>) target(%arg10 : memref<64xi32, #tpu.memory_space<vmem>>) target_semaphore(%arg17 : memref<!tpu.dma_semaphore, #tpu.memory_space<semaphore_mem>>)
    %add3A_38 = arith.constant 0 : i32
    %add3A_39 = arith.addi %arg1, %add3A_38 : i32
    %mul3A_40 = arith.constant 64 : i32
    %mul3A_41 = arith.muli %add3A_39, %mul3A_40 : i32
    %dma_wait3A = arith.constant 0 : i32
    %dma_wait3A_42 = tpu.memref_slice %arg2[%dma_wait3A, %mul3A_41] : memref<2x800000xi32, #tpu.memory_space<hbm>> -> memref<1x64xi32, #tpu.memory_space<hbm>>
    %dma_wait3A_43 = tpu.memref_squeeze %dma_wait3A_42 : memref<1x64xi32, #tpu.memory_space<hbm>> -> memref<64xi32, #tpu.memory_space<hbm>>
    %dma_wait3A_44 = tpu.memref_slice %arg2[%dma_wait3A, %mul3A_41] : memref<2x800000xi32, #tpu.memory_space<hbm>> -> memref<1x64xi32, #tpu.memory_space<hbm>>
    %dma_wait3A_45 = tpu.memref_squeeze %dma_wait3A_44 : memref<1x64xi32, #tpu.memory_space<hbm>> -> memref<64xi32, #tpu.memory_space<hbm>>
    tpu.wait_dma2 semaphore(%arg14 : memref<!tpu.dma_semaphore, #tpu.memory_space<semaphore_mem>>) src(%dma_wait3A_45 : memref<64xi32, #tpu.memory_space<hbm>>) dst(%arg7 : memref<64xi32, #tpu.memory_space<vmem>>)
    %dma_start3A_46 = arith.constant 0 : i32
    %dma_start3A_47 = arith.constant 0 : i32
    %dma_start3A_48 = arith.constant 0 : i32
    %dma_start3A_49 = tpu.memref_slice %arg11[%dma_start3A_46, %dma_start3A_47, %dma_start3A_48] : memref<2x64x40xf32, #tpu.memory_space<vmem>> -> memref<1x64x40xf32, #tpu.memory_space<vmem>>
    %dma_start3A_50 = tpu.memref_squeeze %dma_start3A_49 : memref<1x64x40xf32, #tpu.memory_space<vmem>> -> memref<64x40xf32, #tpu.memory_space<vmem>>
    %dma_start3A_51 = arith.constant 0 : i32
    %dma_start3A_52 = arith.constant 0 : i32
    %dma_start3A_53 = tpu.memref_slice %arg3[%arg0, %dma_start3A_51, %dma_start3A_52] : memref<2x50176x40xf32, #tpu.memory_space<hbm>> -> memref<1x50176x40xf32, #tpu.memory_space<hbm>>
    %dma_start3A_54 = tpu.memref_squeeze %dma_start3A_53 : memref<1x50176x40xf32, #tpu.memory_space<hbm>> -> memref<50176x40xf32, #tpu.memory_space<hbm>>
    %dma_start3A_55 = arith.constant 0 : i32
    %dma_start3A_56 = arith.constant 0 : i32
    %dma_start3A_57 = tpu.memref_slice %dma_start3A_54[%dma_start3A_55, %dma_start3A_56] : memref<50176x40xf32, #tpu.memory_space<hbm>> -> memref<50176x40xf32, #tpu.memory_space<hbm>>
    tpu.enqueue_indirect_dma source(%dma_start3A_57 : memref<50176x40xf32, #tpu.memory_space<hbm>>) target(%dma_start3A_50 : memref<64x40xf32, #tpu.memory_space<vmem>>) offsets(%arg7 : memref<64xi32, #tpu.memory_space<vmem>>) semaphore(%arg12 : memref<!tpu.dma_semaphore, #tpu.memory_space<semaphore_mem>>)
    %add3A_58 = arith.constant 16 : i32
    %add3A_59 = arith.addi %arg1, %add3A_58 : i32
    %mul3A_60 = arith.constant 64 : i32
    %mul3A_61 = arith.muli %add3A_59, %mul3A_60 : i32
    %dma_wait3A_62 = arith.constant 0 : i32
    %dma_wait3A_63 = tpu.memref_slice %arg2[%dma_wait3A_62, %mul3A_61] : memref<2x800000xi32, #tpu.memory_space<hbm>> -> memref<1x64xi32, #tpu.memory_space<hbm>>
    %dma_wait3A_64 = tpu.memref_squeeze %dma_wait3A_63 : memref<1x64xi32, #tpu.memory_space<hbm>> -> memref<64xi32, #tpu.memory_space<hbm>>
    %dma_wait3A_65 = tpu.memref_slice %arg2[%dma_wait3A_62, %mul3A_61] : memref<2x800000xi32, #tpu.memory_space<hbm>> -> memref<1x64xi32, #tpu.memory_space<hbm>>
    %dma_wait3A_66 = tpu.memref_squeeze %dma_wait3A_65 : memref<1x64xi32, #tpu.memory_space<hbm>> -> memref<64xi32, #tpu.memory_space<hbm>>
    tpu.wait_dma2 semaphore(%arg15 : memref<!tpu.dma_semaphore, #tpu.memory_space<semaphore_mem>>) src(%dma_wait3A_66 : memref<64xi32, #tpu.memory_space<hbm>>) dst(%arg8 : memref<64xi32, #tpu.memory_space<vmem>>)
    %dma_start3A_67 = arith.constant 1 : i32
    %dma_start3A_68 = arith.constant 0 : i32
    %dma_start3A_69 = arith.constant 0 : i32
    %dma_start3A_70 = tpu.memref_slice %arg11[%dma_start3A_67, %dma_start3A_68, %dma_start3A_69] : memref<2x64x40xf32, #tpu.memory_space<vmem>> -> memref<1x64x40xf32, #tpu.memory_space<vmem>>
    %dma_start3A_71 = tpu.memref_squeeze %dma_start3A_70 : memref<1x64x40xf32, #tpu.memory_space<vmem>> -> memref<64x40xf32, #tpu.memory_space<vmem>>
    %dma_start3A_72 = arith.constant 0 : i32
    %dma_start3A_73 = arith.constant 0 : i32
    %dma_start3A_74 = tpu.memref_slice %arg3[%arg0, %dma_start3A_72, %dma_start3A_73] : memref<2x50176x40xf32, #tpu.memory_space<hbm>> -> memref<1x50176x40xf32, #tpu.memory_space<hbm>>
    %dma_start3A_75 = tpu.memref_squeeze %dma_start3A_74 : memref<1x50176x40xf32, #tpu.memory_space<hbm>> -> memref<50176x40xf32, #tpu.memory_space<hbm>>
    %dma_start3A_76 = arith.constant 0 : i32
    %dma_start3A_77 = arith.constant 0 : i32
    %dma_start3A_78 = tpu.memref_slice %dma_start3A_75[%dma_start3A_76, %dma_start3A_77] : memref<50176x40xf32, #tpu.memory_space<hbm>> -> memref<50176x40xf32, #tpu.memory_space<hbm>>
    tpu.enqueue_indirect_dma source(%dma_start3A_78 : memref<50176x40xf32, #tpu.memory_space<hbm>>) target(%dma_start3A_71 : memref<64x40xf32, #tpu.memory_space<vmem>>) offsets(%arg8 : memref<64xi32, #tpu.memory_space<vmem>>) semaphore(%arg13 : memref<!tpu.dma_semaphore, #tpu.memory_space<semaphore_mem>>)
    %scan3A_79 = arith.constant 0 : i32
    %scan3A_80 = arith.constant 0 : i32
    %scan3A_81 = arith.constant 391 : i32
    %scan3A_82 = arith.addi %scan3A_80, %scan3A_81 : i32
    %scan3A_83 = arith.constant 1 : i32
    scf.for %scan3A_92 = %scan3A_80 to %scan3A_82 step %scan3A_83  : i32 {
      %mul3A_93 = arith.constant 2 : i32
      %mul3A_94 = arith.muli %mul3A_93, %scan3A_92 : i32
      %add3A_95 = arith.constant 0 : i32
      %add3A_96 = arith.addi %mul3A_94, %add3A_95 : i32
      %mul3A_97 = arith.constant 16 : i32
      %mul3A_98 = arith.muli %add3A_96, %mul3A_97 : i32
      %add3A_99 = arith.addi %arg1, %mul3A_98 : i32
      %lt3A = arith.constant 12500 : i32
      %lt3A_100 = arith.cmpi slt, %add3A_99, %lt3A : i32
      %convert_element_type3A = arith.extui %lt3A_100 : i1 to i32
      %cond3A = arith.constant 0 : i32
      %cond3A_101 = arith.cmpi ne, %convert_element_type3A, %cond3A : i32
      scf.if %cond3A_101 {
        %dma_wait3A_114 = arith.constant 0 : i32
        %dma_wait3A_115 = arith.constant 0 : i32
        %dma_wait3A_116 = arith.constant 0 : i32
        %dma_wait3A_117 = tpu.memref_slice %arg11[%dma_wait3A_114, %dma_wait3A_115, %dma_wait3A_116] : memref<2x64x40xf32, #tpu.memory_space<vmem>> -> memref<1x64x40xf32, #tpu.memory_space<vmem>>
        %dma_wait3A_118 = tpu.memref_squeeze %dma_wait3A_117 : memref<1x64x40xf32, #tpu.memory_space<vmem>> -> memref<64x40xf32, #tpu.memory_space<vmem>>
        %dma_wait3A_119 = arith.constant 0 : i32
        %dma_wait3A_120 = arith.constant 0 : i32
        %dma_wait3A_121 = tpu.memref_slice %arg3[%arg0, %dma_wait3A_119, %dma_wait3A_120] : memref<2x50176x40xf32, #tpu.memory_space<hbm>> -> memref<1x50176x40xf32, #tpu.memory_space<hbm>>
        %dma_wait3A_122 = tpu.memref_squeeze %dma_wait3A_121 : memref<1x50176x40xf32, #tpu.memory_space<hbm>> -> memref<50176x40xf32, #tpu.memory_space<hbm>>
        %dma_wait3A_123 = arith.constant 0 : i32
        %dma_wait3A_124 = arith.constant 0 : i32
        %dma_wait3A_125 = tpu.memref_slice %dma_wait3A_122[%dma_wait3A_123, %dma_wait3A_124] : memref<50176x40xf32, #tpu.memory_space<hbm>> -> memref<50176x40xf32, #tpu.memory_space<hbm>>
        tpu.wait_indirect_dma semaphore(%arg12 : memref<!tpu.dma_semaphore, #tpu.memory_space<semaphore_mem>>) src(%dma_wait3A_125 : memref<50176x40xf32, #tpu.memory_space<hbm>>) dst(%dma_wait3A_118 : memref<64x40xf32, #tpu.memory_space<vmem>>)
        %mul3A_126 = arith.constant 16 : i32
        %mul3A_127 = arith.muli %add3A_96, %mul3A_126 : i32
        %add3A_128 = arith.addi %arg1, %mul3A_127 : i32
        %mul3A_129 = arith.constant 64 : i32
        %mul3A_130 = arith.muli %add3A_128, %mul3A_129 : i32
        %dma_wait3A_131 = arith.constant 1 : i32
        %dma_wait3A_132 = tpu.memref_slice %arg2[%dma_wait3A_131, %mul3A_130] : memref<2x800000xi32, #tpu.memory_space<hbm>> -> memref<1x64xi32, #tpu.memory_space<hbm>>
        %dma_wait3A_133 = tpu.memref_squeeze %dma_wait3A_132 : memref<1x64xi32, #tpu.memory_space<hbm>> -> memref<64xi32, #tpu.memory_space<hbm>>
        %dma_wait3A_134 = tpu.memref_slice %arg2[%dma_wait3A_131, %mul3A_130] : memref<2x800000xi32, #tpu.memory_space<hbm>> -> memref<1x64xi32, #tpu.memory_space<hbm>>
        %dma_wait3A_135 = tpu.memref_squeeze %dma_wait3A_134 : memref<1x64xi32, #tpu.memory_space<hbm>> -> memref<64xi32, #tpu.memory_space<hbm>>
        tpu.wait_dma2 semaphore(%arg16 : memref<!tpu.dma_semaphore, #tpu.memory_space<semaphore_mem>>) src(%dma_wait3A_135 : memref<64xi32, #tpu.memory_space<hbm>>) dst(%arg9 : memref<64xi32, #tpu.memory_space<vmem>>)
        %run_scoped3A = arith.constant 0 : i32
        "tpu.region"() ({
          %run_scoped3A_146 = tpu.sem_alloc : memref<!tpu.dma_semaphore, #tpu.memory_space<semaphore_mem>>
          %dma_start3A_147 = arith.constant 0 : i32
          %dma_start3A_148 = arith.constant 0 : i32
          %dma_start3A_149 = tpu.memref_slice %arg11[%run_scoped3A, %dma_start3A_147, %dma_start3A_148] : memref<2x64x40xf32, #tpu.memory_space<vmem>> -> memref<1x64x40xf32, #tpu.memory_space<vmem>>
          %dma_start3A_150 = tpu.memref_squeeze %dma_start3A_149 : memref<1x64x40xf32, #tpu.memory_space<vmem>> -> memref<64x40xf32, #tpu.memory_space<vmem>>
          %dma_start3A_151 = arith.constant 0 : i32
          %dma_start3A_152 = arith.constant 0 : i32
          %dma_start3A_153 = tpu.memref_slice %arg6[%dma_start3A_151, %dma_start3A_152] : memref<50176x40xf32, #tpu.memory_space<vmem_shared>> -> memref<50176x40xf32, #tpu.memory_space<vmem_shared>>
          tpu.enqueue_indirect_dma source(%dma_start3A_150 : memref<64x40xf32, #tpu.memory_space<vmem>>) target(%dma_start3A_153 : memref<50176x40xf32, #tpu.memory_space<vmem_shared>>) offsets(%arg9 : memref<64xi32, #tpu.memory_space<vmem>>) semaphore(%run_scoped3A_146 : memref<!tpu.dma_semaphore, #tpu.memory_space<semaphore_mem>>) {add = true}
          %dma_wait3A_154 = arith.constant 0 : i32
          %dma_wait3A_155 = arith.constant 0 : i32
          %dma_wait3A_156 = tpu.memref_slice %arg11[%run_scoped3A, %dma_wait3A_154, %dma_wait3A_155] : memref<2x64x40xf32, #tpu.memory_space<vmem>> -> memref<1x64x40xf32, #tpu.memory_space<vmem>>
          %dma_wait3A_157 = tpu.memref_squeeze %dma_wait3A_156 : memref<1x64x40xf32, #tpu.memory_space<vmem>> -> memref<64x40xf32, #tpu.memory_space<vmem>>
          %dma_wait3A_158 = arith.constant 0 : i32
          %dma_wait3A_159 = arith.constant 0 : i32
          %dma_wait3A_160 = tpu.memref_slice %arg6[%dma_wait3A_158, %dma_wait3A_159] : memref<50176x40xf32, #tpu.memory_space<vmem_shared>> -> memref<50176x40xf32, #tpu.memory_space<vmem_shared>>
          tpu.wait_indirect_dma semaphore(%run_scoped3A_146 : memref<!tpu.dma_semaphore, #tpu.memory_space<semaphore_mem>>) src(%dma_wait3A_157 : memref<64x40xf32, #tpu.memory_space<vmem>>) dst(%dma_wait3A_160 : memref<50176x40xf32, #tpu.memory_space<vmem_shared>>)
          tpu.yield
        }) : () -> ()
        %add3A_136 = arith.constant 2 : i32
        %add3A_137 = arith.addi %add3A_96, %add3A_136 : i32
        %mul3A_138 = arith.constant 16 : i32
        %mul3A_139 = arith.muli %add3A_137, %mul3A_138 : i32
        %add3A_140 = arith.addi %arg1, %mul3A_139 : i32
        %lt3A_141 = arith.constant 12500 : i32
        %lt3A_142 = arith.cmpi slt, %add3A_140, %lt3A_141 : i32
        %convert_element_type3A_143 = arith.extui %lt3A_142 : i1 to i32
        %cond3A_144 = arith.constant 0 : i32
        %cond3A_145 = arith.cmpi ne, %convert_element_type3A_143, %cond3A_144 : i32
        scf.if %cond3A_145 {
          %add3A_146 = arith.constant 2 : i32
          %add3A_147 = arith.addi %add3A_96, %add3A_146 : i32
          %mul3A_148 = arith.constant 16 : i32
          %mul3A_149 = arith.muli %add3A_147, %mul3A_148 : i32
          %add3A_150 = arith.addi %arg1, %mul3A_149 : i32
          %mul3A_151 = arith.constant 64 : i32
          %mul3A_152 = arith.muli %add3A_150, %mul3A_151 : i32
          %dma_start3A_153 = arith.constant 1 : i32
          %dma_start3A_154 = tpu.memref_slice %arg2[%dma_start3A_153, %mul3A_152] : memref<2x800000xi32, #tpu.memory_space<hbm>> -> memref<1x64xi32, #tpu.memory_space<hbm>>
          %dma_start3A_155 = tpu.memref_squeeze %dma_start3A_154 : memref<1x64xi32, #tpu.memory_space<hbm>> -> memref<64xi32, #tpu.memory_space<hbm>>
          %dma_start3A_156 = tpu.memref_slice %arg2[%dma_start3A_153, %mul3A_152] : memref<2x800000xi32, #tpu.memory_space<hbm>> -> memref<1x64xi32, #tpu.memory_space<hbm>>
          %dma_start3A_157 = tpu.memref_squeeze %dma_start3A_156 : memref<1x64xi32, #tpu.memory_space<hbm>> -> memref<64xi32, #tpu.memory_space<hbm>>
          tpu.enqueue_dma source(%dma_start3A_157 : memref<64xi32, #tpu.memory_space<hbm>>) target(%arg9 : memref<64xi32, #tpu.memory_space<vmem>>) target_semaphore(%arg16 : memref<!tpu.dma_semaphore, #tpu.memory_space<semaphore_mem>>)
          %add3A_158 = arith.constant 2 : i32
          %add3A_159 = arith.addi %add3A_96, %add3A_158 : i32
          %mul3A_160 = arith.constant 16 : i32
          %mul3A_161 = arith.muli %add3A_159, %mul3A_160 : i32
          %add3A_162 = arith.addi %arg1, %mul3A_161 : i32
          %mul3A_163 = arith.constant 64 : i32
          %mul3A_164 = arith.muli %add3A_162, %mul3A_163 : i32
          %dma_start3A_165 = arith.constant 0 : i32
          %dma_start3A_166 = tpu.memref_slice %arg2[%dma_start3A_165, %mul3A_164] : memref<2x800000xi32, #tpu.memory_space<hbm>> -> memref<1x64xi32, #tpu.memory_space<hbm>>
          %dma_start3A_167 = tpu.memref_squeeze %dma_start3A_166 : memref<1x64xi32, #tpu.memory_space<hbm>> -> memref<64xi32, #tpu.memory_space<hbm>>
          %dma_start3A_168 = tpu.memref_slice %arg2[%dma_start3A_165, %mul3A_164] : memref<2x800000xi32, #tpu.memory_space<hbm>> -> memref<1x64xi32, #tpu.memory_space<hbm>>
          %dma_start3A_169 = tpu.memref_squeeze %dma_start3A_168 : memref<1x64xi32, #tpu.memory_space<hbm>> -> memref<64xi32, #tpu.memory_space<hbm>>
          tpu.enqueue_dma source(%dma_start3A_169 : memref<64xi32, #tpu.memory_space<hbm>>) target(%arg7 : memref<64xi32, #tpu.memory_space<vmem>>) target_semaphore(%arg14 : memref<!tpu.dma_semaphore, #tpu.memory_space<semaphore_mem>>)
          %add3A_170 = arith.constant 2 : i32
          %add3A_171 = arith.addi %add3A_96, %add3A_170 : i32
          %mul3A_172 = arith.constant 16 : i32
          %mul3A_173 = arith.muli %add3A_171, %mul3A_172 : i32
          %add3A_174 = arith.addi %arg1, %mul3A_173 : i32
          %mul3A_175 = arith.constant 64 : i32
          %mul3A_176 = arith.muli %add3A_174, %mul3A_175 : i32
          %dma_wait3A_177 = arith.constant 0 : i32
          %dma_wait3A_178 = tpu.memref_slice %arg2[%dma_wait3A_177, %mul3A_176] : memref<2x800000xi32, #tpu.memory_space<hbm>> -> memref<1x64xi32, #tpu.memory_space<hbm>>
          %dma_wait3A_179 = tpu.memref_squeeze %dma_wait3A_178 : memref<1x64xi32, #tpu.memory_space<hbm>> -> memref<64xi32, #tpu.memory_space<hbm>>
          %dma_wait3A_180 = tpu.memref_slice %arg2[%dma_wait3A_177, %mul3A_176] : memref<2x800000xi32, #tpu.memory_space<hbm>> -> memref<1x64xi32, #tpu.memory_space<hbm>>
          %dma_wait3A_181 = tpu.memref_squeeze %dma_wait3A_180 : memref<1x64xi32, #tpu.memory_space<hbm>> -> memref<64xi32, #tpu.memory_space<hbm>>
          tpu.wait_dma2 semaphore(%arg14 : memref<!tpu.dma_semaphore, #tpu.memory_space<semaphore_mem>>) src(%dma_wait3A_181 : memref<64xi32, #tpu.memory_space<hbm>>) dst(%arg7 : memref<64xi32, #tpu.memory_space<vmem>>)
          %dma_start3A_182 = arith.constant 0 : i32
          %dma_start3A_183 = arith.constant 0 : i32
          %dma_start3A_184 = arith.constant 0 : i32
          %dma_start3A_185 = tpu.memref_slice %arg11[%dma_start3A_182, %dma_start3A_183, %dma_start3A_184] : memref<2x64x40xf32, #tpu.memory_space<vmem>> -> memref<1x64x40xf32, #tpu.memory_space<vmem>>
          %dma_start3A_186 = tpu.memref_squeeze %dma_start3A_185 : memref<1x64x40xf32, #tpu.memory_space<vmem>> -> memref<64x40xf32, #tpu.memory_space<vmem>>
          %dma_start3A_187 = arith.constant 0 : i32
          %dma_start3A_188 = arith.constant 0 : i32
          %dma_start3A_189 = tpu.memref_slice %arg3[%arg0, %dma_start3A_187, %dma_start3A_188] : memref<2x50176x40xf32, #tpu.memory_space<hbm>> -> memref<1x50176x40xf32, #tpu.memory_space<hbm>>
          %dma_start3A_190 = tpu.memref_squeeze %dma_start3A_189 : memref<1x50176x40xf32, #tpu.memory_space<hbm>> -> memref<50176x40xf32, #tpu.memory_space<hbm>>
          %dma_start3A_191 = arith.constant 0 : i32
          %dma_start3A_192 = arith.constant 0 : i32
          %dma_start3A_193 = tpu.memref_slice %dma_start3A_190[%dma_start3A_191, %dma_start3A_192] : memref<50176x40xf32, #tpu.memory_space<hbm>> -> memref<50176x40xf32, #tpu.memory_space<hbm>>
          tpu.enqueue_indirect_dma source(%dma_start3A_193 : memref<50176x40xf32, #tpu.memory_space<hbm>>) target(%dma_start3A_186 : memref<64x40xf32, #tpu.memory_space<vmem>>) offsets(%arg7 : memref<64xi32, #tpu.memory_space<vmem>>) semaphore(%arg12 : memref<!tpu.dma_semaphore, #tpu.memory_space<semaphore_mem>>)
        } else {
        }
      } else {
      }
      %mul3A_102 = arith.constant 2 : i32
      %mul3A_103 = arith.muli %mul3A_102, %scan3A_92 : i32
      %add3A_104 = arith.constant 1 : i32
      %add3A_105 = arith.addi %mul3A_103, %add3A_104 : i32
      %mul3A_106 = arith.constant 16 : i32
      %mul3A_107 = arith.muli %add3A_105, %mul3A_106 : i32
      %add3A_108 = arith.addi %arg1, %mul3A_107 : i32
      %lt3A_109 = arith.constant 12500 : i32
      %lt3A_110 = arith.cmpi slt, %add3A_108, %lt3A_109 : i32
      %convert_element_type3A_111 = arith.extui %lt3A_110 : i1 to i32
      %cond3A_112 = arith.constant 0 : i32
      %cond3A_113 = arith.cmpi ne, %convert_element_type3A_111, %cond3A_112 : i32
      scf.if %cond3A_113 {
        %dma_wait3A_114 = arith.constant 1 : i32
        %dma_wait3A_115 = arith.constant 0 : i32
        %dma_wait3A_116 = arith.constant 0 : i32
        %dma_wait3A_117 = tpu.memref_slice %arg11[%dma_wait3A_114, %dma_wait3A_115, %dma_wait3A_116] : memref<2x64x40xf32, #tpu.memory_space<vmem>> -> memref<1x64x40xf32, #tpu.memory_space<vmem>>
        %dma_wait3A_118 = tpu.memref_squeeze %dma_wait3A_117 : memref<1x64x40xf32, #tpu.memory_space<vmem>> -> memref<64x40xf32, #tpu.memory_space<vmem>>
        %dma_wait3A_119 = arith.constant 0 : i32
        %dma_wait3A_120 = arith.constant 0 : i32
        %dma_wait3A_121 = tpu.memref_slice %arg3[%arg0, %dma_wait3A_119, %dma_wait3A_120] : memref<2x50176x40xf32, #tpu.memory_space<hbm>> -> memref<1x50176x40xf32, #tpu.memory_space<hbm>>
        %dma_wait3A_122 = tpu.memref_squeeze %dma_wait3A_121 : memref<1x50176x40xf32, #tpu.memory_space<hbm>> -> memref<50176x40xf32, #tpu.memory_space<hbm>>
        %dma_wait3A_123 = arith.constant 0 : i32
        %dma_wait3A_124 = arith.constant 0 : i32
        %dma_wait3A_125 = tpu.memref_slice %dma_wait3A_122[%dma_wait3A_123, %dma_wait3A_124] : memref<50176x40xf32, #tpu.memory_space<hbm>> -> memref<50176x40xf32, #tpu.memory_space<hbm>>
        tpu.wait_indirect_dma semaphore(%arg13 : memref<!tpu.dma_semaphore, #tpu.memory_space<semaphore_mem>>) src(%dma_wait3A_125 : memref<50176x40xf32, #tpu.memory_space<hbm>>) dst(%dma_wait3A_118 : memref<64x40xf32, #tpu.memory_space<vmem>>)
        %mul3A_126 = arith.constant 16 : i32
        %mul3A_127 = arith.muli %add3A_105, %mul3A_126 : i32
        %add3A_128 = arith.addi %arg1, %mul3A_127 : i32
        %mul3A_129 = arith.constant 64 : i32
        %mul3A_130 = arith.muli %add3A_128, %mul3A_129 : i32
        %dma_wait3A_131 = arith.constant 1 : i32
        %dma_wait3A_132 = tpu.memref_slice %arg2[%dma_wait3A_131, %mul3A_130] : memref<2x800000xi32, #tpu.memory_space<hbm>> -> memref<1x64xi32, #tpu.memory_space<hbm>>
        %dma_wait3A_133 = tpu.memref_squeeze %dma_wait3A_132 : memref<1x64xi32, #tpu.memory_space<hbm>> -> memref<64xi32, #tpu.memory_space<hbm>>
        %dma_wait3A_134 = tpu.memref_slice %arg2[%dma_wait3A_131, %mul3A_130] : memref<2x800000xi32, #tpu.memory_space<hbm>> -> memref<1x64xi32, #tpu.memory_space<hbm>>
        %dma_wait3A_135 = tpu.memref_squeeze %dma_wait3A_134 : memref<1x64xi32, #tpu.memory_space<hbm>> -> memref<64xi32, #tpu.memory_space<hbm>>
        tpu.wait_dma2 semaphore(%arg17 : memref<!tpu.dma_semaphore, #tpu.memory_space<semaphore_mem>>) src(%dma_wait3A_135 : memref<64xi32, #tpu.memory_space<hbm>>) dst(%arg10 : memref<64xi32, #tpu.memory_space<vmem>>)
        %run_scoped3A = arith.constant 1 : i32
        "tpu.region"() ({
          %run_scoped3A_146 = tpu.sem_alloc : memref<!tpu.dma_semaphore, #tpu.memory_space<semaphore_mem>>
          %dma_start3A_147 = arith.constant 0 : i32
          %dma_start3A_148 = arith.constant 0 : i32
          %dma_start3A_149 = tpu.memref_slice %arg11[%run_scoped3A, %dma_start3A_147, %dma_start3A_148] : memref<2x64x40xf32, #tpu.memory_space<vmem>> -> memref<1x64x40xf32, #tpu.memory_space<vmem>>
          %dma_start3A_150 = tpu.memref_squeeze %dma_start3A_149 : memref<1x64x40xf32, #tpu.memory_space<vmem>> -> memref<64x40xf32, #tpu.memory_space<vmem>>
          %dma_start3A_151 = arith.constant 0 : i32
          %dma_start3A_152 = arith.constant 0 : i32
          %dma_start3A_153 = tpu.memref_slice %arg6[%dma_start3A_151, %dma_start3A_152] : memref<50176x40xf32, #tpu.memory_space<vmem_shared>> -> memref<50176x40xf32, #tpu.memory_space<vmem_shared>>
          tpu.enqueue_indirect_dma source(%dma_start3A_150 : memref<64x40xf32, #tpu.memory_space<vmem>>) target(%dma_start3A_153 : memref<50176x40xf32, #tpu.memory_space<vmem_shared>>) offsets(%arg10 : memref<64xi32, #tpu.memory_space<vmem>>) semaphore(%run_scoped3A_146 : memref<!tpu.dma_semaphore, #tpu.memory_space<semaphore_mem>>) {add = true}
          %dma_wait3A_154 = arith.constant 0 : i32
          %dma_wait3A_155 = arith.constant 0 : i32
          %dma_wait3A_156 = tpu.memref_slice %arg11[%run_scoped3A, %dma_wait3A_154, %dma_wait3A_155] : memref<2x64x40xf32, #tpu.memory_space<vmem>> -> memref<1x64x40xf32, #tpu.memory_space<vmem>>
          %dma_wait3A_157 = tpu.memref_squeeze %dma_wait3A_156 : memref<1x64x40xf32, #tpu.memory_space<vmem>> -> memref<64x40xf32, #tpu.memory_space<vmem>>
          %dma_wait3A_158 = arith.constant 0 : i32
          %dma_wait3A_159 = arith.constant 0 : i32
          %dma_wait3A_160 = tpu.memref_slice %arg6[%dma_wait3A_158, %dma_wait3A_159] : memref<50176x40xf32, #tpu.memory_space<vmem_shared>> -> memref<50176x40xf32, #tpu.memory_space<vmem_shared>>
          tpu.wait_indirect_dma semaphore(%run_scoped3A_146 : memref<!tpu.dma_semaphore, #tpu.memory_space<semaphore_mem>>) src(%dma_wait3A_157 : memref<64x40xf32, #tpu.memory_space<vmem>>) dst(%dma_wait3A_160 : memref<50176x40xf32, #tpu.memory_space<vmem_shared>>)
          tpu.yield
        }) : () -> ()
        %add3A_136 = arith.constant 2 : i32
        %add3A_137 = arith.addi %add3A_105, %add3A_136 : i32
        %mul3A_138 = arith.constant 16 : i32
        %mul3A_139 = arith.muli %add3A_137, %mul3A_138 : i32
        %add3A_140 = arith.addi %arg1, %mul3A_139 : i32
        %lt3A_141 = arith.constant 12500 : i32
        %lt3A_142 = arith.cmpi slt, %add3A_140, %lt3A_141 : i32
        %convert_element_type3A_143 = arith.extui %lt3A_142 : i1 to i32
        %cond3A_144 = arith.constant 0 : i32
        %cond3A_145 = arith.cmpi ne, %convert_element_type3A_143, %cond3A_144 : i32
        scf.if %cond3A_145 {
          %add3A_146 = arith.constant 2 : i32
          %add3A_147 = arith.addi %add3A_105, %add3A_146 : i32
          %mul3A_148 = arith.constant 16 : i32
          %mul3A_149 = arith.muli %add3A_147, %mul3A_148 : i32
          %add3A_150 = arith.addi %arg1, %mul3A_149 : i32
          %mul3A_151 = arith.constant 64 : i32
          %mul3A_152 = arith.muli %add3A_150, %mul3A_151 : i32
          %dma_start3A_153 = arith.constant 1 : i32
          %dma_start3A_154 = tpu.memref_slice %arg2[%dma_start3A_153, %mul3A_152] : memref<2x800000xi32, #tpu.memory_space<hbm>> -> memref<1x64xi32, #tpu.memory_space<hbm>>
          %dma_start3A_155 = tpu.memref_squeeze %dma_start3A_154 : memref<1x64xi32, #tpu.memory_space<hbm>> -> memref<64xi32, #tpu.memory_space<hbm>>
          %dma_start3A_156 = tpu.memref_slice %arg2[%dma_start3A_153, %mul3A_152] : memref<2x800000xi32, #tpu.memory_space<hbm>> -> memref<1x64xi32, #tpu.memory_space<hbm>>
          %dma_start3A_157 = tpu.memref_squeeze %dma_start3A_156 : memref<1x64xi32, #tpu.memory_space<hbm>> -> memref<64xi32, #tpu.memory_space<hbm>>
          tpu.enqueue_dma source(%dma_start3A_157 : memref<64xi32, #tpu.memory_space<hbm>>) target(%arg10 : memref<64xi32, #tpu.memory_space<vmem>>) target_semaphore(%arg17 : memref<!tpu.dma_semaphore, #tpu.memory_space<semaphore_mem>>)
          %add3A_158 = arith.constant 2 : i32
          %add3A_159 = arith.addi %add3A_105, %add3A_158 : i32
          %mul3A_160 = arith.constant 16 : i32
          %mul3A_161 = arith.muli %add3A_159, %mul3A_160 : i32
          %add3A_162 = arith.addi %arg1, %mul3A_161 : i32
          %mul3A_163 = arith.constant 64 : i32
          %mul3A_164 = arith.muli %add3A_162, %mul3A_163 : i32
          %dma_start3A_165 = arith.constant 0 : i32
          %dma_start3A_166 = tpu.memref_slice %arg2[%dma_start3A_165, %mul3A_164] : memref<2x800000xi32, #tpu.memory_space<hbm>> -> memref<1x64xi32, #tpu.memory_space<hbm>>
          %dma_start3A_167 = tpu.memref_squeeze %dma_start3A_166 : memref<1x64xi32, #tpu.memory_space<hbm>> -> memref<64xi32, #tpu.memory_space<hbm>>
          %dma_start3A_168 = tpu.memref_slice %arg2[%dma_start3A_165, %mul3A_164] : memref<2x800000xi32, #tpu.memory_space<hbm>> -> memref<1x64xi32, #tpu.memory_space<hbm>>
          %dma_start3A_169 = tpu.memref_squeeze %dma_start3A_168 : memref<1x64xi32, #tpu.memory_space<hbm>> -> memref<64xi32, #tpu.memory_space<hbm>>
          tpu.enqueue_dma source(%dma_start3A_169 : memref<64xi32, #tpu.memory_space<hbm>>) target(%arg8 : memref<64xi32, #tpu.memory_space<vmem>>) target_semaphore(%arg15 : memref<!tpu.dma_semaphore, #tpu.memory_space<semaphore_mem>>)
          %add3A_170 = arith.constant 2 : i32
          %add3A_171 = arith.addi %add3A_105, %add3A_170 : i32
          %mul3A_172 = arith.constant 16 : i32
          %mul3A_173 = arith.muli %add3A_171, %mul3A_172 : i32
          %add3A_174 = arith.addi %arg1, %mul3A_173 : i32
          %mul3A_175 = arith.constant 64 : i32
          %mul3A_176 = arith.muli %add3A_174, %mul3A_175 : i32
          %dma_wait3A_177 = arith.constant 0 : i32
          %dma_wait3A_178 = tpu.memref_slice %arg2[%dma_wait3A_177, %mul3A_176] : memref<2x800000xi32, #tpu.memory_space<hbm>> -> memref<1x64xi32, #tpu.memory_space<hbm>>
          %dma_wait3A_179 = tpu.memref_squeeze %dma_wait3A_178 : memref<1x64xi32, #tpu.memory_space<hbm>> -> memref<64xi32, #tpu.memory_space<hbm>>
          %dma_wait3A_180 = tpu.memref_slice %arg2[%dma_wait3A_177, %mul3A_176] : memref<2x800000xi32, #tpu.memory_space<hbm>> -> memref<1x64xi32, #tpu.memory_space<hbm>>
          %dma_wait3A_181 = tpu.memref_squeeze %dma_wait3A_180 : memref<1x64xi32, #tpu.memory_space<hbm>> -> memref<64xi32, #tpu.memory_space<hbm>>
          tpu.wait_dma2 semaphore(%arg15 : memref<!tpu.dma_semaphore, #tpu.memory_space<semaphore_mem>>) src(%dma_wait3A_181 : memref<64xi32, #tpu.memory_space<hbm>>) dst(%arg8 : memref<64xi32, #tpu.memory_space<vmem>>)
          %dma_start3A_182 = arith.constant 1 : i32
          %dma_start3A_183 = arith.constant 0 : i32
          %dma_start3A_184 = arith.constant 0 : i32
          %dma_start3A_185 = tpu.memref_slice %arg11[%dma_start3A_182, %dma_start3A_183, %dma_start3A_184] : memref<2x64x40xf32, #tpu.memory_space<vmem>> -> memref<1x64x40xf32, #tpu.memory_space<vmem>>
          %dma_start3A_186 = tpu.memref_squeeze %dma_start3A_185 : memref<1x64x40xf32, #tpu.memory_space<vmem>> -> memref<64x40xf32, #tpu.memory_space<vmem>>
          %dma_start3A_187 = arith.constant 0 : i32
          %dma_start3A_188 = arith.constant 0 : i32
          %dma_start3A_189 = tpu.memref_slice %arg3[%arg0, %dma_start3A_187, %dma_start3A_188] : memref<2x50176x40xf32, #tpu.memory_space<hbm>> -> memref<1x50176x40xf32, #tpu.memory_space<hbm>>
          %dma_start3A_190 = tpu.memref_squeeze %dma_start3A_189 : memref<1x50176x40xf32, #tpu.memory_space<hbm>> -> memref<50176x40xf32, #tpu.memory_space<hbm>>
          %dma_start3A_191 = arith.constant 0 : i32
          %dma_start3A_192 = arith.constant 0 : i32
          %dma_start3A_193 = tpu.memref_slice %dma_start3A_190[%dma_start3A_191, %dma_start3A_192] : memref<50176x40xf32, #tpu.memory_space<hbm>> -> memref<50176x40xf32, #tpu.memory_space<hbm>>
          tpu.enqueue_indirect_dma source(%dma_start3A_193 : memref<50176x40xf32, #tpu.memory_space<hbm>>) target(%dma_start3A_186 : memref<64x40xf32, #tpu.memory_space<vmem>>) offsets(%arg8 : memref<64xi32, #tpu.memory_space<vmem>>) semaphore(%arg13 : memref<!tpu.dma_semaphore, #tpu.memory_space<semaphore_mem>>)
        } else {
        }
      } else {
      }
    }
    %scan3A_84 = arith.constant 391 : i32
    %barrier3A_85 = arith.constant 0 : index
    tpu.barrier barrier_id(%barrier3A_85)
    %scan3A_86 = arith.constant 0 : i32
    %scan3A_87 = arith.constant 0 : i32
    %scan3A_88 = arith.constant 25 : i32
    %scan3A_89 = arith.addi %scan3A_87, %scan3A_88 : i32
    %scan3A_90 = arith.constant 1 : i32
    scf.for %scan3A_92 = %scan3A_87 to %scan3A_89 step %scan3A_90  : i32 {
      %mul3A_93 = arith.constant 16 : i32
      %mul3A_94 = arith.muli %scan3A_92, %mul3A_93 : i32
      %add3A_95 = arith.addi %arg1, %mul3A_94 : i32
      %lt3A = arith.constant 392 : i32
      %lt3A_96 = arith.cmpi slt, %add3A_95, %lt3A : i32
      %convert_element_type3A = arith.extui %lt3A_96 : i1 to i32
      %cond3A = arith.constant 0 : i32
      %cond3A_97 = arith.cmpi ne, %convert_element_type3A, %cond3A : i32
      scf.if %cond3A_97 {
        %mul3A_98 = arith.constant 128 : i32
        %mul3A_99 = arith.muli %add3A_95, %mul3A_98 : i32
        %mul3A_100 = arith.constant 128 : i32
        %mul3A_101 = arith.muli %add3A_95, %mul3A_100 : i32
        "tpu.region"() ({
          %run_scoped3A = tpu.sem_alloc : memref<!tpu.dma_semaphore, #tpu.memory_space<semaphore_mem>>
          %dma_start3A_102 = arith.constant 0 : i32
          %dma_start3A_103 = arith.constant 0 : i32
          %dma_start3A_104 = tpu.memref_slice %arg5[%arg0, %dma_start3A_102, %dma_start3A_103] : memref<2x50176x40xf32, #tpu.memory_space<hbm>> -> memref<1x50176x40xf32, #tpu.memory_space<hbm>>
          %dma_start3A_105 = tpu.memref_squeeze %dma_start3A_104 : memref<1x50176x40xf32, #tpu.memory_space<hbm>> -> memref<50176x40xf32, #tpu.memory_space<hbm>>
          %dma_start3A_106 = arith.constant 0 : i32
          %dma_start3A_107 = tpu.memref_slice %dma_start3A_105[%mul3A_101, %dma_start3A_106] : memref<50176x40xf32, #tpu.memory_space<hbm>> -> memref<128x40xf32, #tpu.memory_space<hbm>>
          %dma_start3A_108 = arith.constant 0 : i32
          %dma_start3A_109 = tpu.memref_slice %arg6[%mul3A_99, %dma_start3A_108] : memref<50176x40xf32, #tpu.memory_space<vmem_shared>> -> memref<128x40xf32, #tpu.memory_space<vmem_shared>>
          tpu.enqueue_dma source(%dma_start3A_109 : memref<128x40xf32, #tpu.memory_space<vmem_shared>>) target(%dma_start3A_107 : memref<128x40xf32, #tpu.memory_space<hbm>>) target_semaphore(%run_scoped3A : memref<!tpu.dma_semaphore, #tpu.memory_space<semaphore_mem>>)
          %dma_wait3A_110 = arith.constant 0 : i32
          %dma_wait3A_111 = arith.constant 0 : i32
          %dma_wait3A_112 = tpu.memref_slice %arg5[%arg0, %dma_wait3A_110, %dma_wait3A_111] : memref<2x50176x40xf32, #tpu.memory_space<hbm>> -> memref<1x50176x40xf32, #tpu.memory_space<hbm>>
          %dma_wait3A_113 = tpu.memref_squeeze %dma_wait3A_112 : memref<1x50176x40xf32, #tpu.memory_space<hbm>> -> memref<50176x40xf32, #tpu.memory_space<hbm>>
          %dma_wait3A_114 = arith.constant 0 : i32
          %dma_wait3A_115 = tpu.memref_slice %dma_wait3A_113[%mul3A_101, %dma_wait3A_114] : memref<50176x40xf32, #tpu.memory_space<hbm>> -> memref<128x40xf32, #tpu.memory_space<hbm>>
          %dma_wait3A_116 = arith.constant 0 : i32
          %dma_wait3A_117 = tpu.memref_slice %arg6[%mul3A_99, %dma_wait3A_116] : memref<50176x40xf32, #tpu.memory_space<vmem_shared>> -> memref<128x40xf32, #tpu.memory_space<vmem_shared>>
          tpu.wait_dma2 semaphore(%run_scoped3A : memref<!tpu.dma_semaphore, #tpu.memory_space<semaphore_mem>>) src(%dma_wait3A_117 : memref<128x40xf32, #tpu.memory_space<vmem_shared>>) dst(%dma_wait3A_115 : memref<128x40xf32, #tpu.memory_space<hbm>>)
          tpu.yield
        }) : () -> ()
      } else {
      }
    }
    %scan3A_91 = arith.constant 25 : i32
    return
  }
}

#map = affine_map<(d0, d1) -> (0, 0)>
#map1 = affine_map<(d0, d1) -> (0, 0, 0)>
module attributes {stable_mosaic.version = 14 : i64} {
  func.func @body(%arg0: i32, %arg1: i32, %arg2: memref<2x800000xi32, #tpu.memory_space<hbm>>, %arg3: memref<2x50176x40xf32, #tpu.memory_space<hbm>>, %arg4: memref<128x40xf32, #tpu.memory_space<hbm>>, %arg5: memref<2x50176x40xf32, #tpu.memory_space<hbm>>, %arg6: memref<50176x40xf32, #tpu.memory_space<vmem_shared>>, %arg7: memref<64xi32, #tpu.memory_space<vmem>>, %arg8: memref<64xi32, #tpu.memory_space<vmem>>, %arg9: memref<64xi32, #tpu.memory_space<vmem>>, %arg10: memref<64xi32, #tpu.memory_space<vmem>>, %arg11: memref<2x64x40xf32, #tpu.memory_space<vmem>>, %arg12: memref<!tpu.dma_semaphore, #tpu.memory_space<semaphore_mem>>, %arg13: memref<!tpu.dma_semaphore, #tpu.memory_space<semaphore_mem>>, %arg14: memref<!tpu.dma_semaphore, #tpu.memory_space<semaphore_mem>>, %arg15: memref<!tpu.dma_semaphore, #tpu.memory_space<semaphore_mem>>, %arg16: memref<!tpu.dma_semaphore, #tpu.memory_space<semaphore_mem>>, %arg17: memref<!tpu.dma_semaphore, #tpu.memory_space<semaphore_mem>>) attributes {dimension_semantics = [#tpu.dimension_semantics<core_parallel>, #tpu.dimension_semantics<subcore_parallel>], iteration_bounds = array<i64: 2, 16>, scalar_prefetch = 0 : i64, scratch_operands = 12 : i64, tpu.core_type = #tpu.core_type<sc_vector_subcore>, window_params = [{transform_indices = #map}, {transform_indices = #map1}, {transform_indices = #map}, {transform_indices = #map1}]} {
    %scan3A = arith.constant 0 : i32
    %scan3A_0 = arith.constant 0 : i32
    %scan3A_1 = arith.constant 25 : i32
    %scan3A_2 = arith.addi %scan3A_0, %scan3A_1 : i32
    %scan3A_3 = arith.constant 1 : i32
    scf.for %scan3A_92 = %scan3A_0 to %scan3A_2 step %scan3A_3  : i32 {
      %mul3A_93 = arith.constant 16 : i32
      %mul3A_94 = arith.muli %scan3A_92, %mul3A_93 : i32
      %add3A_95 = arith.addi %arg1, %mul3A_94 : i32
      %lt3A = arith.constant 392 : i32
      %lt3A_96 = arith.cmpi slt, %add3A_95, %lt3A : i32
      %convert_element_type3A = arith.extui %lt3A_96 : i1 to i32
      %cond3A = arith.constant 0 : i32
      %cond3A_97 = arith.cmpi ne, %convert_element_type3A, %cond3A : i32
      scf.if %cond3A_97 {
        %mul3A_98 = arith.constant 128 : i32
        %mul3A_99 = arith.muli %add3A_95, %mul3A_98 : i32
        "tpu.region"() ({
          %run_scoped3A = tpu.sem_alloc : memref<!tpu.dma_semaphore, #tpu.memory_space<semaphore_mem>>
          %dma_start3A_100 = arith.constant 0 : i32
          %dma_start3A_101 = tpu.memref_slice %arg6[%mul3A_99, %dma_start3A_100] : memref<50176x40xf32, #tpu.memory_space<vmem_shared>> -> memref<128x40xf32, #tpu.memory_space<vmem_shared>>
          tpu.enqueue_dma source(%arg4 : memref<128x40xf32, #tpu.memory_space<hbm>>) target(%dma_start3A_101 : memref<128x40xf32, #tpu.memory_space<vmem_shared>>) target_semaphore(%run_scoped3A : memref<!tpu.dma_semaphore, #tpu.memory_space<semaphore_mem>>)
          %dma_wait3A_102 = arith.constant 0 : i32
          %dma_wait3A_103 = tpu.memref_slice %arg6[%mul3A_99, %dma_wait3A_102] : memref<50176x40xf32, #tpu.memory_space<vmem_shared>> -> memref<128x40xf32, #tpu.memory_space<vmem_shared>>
          tpu.wait_dma2 semaphore(%run_scoped3A : memref<!tpu.dma_semaphore, #tpu.memory_space<semaphore_mem>>) src(%arg4 : memref<128x40xf32, #tpu.memory_space<hbm>>) dst(%dma_wait3A_103 : memref<128x40xf32, #tpu.memory_space<vmem_shared>>)
          tpu.yield
        }) : () -> ()
      } else {
      }
    }
    %scan3A_4 = arith.constant 25 : i32
    %barrier3A = arith.constant 0 : index
    tpu.barrier barrier_id(%barrier3A)
    %add3A = arith.constant 0 : i32
    %add3A_5 = arith.addi %arg1, %add3A : i32
    %mul3A = arith.constant 64 : i32
    %mul3A_6 = arith.muli %add3A_5, %mul3A : i32
    %dma_start3A = arith.constant 0 : i32
    %dma_start3A_7 = tpu.memref_slice %arg2[%dma_start3A, %mul3A_6] : memref<2x800000xi32, #tpu.memory_space<hbm>> -> memref<1x64xi32, #tpu.memory_space<hbm>>
    %dma_start3A_8 = tpu.memref_squeeze %dma_start3A_7 : memref<1x64xi32, #tpu.memory_space<hbm>> -> memref<64xi32, #tpu.memory_space<hbm>>
    %dma_start3A_9 = tpu.memref_slice %arg2[%dma_start3A, %mul3A_6] : memref<2x800000xi32, #tpu.memory_space<hbm>> -> memref<1x64xi32, #tpu.memory_space<hbm>>
    %dma_start3A_10 = tpu.memref_squeeze %dma_start3A_9 : memref<1x64xi32, #tpu.memory_space<hbm>> -> memref<64xi32, #tpu.memory_space<hbm>>
    tpu.enqueue_dma source(%dma_start3A_10 : memref<64xi32, #tpu.memory_space<hbm>>) target(%arg7 : memref<64xi32, #tpu.memory_space<vmem>>) target_semaphore(%arg14 : memref<!tpu.dma_semaphore, #tpu.memory_space<semaphore_mem>>)
    %add3A_11 = arith.constant 0 : i32
    %add3A_12 = arith.addi %arg1, %add3A_11 : i32
    %mul3A_13 = arith.constant 64 : i32
    %mul3A_14 = arith.muli %add3A_12, %mul3A_13 : i32
    %dma_start3A_15 = arith.constant 1 : i32
    %dma_start3A_16 = tpu.memref_slice %arg2[%dma_start3A_15, %mul3A_14] : memref<2x800000xi32, #tpu.memory_space<hbm>> -> memref<1x64xi32, #tpu.memory_space<hbm>>
    %dma_start3A_17 = tpu.memref_squeeze %dma_start3A_16 : memref<1x64xi32, #tpu.memory_space<hbm>> -> memref<64xi32, #tpu.memory_space<hbm>>
    %dma_start3A_18 = tpu.memref_slice %arg2[%dma_start3A_15, %mul3A_14] : memref<2x800000xi32, #tpu.memory_space<hbm>> -> memref<1x64xi32, #tpu.memory_space<hbm>>
    %dma_start3A_19 = tpu.memref_squeeze %dma_start3A_18 : memref<1x64xi32, #tpu.memory_space<hbm>> -> memref<64xi32, #tpu.memory_space<hbm>>
    tpu.enqueue_dma source(%dma_start3A_19 : memref<64xi32, #tpu.memory_space<hbm>>) target(%arg9 : memref<64xi32, #tpu.memory_space<vmem>>) target_semaphore(%arg16 : memref<!tpu.dma_semaphore, #tpu.memory_space<semaphore_mem>>)
    %add3A_20 = arith.constant 16 : i32
    %add3A_21 = arith.addi %arg1, %add3A_20 : i32
    %mul3A_22 = arith.constant 64 : i32
    %mul3A_23 = arith.muli %add3A_21, %mul3A_22 : i32
    %dma_start3A_24 = arith.constant 0 : i32
    %dma_start3A_25 = tpu.memref_slice %arg2[%dma_start3A_24, %mul3A_23] : memref<2x800000xi32, #tpu.memory_space<hbm>> -> memref<1x64xi32, #tpu.memory_space<hbm>>
    %dma_start3A_26 = tpu.memref_squeeze %dma_start3A_25 : memref<1x64xi32, #tpu.memory_space<hbm>> -> memref<64xi32, #tpu.memory_space<hbm>>
    %dma_start3A_27 = tpu.memref_slice %arg2[%dma_start3A_24, %mul3A_23] : memref<2x800000xi32, #tpu.memory_space<hbm>> -> memref<1x64xi32, #tpu.memory_space<hbm>>
    %dma_start3A_28 = tpu.memref_squeeze %dma_start3A_27 : memref<1x64xi32, #tpu.memory_space<hbm>> -> memref<64xi32, #tpu.memory_space<hbm>>
    tpu.enqueue_dma source(%dma_start3A_28 : memref<64xi32, #tpu.memory_space<hbm>>) target(%arg8 : memref<64xi32, #tpu.memory_space<vmem>>) target_semaphore(%arg15 : memref<!tpu.dma_semaphore, #tpu.memory_space<semaphore_mem>>)
    %add3A_29 = arith.constant 16 : i32
    %add3A_30 = arith.addi %arg1, %add3A_29 : i32
    %mul3A_31 = arith.constant 64 : i32
    %mul3A_32 = arith.muli %add3A_30, %mul3A_31 : i32
    %dma_start3A_33 = arith.constant 1 : i32
    %dma_start3A_34 = tpu.memref_slice %arg2[%dma_start3A_33, %mul3A_32] : memref<2x800000xi32, #tpu.memory_space<hbm>> -> memref<1x64xi32, #tpu.memory_space<hbm>>
    %dma_start3A_35 = tpu.memref_squeeze %dma_start3A_34 : memref<1x64xi32, #tpu.memory_space<hbm>> -> memref<64xi32, #tpu.memory_space<hbm>>
    %dma_start3A_36 = tpu.memref_slice %arg2[%dma_start3A_33, %mul3A_32] : memref<2x800000xi32, #tpu.memory_space<hbm>> -> memref<1x64xi32, #tpu.memory_space<hbm>>
    %dma_start3A_37 = tpu.memref_squeeze %dma_start3A_36 : memref<1x64xi32, #tpu.memory_space<hbm>> -> memref<64xi32, #tpu.memory_space<hbm>>
    tpu.enqueue_dma source(%dma_start3A_37 : memref<64xi32, #tpu.memory_space<hbm>>) target(%arg10 : memref<64xi32, #tpu.memory_space<vmem>>) target_semaphore(%arg17 : memref<!tpu.dma_semaphore, #tpu.memory_space<semaphore_mem>>)
    %add3A_38 = arith.constant 0 : i32
    %add3A_39 = arith.addi %arg1, %add3A_38 : i32
    %mul3A_40 = arith.constant 64 : i32
    %mul3A_41 = arith.muli %add3A_39, %mul3A_40 : i32
    %dma_wait3A = arith.constant 0 : i32
    %dma_wait3A_42 = tpu.memref_slice %arg2[%dma_wait3A, %mul3A_41] : memref<2x800000xi32, #tpu.memory_space<hbm>> -> memref<1x64xi32, #tpu.memory_space<hbm>>
    %dma_wait3A_43 = tpu.memref_squeeze %dma_wait3A_42 : memref<1x64xi32, #tpu.memory_space<hbm>> -> memref<64xi32, #tpu.memory_space<hbm>>
    %dma_wait3A_44 = tpu.memref_slice %arg2[%dma_wait3A, %mul3A_41] : memref<2x800000xi32, #tpu.memory_space<hbm>> -> memref<1x64xi32, #tpu.memory_space<hbm>>
    %dma_wait3A_45 = tpu.memref_squeeze %dma_wait3A_44 : memref<1x64xi32, #tpu.memory_space<hbm>> -> memref<64xi32, #tpu.memory_space<hbm>>
    tpu.wait_dma2 semaphore(%arg14 : memref<!tpu.dma_semaphore, #tpu.memory_space<semaphore_mem>>) src(%dma_wait3A_45 : memref<64xi32, #tpu.memory_space<hbm>>) dst(%arg7 : memref<64xi32, #tpu.memory_space<vmem>>)
    %dma_start3A_46 = arith.constant 0 : i32
    %dma_start3A_47 = arith.constant 0 : i32
    %dma_start3A_48 = arith.constant 0 : i32
    %dma_start3A_49 = tpu.memref_slice %arg11[%dma_start3A_46, %dma_start3A_47, %dma_start3A_48] : memref<2x64x40xf32, #tpu.memory_space<vmem>> -> memref<1x64x40xf32, #tpu.memory_space<vmem>>
    %dma_start3A_50 = tpu.memref_squeeze %dma_start3A_49 : memref<1x64x40xf32, #tpu.memory_space<vmem>> -> memref<64x40xf32, #tpu.memory_space<vmem>>
    %dma_start3A_51 = arith.constant 0 : i32
    %dma_start3A_52 = arith.constant 0 : i32
    %dma_start3A_53 = tpu.memref_slice %arg3[%arg0, %dma_start3A_51, %dma_start3A_52] : memref<2x50176x40xf32, #tpu.memory_space<hbm>> -> memref<1x50176x40xf32, #tpu.memory_space<hbm>>
    %dma_start3A_54 = tpu.memref_squeeze %dma_start3A_53 : memref<1x50176x40xf32, #tpu.memory_space<hbm>> -> memref<50176x40xf32, #tpu.memory_space<hbm>>
    %dma_start3A_55 = arith.constant 0 : i32
    %dma_start3A_56 = arith.constant 0 : i32
    %dma_start3A_57 = tpu.memref_slice %dma_start3A_54[%dma_start3A_55, %dma_start3A_56] : memref<50176x40xf32, #tpu.memory_space<hbm>> -> memref<50176x40xf32, #tpu.memory_space<hbm>>
    tpu.enqueue_indirect_dma source(%dma_start3A_57 : memref<50176x40xf32, #tpu.memory_space<hbm>>) target(%dma_start3A_50 : memref<64x40xf32, #tpu.memory_space<vmem>>) offsets(%arg7 : memref<64xi32, #tpu.memory_space<vmem>>) semaphore(%arg12 : memref<!tpu.dma_semaphore, #tpu.memory_space<semaphore_mem>>)
    %add3A_58 = arith.constant 16 : i32
    %add3A_59 = arith.addi %arg1, %add3A_58 : i32
    %mul3A_60 = arith.constant 64 : i32
    %mul3A_61 = arith.muli %add3A_59, %mul3A_60 : i32
    %dma_wait3A_62 = arith.constant 0 : i32
    %dma_wait3A_63 = tpu.memref_slice %arg2[%dma_wait3A_62, %mul3A_61] : memref<2x800000xi32, #tpu.memory_space<hbm>> -> memref<1x64xi32, #tpu.memory_space<hbm>>
    %dma_wait3A_64 = tpu.memref_squeeze %dma_wait3A_63 : memref<1x64xi32, #tpu.memory_space<hbm>> -> memref<64xi32, #tpu.memory_space<hbm>>
    %dma_wait3A_65 = tpu.memref_slice %arg2[%dma_wait3A_62, %mul3A_61] : memref<2x800000xi32, #tpu.memory_space<hbm>> -> memref<1x64xi32, #tpu.memory_space<hbm>>
    %dma_wait3A_66 = tpu.memref_squeeze %dma_wait3A_65 : memref<1x64xi32, #tpu.memory_space<hbm>> -> memref<64xi32, #tpu.memory_space<hbm>>
    tpu.wait_dma2 semaphore(%arg15 : memref<!tpu.dma_semaphore, #tpu.memory_space<semaphore_mem>>) src(%dma_wait3A_66 : memref<64xi32, #tpu.memory_space<hbm>>) dst(%arg8 : memref<64xi32, #tpu.memory_space<vmem>>)
    %dma_start3A_67 = arith.constant 1 : i32
    %dma_start3A_68 = arith.constant 0 : i32
    %dma_start3A_69 = arith.constant 0 : i32
    %dma_start3A_70 = tpu.memref_slice %arg11[%dma_start3A_67, %dma_start3A_68, %dma_start3A_69] : memref<2x64x40xf32, #tpu.memory_space<vmem>> -> memref<1x64x40xf32, #tpu.memory_space<vmem>>
    %dma_start3A_71 = tpu.memref_squeeze %dma_start3A_70 : memref<1x64x40xf32, #tpu.memory_space<vmem>> -> memref<64x40xf32, #tpu.memory_space<vmem>>
    %dma_start3A_72 = arith.constant 0 : i32
    %dma_start3A_73 = arith.constant 0 : i32
    %dma_start3A_74 = tpu.memref_slice %arg3[%arg0, %dma_start3A_72, %dma_start3A_73] : memref<2x50176x40xf32, #tpu.memory_space<hbm>> -> memref<1x50176x40xf32, #tpu.memory_space<hbm>>
    %dma_start3A_75 = tpu.memref_squeeze %dma_start3A_74 : memref<1x50176x40xf32, #tpu.memory_space<hbm>> -> memref<50176x40xf32, #tpu.memory_space<hbm>>
    %dma_start3A_76 = arith.constant 0 : i32
    %dma_start3A_77 = arith.constant 0 : i32
    %dma_start3A_78 = tpu.memref_slice %dma_start3A_75[%dma_start3A_76, %dma_start3A_77] : memref<50176x40xf32, #tpu.memory_space<hbm>> -> memref<50176x40xf32, #tpu.memory_space<hbm>>
    tpu.enqueue_indirect_dma source(%dma_start3A_78 : memref<50176x40xf32, #tpu.memory_space<hbm>>) target(%dma_start3A_71 : memref<64x40xf32, #tpu.memory_space<vmem>>) offsets(%arg8 : memref<64xi32, #tpu.memory_space<vmem>>) semaphore(%arg13 : memref<!tpu.dma_semaphore, #tpu.memory_space<semaphore_mem>>)
    %scan3A_79 = arith.constant 0 : i32
    %scan3A_80 = arith.constant 0 : i32
    %scan3A_81 = arith.constant 391 : i32
    %scan3A_82 = arith.addi %scan3A_80, %scan3A_81 : i32
    %scan3A_83 = arith.constant 1 : i32
    scf.for %scan3A_92 = %scan3A_80 to %scan3A_82 step %scan3A_83  : i32 {
      %mul3A_93 = arith.constant 2 : i32
      %mul3A_94 = arith.muli %mul3A_93, %scan3A_92 : i32
      %add3A_95 = arith.constant 0 : i32
      %add3A_96 = arith.addi %mul3A_94, %add3A_95 : i32
      %mul3A_97 = arith.constant 16 : i32
      %mul3A_98 = arith.muli %add3A_96, %mul3A_97 : i32
      %add3A_99 = arith.addi %arg1, %mul3A_98 : i32
      %lt3A = arith.constant 12500 : i32
      %lt3A_100 = arith.cmpi slt, %add3A_99, %lt3A : i32
      %convert_element_type3A = arith.extui %lt3A_100 : i1 to i32
      %cond3A = arith.constant 0 : i32
      %cond3A_101 = arith.cmpi ne, %convert_element_type3A, %cond3A : i32
      scf.if %cond3A_101 {
        %dma_wait3A_114 = arith.constant 0 : i32
        %dma_wait3A_115 = arith.constant 0 : i32
        %dma_wait3A_116 = arith.constant 0 : i32
        %dma_wait3A_117 = tpu.memref_slice %arg11[%dma_wait3A_114, %dma_wait3A_115, %dma_wait3A_116] : memref<2x64x40xf32, #tpu.memory_space<vmem>> -> memref<1x64x40xf32, #tpu.memory_space<vmem>>
        %dma_wait3A_118 = tpu.memref_squeeze %dma_wait3A_117 : memref<1x64x40xf32, #tpu.memory_space<vmem>> -> memref<64x40xf32, #tpu.memory_space<vmem>>
        %dma_wait3A_119 = arith.constant 0 : i32
        %dma_wait3A_120 = arith.constant 0 : i32
        %dma_wait3A_121 = tpu.memref_slice %arg3[%arg0, %dma_wait3A_119, %dma_wait3A_120] : memref<2x50176x40xf32, #tpu.memory_space<hbm>> -> memref<1x50176x40xf32, #tpu.memory_space<hbm>>
        %dma_wait3A_122 = tpu.memref_squeeze %dma_wait3A_121 : memref<1x50176x40xf32, #tpu.memory_space<hbm>> -> memref<50176x40xf32, #tpu.memory_space<hbm>>
        %dma_wait3A_123 = arith.constant 0 : i32
        %dma_wait3A_124 = arith.constant 0 : i32
        %dma_wait3A_125 = tpu.memref_slice %dma_wait3A_122[%dma_wait3A_123, %dma_wait3A_124] : memref<50176x40xf32, #tpu.memory_space<hbm>> -> memref<50176x40xf32, #tpu.memory_space<hbm>>
        tpu.wait_indirect_dma semaphore(%arg12 : memref<!tpu.dma_semaphore, #tpu.memory_space<semaphore_mem>>) src(%dma_wait3A_125 : memref<50176x40xf32, #tpu.memory_space<hbm>>) dst(%dma_wait3A_118 : memref<64x40xf32, #tpu.memory_space<vmem>>)
        %mul3A_126 = arith.constant 16 : i32
        %mul3A_127 = arith.muli %add3A_96, %mul3A_126 : i32
        %add3A_128 = arith.addi %arg1, %mul3A_127 : i32
        %mul3A_129 = arith.constant 64 : i32
        %mul3A_130 = arith.muli %add3A_128, %mul3A_129 : i32
        %dma_wait3A_131 = arith.constant 1 : i32
        %dma_wait3A_132 = tpu.memref_slice %arg2[%dma_wait3A_131, %mul3A_130] : memref<2x800000xi32, #tpu.memory_space<hbm>> -> memref<1x64xi32, #tpu.memory_space<hbm>>
        %dma_wait3A_133 = tpu.memref_squeeze %dma_wait3A_132 : memref<1x64xi32, #tpu.memory_space<hbm>> -> memref<64xi32, #tpu.memory_space<hbm>>
        %dma_wait3A_134 = tpu.memref_slice %arg2[%dma_wait3A_131, %mul3A_130] : memref<2x800000xi32, #tpu.memory_space<hbm>> -> memref<1x64xi32, #tpu.memory_space<hbm>>
        %dma_wait3A_135 = tpu.memref_squeeze %dma_wait3A_134 : memref<1x64xi32, #tpu.memory_space<hbm>> -> memref<64xi32, #tpu.memory_space<hbm>>
        tpu.wait_dma2 semaphore(%arg16 : memref<!tpu.dma_semaphore, #tpu.memory_space<semaphore_mem>>) src(%dma_wait3A_135 : memref<64xi32, #tpu.memory_space<hbm>>) dst(%arg9 : memref<64xi32, #tpu.memory_space<vmem>>)
        %run_scoped3A = arith.constant 0 : i32
        "tpu.region"() ({
          %run_scoped3A_146 = tpu.sem_alloc : memref<!tpu.dma_semaphore, #tpu.memory_space<semaphore_mem>>
          %dma_start3A_147 = arith.constant 0 : i32
          %dma_start3A_148 = arith.constant 0 : i32
          %dma_start3A_149 = tpu.memref_slice %arg11[%run_scoped3A, %dma_start3A_147, %dma_start3A_148] : memref<2x64x40xf32, #tpu.memory_space<vmem>> -> memref<1x64x40xf32, #tpu.memory_space<vmem>>
          %dma_start3A_150 = tpu.memref_squeeze %dma_start3A_149 : memref<1x64x40xf32, #tpu.memory_space<vmem>> -> memref<64x40xf32, #tpu.memory_space<vmem>>
          %dma_start3A_151 = arith.constant 0 : i32
          %dma_start3A_152 = arith.constant 0 : i32
          %dma_start3A_153 = tpu.memref_slice %arg6[%dma_start3A_151, %dma_start3A_152] : memref<50176x40xf32, #tpu.memory_space<vmem_shared>> -> memref<50176x40xf32, #tpu.memory_space<vmem_shared>>
          tpu.enqueue_indirect_dma source(%dma_start3A_150 : memref<64x40xf32, #tpu.memory_space<vmem>>) target(%dma_start3A_153 : memref<50176x40xf32, #tpu.memory_space<vmem_shared>>) offsets(%arg9 : memref<64xi32, #tpu.memory_space<vmem>>) semaphore(%run_scoped3A_146 : memref<!tpu.dma_semaphore, #tpu.memory_space<semaphore_mem>>) {add = true}
          %dma_wait3A_154 = arith.constant 0 : i32
          %dma_wait3A_155 = arith.constant 0 : i32
          %dma_wait3A_156 = tpu.memref_slice %arg11[%run_scoped3A, %dma_wait3A_154, %dma_wait3A_155] : memref<2x64x40xf32, #tpu.memory_space<vmem>> -> memref<1x64x40xf32, #tpu.memory_space<vmem>>
          %dma_wait3A_157 = tpu.memref_squeeze %dma_wait3A_156 : memref<1x64x40xf32, #tpu.memory_space<vmem>> -> memref<64x40xf32, #tpu.memory_space<vmem>>
          %dma_wait3A_158 = arith.constant 0 : i32
          %dma_wait3A_159 = arith.constant 0 : i32
          %dma_wait3A_160 = tpu.memref_slice %arg6[%dma_wait3A_158, %dma_wait3A_159] : memref<50176x40xf32, #tpu.memory_space<vmem_shared>> -> memref<50176x40xf32, #tpu.memory_space<vmem_shared>>
          tpu.wait_indirect_dma semaphore(%run_scoped3A_146 : memref<!tpu.dma_semaphore, #tpu.memory_space<semaphore_mem>>) src(%dma_wait3A_157 : memref<64x40xf32, #tpu.memory_space<vmem>>) dst(%dma_wait3A_160 : memref<50176x40xf32, #tpu.memory_space<vmem_shared>>)
          tpu.yield
        }) : () -> ()
        %add3A_136 = arith.constant 2 : i32
        %add3A_137 = arith.addi %add3A_96, %add3A_136 : i32
        %mul3A_138 = arith.constant 16 : i32
        %mul3A_139 = arith.muli %add3A_137, %mul3A_138 : i32
        %add3A_140 = arith.addi %arg1, %mul3A_139 : i32
        %lt3A_141 = arith.constant 12500 : i32
        %lt3A_142 = arith.cmpi slt, %add3A_140, %lt3A_141 : i32
        %convert_element_type3A_143 = arith.extui %lt3A_142 : i1 to i32
        %cond3A_144 = arith.constant 0 : i32
        %cond3A_145 = arith.cmpi ne, %convert_element_type3A_143, %cond3A_144 : i32
        scf.if %cond3A_145 {
          %add3A_146 = arith.constant 2 : i32
          %add3A_147 = arith.addi %add3A_96, %add3A_146 : i32
          %mul3A_148 = arith.constant 16 : i32
          %mul3A_149 = arith.muli %add3A_147, %mul3A_148 : i32
          %add3A_150 = arith.addi %arg1, %mul3A_149 : i32
          %mul3A_151 = arith.constant 64 : i32
          %mul3A_152 = arith.muli %add3A_150, %mul3A_151 : i32
          %dma_start3A_153 = arith.constant 1 : i32
          %dma_start3A_154 = tpu.memref_slice %arg2[%dma_start3A_153, %mul3A_152] : memref<2x800000xi32, #tpu.memory_space<hbm>> -> memref<1x64xi32, #tpu.memory_space<hbm>>
          %dma_start3A_155 = tpu.memref_squeeze %dma_start3A_154 : memref<1x64xi32, #tpu.memory_space<hbm>> -> memref<64xi32, #tpu.memory_space<hbm>>
          %dma_start3A_156 = tpu.memref_slice %arg2[%dma_start3A_153, %mul3A_152] : memref<2x800000xi32, #tpu.memory_space<hbm>> -> memref<1x64xi32, #tpu.memory_space<hbm>>
          %dma_start3A_157 = tpu.memref_squeeze %dma_start3A_156 : memref<1x64xi32, #tpu.memory_space<hbm>> -> memref<64xi32, #tpu.memory_space<hbm>>
          tpu.enqueue_dma source(%dma_start3A_157 : memref<64xi32, #tpu.memory_space<hbm>>) target(%arg9 : memref<64xi32, #tpu.memory_space<vmem>>) target_semaphore(%arg16 : memref<!tpu.dma_semaphore, #tpu.memory_space<semaphore_mem>>)
          %add3A_158 = arith.constant 2 : i32
          %add3A_159 = arith.addi %add3A_96, %add3A_158 : i32
          %mul3A_160 = arith.constant 16 : i32
          %mul3A_161 = arith.muli %add3A_159, %mul3A_160 : i32
          %add3A_162 = arith.addi %arg1, %mul3A_161 : i32
          %mul3A_163 = arith.constant 64 : i32
          %mul3A_164 = arith.muli %add3A_162, %mul3A_163 : i32
          %dma_start3A_165 = arith.constant 0 : i32
          %dma_start3A_166 = tpu.memref_slice %arg2[%dma_start3A_165, %mul3A_164] : memref<2x800000xi32, #tpu.memory_space<hbm>> -> memref<1x64xi32, #tpu.memory_space<hbm>>
          %dma_start3A_167 = tpu.memref_squeeze %dma_start3A_166 : memref<1x64xi32, #tpu.memory_space<hbm>> -> memref<64xi32, #tpu.memory_space<hbm>>
          %dma_start3A_168 = tpu.memref_slice %arg2[%dma_start3A_165, %mul3A_164] : memref<2x800000xi32, #tpu.memory_space<hbm>> -> memref<1x64xi32, #tpu.memory_space<hbm>>
          %dma_start3A_169 = tpu.memref_squeeze %dma_start3A_168 : memref<1x64xi32, #tpu.memory_space<hbm>> -> memref<64xi32, #tpu.memory_space<hbm>>
          tpu.enqueue_dma source(%dma_start3A_169 : memref<64xi32, #tpu.memory_space<hbm>>) target(%arg7 : memref<64xi32, #tpu.memory_space<vmem>>) target_semaphore(%arg14 : memref<!tpu.dma_semaphore, #tpu.memory_space<semaphore_mem>>)
          %add3A_170 = arith.constant 2 : i32
          %add3A_171 = arith.addi %add3A_96, %add3A_170 : i32
          %mul3A_172 = arith.constant 16 : i32
          %mul3A_173 = arith.muli %add3A_171, %mul3A_172 : i32
          %add3A_174 = arith.addi %arg1, %mul3A_173 : i32
          %mul3A_175 = arith.constant 64 : i32
          %mul3A_176 = arith.muli %add3A_174, %mul3A_175 : i32
          %dma_wait3A_177 = arith.constant 0 : i32
          %dma_wait3A_178 = tpu.memref_slice %arg2[%dma_wait3A_177, %mul3A_176] : memref<2x800000xi32, #tpu.memory_space<hbm>> -> memref<1x64xi32, #tpu.memory_space<hbm>>
          %dma_wait3A_179 = tpu.memref_squeeze %dma_wait3A_178 : memref<1x64xi32, #tpu.memory_space<hbm>> -> memref<64xi32, #tpu.memory_space<hbm>>
          %dma_wait3A_180 = tpu.memref_slice %arg2[%dma_wait3A_177, %mul3A_176] : memref<2x800000xi32, #tpu.memory_space<hbm>> -> memref<1x64xi32, #tpu.memory_space<hbm>>
          %dma_wait3A_181 = tpu.memref_squeeze %dma_wait3A_180 : memref<1x64xi32, #tpu.memory_space<hbm>> -> memref<64xi32, #tpu.memory_space<hbm>>
          tpu.wait_dma2 semaphore(%arg14 : memref<!tpu.dma_semaphore, #tpu.memory_space<semaphore_mem>>) src(%dma_wait3A_181 : memref<64xi32, #tpu.memory_space<hbm>>) dst(%arg7 : memref<64xi32, #tpu.memory_space<vmem>>)
          %dma_start3A_182 = arith.constant 0 : i32
          %dma_start3A_183 = arith.constant 0 : i32
          %dma_start3A_184 = arith.constant 0 : i32
          %dma_start3A_185 = tpu.memref_slice %arg11[%dma_start3A_182, %dma_start3A_183, %dma_start3A_184] : memref<2x64x40xf32, #tpu.memory_space<vmem>> -> memref<1x64x40xf32, #tpu.memory_space<vmem>>
          %dma_start3A_186 = tpu.memref_squeeze %dma_start3A_185 : memref<1x64x40xf32, #tpu.memory_space<vmem>> -> memref<64x40xf32, #tpu.memory_space<vmem>>
          %dma_start3A_187 = arith.constant 0 : i32
          %dma_start3A_188 = arith.constant 0 : i32
          %dma_start3A_189 = tpu.memref_slice %arg3[%arg0, %dma_start3A_187, %dma_start3A_188] : memref<2x50176x40xf32, #tpu.memory_space<hbm>> -> memref<1x50176x40xf32, #tpu.memory_space<hbm>>
          %dma_start3A_190 = tpu.memref_squeeze %dma_start3A_189 : memref<1x50176x40xf32, #tpu.memory_space<hbm>> -> memref<50176x40xf32, #tpu.memory_space<hbm>>
          %dma_start3A_191 = arith.constant 0 : i32
          %dma_start3A_192 = arith.constant 0 : i32
          %dma_start3A_193 = tpu.memref_slice %dma_start3A_190[%dma_start3A_191, %dma_start3A_192] : memref<50176x40xf32, #tpu.memory_space<hbm>> -> memref<50176x40xf32, #tpu.memory_space<hbm>>
          tpu.enqueue_indirect_dma source(%dma_start3A_193 : memref<50176x40xf32, #tpu.memory_space<hbm>>) target(%dma_start3A_186 : memref<64x40xf32, #tpu.memory_space<vmem>>) offsets(%arg7 : memref<64xi32, #tpu.memory_space<vmem>>) semaphore(%arg12 : memref<!tpu.dma_semaphore, #tpu.memory_space<semaphore_mem>>)
        } else {
        }
      } else {
      }
      %mul3A_102 = arith.constant 2 : i32
      %mul3A_103 = arith.muli %mul3A_102, %scan3A_92 : i32
      %add3A_104 = arith.constant 1 : i32
      %add3A_105 = arith.addi %mul3A_103, %add3A_104 : i32
      %mul3A_106 = arith.constant 16 : i32
      %mul3A_107 = arith.muli %add3A_105, %mul3A_106 : i32
      %add3A_108 = arith.addi %arg1, %mul3A_107 : i32
      %lt3A_109 = arith.constant 12500 : i32
      %lt3A_110 = arith.cmpi slt, %add3A_108, %lt3A_109 : i32
      %convert_element_type3A_111 = arith.extui %lt3A_110 : i1 to i32
      %cond3A_112 = arith.constant 0 : i32
      %cond3A_113 = arith.cmpi ne, %convert_element_type3A_111, %cond3A_112 : i32
      scf.if %cond3A_113 {
        %dma_wait3A_114 = arith.constant 1 : i32
        %dma_wait3A_115 = arith.constant 0 : i32
        %dma_wait3A_116 = arith.constant 0 : i32
        %dma_wait3A_117 = tpu.memref_slice %arg11[%dma_wait3A_114, %dma_wait3A_115, %dma_wait3A_116] : memref<2x64x40xf32, #tpu.memory_space<vmem>> -> memref<1x64x40xf32, #tpu.memory_space<vmem>>
        %dma_wait3A_118 = tpu.memref_squeeze %dma_wait3A_117 : memref<1x64x40xf32, #tpu.memory_space<vmem>> -> memref<64x40xf32, #tpu.memory_space<vmem>>
        %dma_wait3A_119 = arith.constant 0 : i32
        %dma_wait3A_120 = arith.constant 0 : i32
        %dma_wait3A_121 = tpu.memref_slice %arg3[%arg0, %dma_wait3A_119, %dma_wait3A_120] : memref<2x50176x40xf32, #tpu.memory_space<hbm>> -> memref<1x50176x40xf32, #tpu.memory_space<hbm>>
        %dma_wait3A_122 = tpu.memref_squeeze %dma_wait3A_121 : memref<1x50176x40xf32, #tpu.memory_space<hbm>> -> memref<50176x40xf32, #tpu.memory_space<hbm>>
        %dma_wait3A_123 = arith.constant 0 : i32
        %dma_wait3A_124 = arith.constant 0 : i32
        %dma_wait3A_125 = tpu.memref_slice %dma_wait3A_122[%dma_wait3A_123, %dma_wait3A_124] : memref<50176x40xf32, #tpu.memory_space<hbm>> -> memref<50176x40xf32, #tpu.memory_space<hbm>>
        tpu.wait_indirect_dma semaphore(%arg13 : memref<!tpu.dma_semaphore, #tpu.memory_space<semaphore_mem>>) src(%dma_wait3A_125 : memref<50176x40xf32, #tpu.memory_space<hbm>>) dst(%dma_wait3A_118 : memref<64x40xf32, #tpu.memory_space<vmem>>)
        %mul3A_126 = arith.constant 16 : i32
        %mul3A_127 = arith.muli %add3A_105, %mul3A_126 : i32
        %add3A_128 = arith.addi %arg1, %mul3A_127 : i32
        %mul3A_129 = arith.constant 64 : i32
        %mul3A_130 = arith.muli %add3A_128, %mul3A_129 : i32
        %dma_wait3A_131 = arith.constant 1 : i32
        %dma_wait3A_132 = tpu.memref_slice %arg2[%dma_wait3A_131, %mul3A_130] : memref<2x800000xi32, #tpu.memory_space<hbm>> -> memref<1x64xi32, #tpu.memory_space<hbm>>
        %dma_wait3A_133 = tpu.memref_squeeze %dma_wait3A_132 : memref<1x64xi32, #tpu.memory_space<hbm>> -> memref<64xi32, #tpu.memory_space<hbm>>
        %dma_wait3A_134 = tpu.memref_slice %arg2[%dma_wait3A_131, %mul3A_130] : memref<2x800000xi32, #tpu.memory_space<hbm>> -> memref<1x64xi32, #tpu.memory_space<hbm>>
        %dma_wait3A_135 = tpu.memref_squeeze %dma_wait3A_134 : memref<1x64xi32, #tpu.memory_space<hbm>> -> memref<64xi32, #tpu.memory_space<hbm>>
        tpu.wait_dma2 semaphore(%arg17 : memref<!tpu.dma_semaphore, #tpu.memory_space<semaphore_mem>>) src(%dma_wait3A_135 : memref<64xi32, #tpu.memory_space<hbm>>) dst(%arg10 : memref<64xi32, #tpu.memory_space<vmem>>)
        %run_scoped3A = arith.constant 1 : i32
        "tpu.region"() ({
          %run_scoped3A_146 = tpu.sem_alloc : memref<!tpu.dma_semaphore, #tpu.memory_space<semaphore_mem>>
          %dma_start3A_147 = arith.constant 0 : i32
          %dma_start3A_148 = arith.constant 0 : i32
          %dma_start3A_149 = tpu.memref_slice %arg11[%run_scoped3A, %dma_start3A_147, %dma_start3A_148] : memref<2x64x40xf32, #tpu.memory_space<vmem>> -> memref<1x64x40xf32, #tpu.memory_space<vmem>>
          %dma_start3A_150 = tpu.memref_squeeze %dma_start3A_149 : memref<1x64x40xf32, #tpu.memory_space<vmem>> -> memref<64x40xf32, #tpu.memory_space<vmem>>
          %dma_start3A_151 = arith.constant 0 : i32
          %dma_start3A_152 = arith.constant 0 : i32
          %dma_start3A_153 = tpu.memref_slice %arg6[%dma_start3A_151, %dma_start3A_152] : memref<50176x40xf32, #tpu.memory_space<vmem_shared>> -> memref<50176x40xf32, #tpu.memory_space<vmem_shared>>
          tpu.enqueue_indirect_dma source(%dma_start3A_150 : memref<64x40xf32, #tpu.memory_space<vmem>>) target(%dma_start3A_153 : memref<50176x40xf32, #tpu.memory_space<vmem_shared>>) offsets(%arg10 : memref<64xi32, #tpu.memory_space<vmem>>) semaphore(%run_scoped3A_146 : memref<!tpu.dma_semaphore, #tpu.memory_space<semaphore_mem>>) {add = true}
          %dma_wait3A_154 = arith.constant 0 : i32
          %dma_wait3A_155 = arith.constant 0 : i32
          %dma_wait3A_156 = tpu.memref_slice %arg11[%run_scoped3A, %dma_wait3A_154, %dma_wait3A_155] : memref<2x64x40xf32, #tpu.memory_space<vmem>> -> memref<1x64x40xf32, #tpu.memory_space<vmem>>
          %dma_wait3A_157 = tpu.memref_squeeze %dma_wait3A_156 : memref<1x64x40xf32, #tpu.memory_space<vmem>> -> memref<64x40xf32, #tpu.memory_space<vmem>>
          %dma_wait3A_158 = arith.constant 0 : i32
          %dma_wait3A_159 = arith.constant 0 : i32
          %dma_wait3A_160 = tpu.memref_slice %arg6[%dma_wait3A_158, %dma_wait3A_159] : memref<50176x40xf32, #tpu.memory_space<vmem_shared>> -> memref<50176x40xf32, #tpu.memory_space<vmem_shared>>
          tpu.wait_indirect_dma semaphore(%run_scoped3A_146 : memref<!tpu.dma_semaphore, #tpu.memory_space<semaphore_mem>>) src(%dma_wait3A_157 : memref<64x40xf32, #tpu.memory_space<vmem>>) dst(%dma_wait3A_160 : memref<50176x40xf32, #tpu.memory_space<vmem_shared>>)
          tpu.yield
        }) : () -> ()
        %add3A_136 = arith.constant 2 : i32
        %add3A_137 = arith.addi %add3A_105, %add3A_136 : i32
        %mul3A_138 = arith.constant 16 : i32
        %mul3A_139 = arith.muli %add3A_137, %mul3A_138 : i32
        %add3A_140 = arith.addi %arg1, %mul3A_139 : i32
        %lt3A_141 = arith.constant 12500 : i32
        %lt3A_142 = arith.cmpi slt, %add3A_140, %lt3A_141 : i32
        %convert_element_type3A_143 = arith.extui %lt3A_142 : i1 to i32
        %cond3A_144 = arith.constant 0 : i32
        %cond3A_145 = arith.cmpi ne, %convert_element_type3A_143, %cond3A_144 : i32
        scf.if %cond3A_145 {
          %add3A_146 = arith.constant 2 : i32
          %add3A_147 = arith.addi %add3A_105, %add3A_146 : i32
          %mul3A_148 = arith.constant 16 : i32
          %mul3A_149 = arith.muli %add3A_147, %mul3A_148 : i32
          %add3A_150 = arith.addi %arg1, %mul3A_149 : i32
          %mul3A_151 = arith.constant 64 : i32
          %mul3A_152 = arith.muli %add3A_150, %mul3A_151 : i32
          %dma_start3A_153 = arith.constant 1 : i32
          %dma_start3A_154 = tpu.memref_slice %arg2[%dma_start3A_153, %mul3A_152] : memref<2x800000xi32, #tpu.memory_space<hbm>> -> memref<1x64xi32, #tpu.memory_space<hbm>>
          %dma_start3A_155 = tpu.memref_squeeze %dma_start3A_154 : memref<1x64xi32, #tpu.memory_space<hbm>> -> memref<64xi32, #tpu.memory_space<hbm>>
          %dma_start3A_156 = tpu.memref_slice %arg2[%dma_start3A_153, %mul3A_152] : memref<2x800000xi32, #tpu.memory_space<hbm>> -> memref<1x64xi32, #tpu.memory_space<hbm>>
          %dma_start3A_157 = tpu.memref_squeeze %dma_start3A_156 : memref<1x64xi32, #tpu.memory_space<hbm>> -> memref<64xi32, #tpu.memory_space<hbm>>
          tpu.enqueue_dma source(%dma_start3A_157 : memref<64xi32, #tpu.memory_space<hbm>>) target(%arg10 : memref<64xi32, #tpu.memory_space<vmem>>) target_semaphore(%arg17 : memref<!tpu.dma_semaphore, #tpu.memory_space<semaphore_mem>>)
          %add3A_158 = arith.constant 2 : i32
          %add3A_159 = arith.addi %add3A_105, %add3A_158 : i32
          %mul3A_160 = arith.constant 16 : i32
          %mul3A_161 = arith.muli %add3A_159, %mul3A_160 : i32
          %add3A_162 = arith.addi %arg1, %mul3A_161 : i32
          %mul3A_163 = arith.constant 64 : i32
          %mul3A_164 = arith.muli %add3A_162, %mul3A_163 : i32
          %dma_start3A_165 = arith.constant 0 : i32
          %dma_start3A_166 = tpu.memref_slice %arg2[%dma_start3A_165, %mul3A_164] : memref<2x800000xi32, #tpu.memory_space<hbm>> -> memref<1x64xi32, #tpu.memory_space<hbm>>
          %dma_start3A_167 = tpu.memref_squeeze %dma_start3A_166 : memref<1x64xi32, #tpu.memory_space<hbm>> -> memref<64xi32, #tpu.memory_space<hbm>>
          %dma_start3A_168 = tpu.memref_slice %arg2[%dma_start3A_165, %mul3A_164] : memref<2x800000xi32, #tpu.memory_space<hbm>> -> memref<1x64xi32, #tpu.memory_space<hbm>>
          %dma_start3A_169 = tpu.memref_squeeze %dma_start3A_168 : memref<1x64xi32, #tpu.memory_space<hbm>> -> memref<64xi32, #tpu.memory_space<hbm>>
          tpu.enqueue_dma source(%dma_start3A_169 : memref<64xi32, #tpu.memory_space<hbm>>) target(%arg8 : memref<64xi32, #tpu.memory_space<vmem>>) target_semaphore(%arg15 : memref<!tpu.dma_semaphore, #tpu.memory_space<semaphore_mem>>)
          %add3A_170 = arith.constant 2 : i32
          %add3A_171 = arith.addi %add3A_105, %add3A_170 : i32
          %mul3A_172 = arith.constant 16 : i32
          %mul3A_173 = arith.muli %add3A_171, %mul3A_172 : i32
          %add3A_174 = arith.addi %arg1, %mul3A_173 : i32
          %mul3A_175 = arith.constant 64 : i32
          %mul3A_176 = arith.muli %add3A_174, %mul3A_175 : i32
          %dma_wait3A_177 = arith.constant 0 : i32
          %dma_wait3A_178 = tpu.memref_slice %arg2[%dma_wait3A_177, %mul3A_176] : memref<2x800000xi32, #tpu.memory_space<hbm>> -> memref<1x64xi32, #tpu.memory_space<hbm>>
          %dma_wait3A_179 = tpu.memref_squeeze %dma_wait3A_178 : memref<1x64xi32, #tpu.memory_space<hbm>> -> memref<64xi32, #tpu.memory_space<hbm>>
          %dma_wait3A_180 = tpu.memref_slice %arg2[%dma_wait3A_177, %mul3A_176] : memref<2x800000xi32, #tpu.memory_space<hbm>> -> memref<1x64xi32, #tpu.memory_space<hbm>>
          %dma_wait3A_181 = tpu.memref_squeeze %dma_wait3A_180 : memref<1x64xi32, #tpu.memory_space<hbm>> -> memref<64xi32, #tpu.memory_space<hbm>>
          tpu.wait_dma2 semaphore(%arg15 : memref<!tpu.dma_semaphore, #tpu.memory_space<semaphore_mem>>) src(%dma_wait3A_181 : memref<64xi32, #tpu.memory_space<hbm>>) dst(%arg8 : memref<64xi32, #tpu.memory_space<vmem>>)
          %dma_start3A_182 = arith.constant 1 : i32
          %dma_start3A_183 = arith.constant 0 : i32
          %dma_start3A_184 = arith.constant 0 : i32
          %dma_start3A_185 = tpu.memref_slice %arg11[%dma_start3A_182, %dma_start3A_183, %dma_start3A_184] : memref<2x64x40xf32, #tpu.memory_space<vmem>> -> memref<1x64x40xf32, #tpu.memory_space<vmem>>
          %dma_start3A_186 = tpu.memref_squeeze %dma_start3A_185 : memref<1x64x40xf32, #tpu.memory_space<vmem>> -> memref<64x40xf32, #tpu.memory_space<vmem>>
          %dma_start3A_187 = arith.constant 0 : i32
          %dma_start3A_188 = arith.constant 0 : i32
          %dma_start3A_189 = tpu.memref_slice %arg3[%arg0, %dma_start3A_187, %dma_start3A_188] : memref<2x50176x40xf32, #tpu.memory_space<hbm>> -> memref<1x50176x40xf32, #tpu.memory_space<hbm>>
          %dma_start3A_190 = tpu.memref_squeeze %dma_start3A_189 : memref<1x50176x40xf32, #tpu.memory_space<hbm>> -> memref<50176x40xf32, #tpu.memory_space<hbm>>
          %dma_start3A_191 = arith.constant 0 : i32
          %dma_start3A_192 = arith.constant 0 : i32
          %dma_start3A_193 = tpu.memref_slice %dma_start3A_190[%dma_start3A_191, %dma_start3A_192] : memref<50176x40xf32, #tpu.memory_space<hbm>> -> memref<50176x40xf32, #tpu.memory_space<hbm>>
          tpu.enqueue_indirect_dma source(%dma_start3A_193 : memref<50176x40xf32, #tpu.memory_space<hbm>>) target(%dma_start3A_186 : memref<64x40xf32, #tpu.memory_space<vmem>>) offsets(%arg8 : memref<64xi32, #tpu.memory_space<vmem>>) semaphore(%arg13 : memref<!tpu.dma_semaphore, #tpu.memory_space<semaphore_mem>>)
        } else {
        }
      } else {
      }
    }
    %scan3A_84 = arith.constant 391 : i32
    %barrier3A_85 = arith.constant 0 : index
    tpu.barrier barrier_id(%barrier3A_85)
    %scan3A_86 = arith.constant 0 : i32
    %scan3A_87 = arith.constant 0 : i32
    %scan3A_88 = arith.constant 25 : i32
    %scan3A_89 = arith.addi %scan3A_87, %scan3A_88 : i32
    %scan3A_90 = arith.constant 1 : i32
    scf.for %scan3A_92 = %scan3A_87 to %scan3A_89 step %scan3A_90  : i32 {
      %mul3A_93 = arith.constant 16 : i32
      %mul3A_94 = arith.muli %scan3A_92, %mul3A_93 : i32
      %add3A_95 = arith.addi %arg1, %mul3A_94 : i32
      %lt3A = arith.constant 392 : i32
      %lt3A_96 = arith.cmpi slt, %add3A_95, %lt3A : i32
      %convert_element_type3A = arith.extui %lt3A_96 : i1 to i32
      %cond3A = arith.constant 0 : i32
      %cond3A_97 = arith.cmpi ne, %convert_element_type3A, %cond3A : i32
      scf.if %cond3A_97 {
        %mul3A_98 = arith.constant 128 : i32
        %mul3A_99 = arith.muli %add3A_95, %mul3A_98 : i32
        %mul3A_100 = arith.constant 128 : i32
        %mul3A_101 = arith.muli %add3A_95, %mul3A_100 : i32
        "tpu.region"() ({
          %run_scoped3A = tpu.sem_alloc : memref<!tpu.dma_semaphore, #tpu.memory_space<semaphore_mem>>
          %dma_start3A_102 = arith.constant 0 : i32
          %dma_start3A_103 = arith.constant 0 : i32
          %dma_start3A_104 = tpu.memref_slice %arg5[%arg0, %dma_start3A_102, %dma_start3A_103] : memref<2x50176x40xf32, #tpu.memory_space<hbm>> -> memref<1x50176x40xf32, #tpu.memory_space<hbm>>
          %dma_start3A_105 = tpu.memref_squeeze %dma_start3A_104 : memref<1x50176x40xf32, #tpu.memory_space<hbm>> -> memref<50176x40xf32, #tpu.memory_space<hbm>>
          %dma_start3A_106 = arith.constant 0 : i32
          %dma_start3A_107 = tpu.memref_slice %dma_start3A_105[%mul3A_101, %dma_start3A_106] : memref<50176x40xf32, #tpu.memory_space<hbm>> -> memref<128x40xf32, #tpu.memory_space<hbm>>
          %dma_start3A_108 = arith.constant 0 : i32
          %dma_start3A_109 = tpu.memref_slice %arg6[%mul3A_99, %dma_start3A_108] : memref<50176x40xf32, #tpu.memory_space<vmem_shared>> -> memref<128x40xf32, #tpu.memory_space<vmem_shared>>
          tpu.enqueue_dma source(%dma_start3A_109 : memref<128x40xf32, #tpu.memory_space<vmem_shared>>) target(%dma_start3A_107 : memref<128x40xf32, #tpu.memory_space<hbm>>) target_semaphore(%run_scoped3A : memref<!tpu.dma_semaphore, #tpu.memory_space<semaphore_mem>>)
          %dma_wait3A_110 = arith.constant 0 : i32
          %dma_wait3A_111 = arith.constant 0 : i32
          %dma_wait3A_112 = tpu.memref_slice %arg5[%arg0, %dma_wait3A_110, %dma_wait3A_111] : memref<2x50176x40xf32, #tpu.memory_space<hbm>> -> memref<1x50176x40xf32, #tpu.memory_space<hbm>>
          %dma_wait3A_113 = tpu.memref_squeeze %dma_wait3A_112 : memref<1x50176x40xf32, #tpu.memory_space<hbm>> -> memref<50176x40xf32, #tpu.memory_space<hbm>>
          %dma_wait3A_114 = arith.constant 0 : i32
          %dma_wait3A_115 = tpu.memref_slice %dma_wait3A_113[%mul3A_101, %dma_wait3A_114] : memref<50176x40xf32, #tpu.memory_space<hbm>> -> memref<128x40xf32, #tpu.memory_space<hbm>>
          %dma_wait3A_116 = arith.constant 0 : i32
          %dma_wait3A_117 = tpu.memref_slice %arg6[%mul3A_99, %dma_wait3A_116] : memref<50176x40xf32, #tpu.memory_space<vmem_shared>> -> memref<128x40xf32, #tpu.memory_space<vmem_shared>>
          tpu.wait_dma2 semaphore(%run_scoped3A : memref<!tpu.dma_semaphore, #tpu.memory_space<semaphore_mem>>) src(%dma_wait3A_117 : memref<128x40xf32, #tpu.memory_space<vmem_shared>>) dst(%dma_wait3A_115 : memref<128x40xf32, #tpu.memory_space<hbm>>)
          tpu.yield
        }) : () -> ()
      } else {
      }
    }
    %scan3A_91 = arith.constant 25 : i32
    return
  }
}

#map = affine_map<(d0, d1) -> (0, 0)>
#map1 = affine_map<(d0, d1) -> (0, 0, 0)>
module attributes {stable_mosaic.version = 14 : i64} {
  func.func @body(%arg0: i32, %arg1: i32, %arg2: memref<2x800000xi32, #tpu.memory_space<hbm>>, %arg3: memref<2x50176x40xf32, #tpu.memory_space<hbm>>, %arg4: memref<128x40xf32, #tpu.memory_space<hbm>>, %arg5: memref<2x50176x40xf32, #tpu.memory_space<hbm>>, %arg6: memref<50176x40xf32, #tpu.memory_space<vmem_shared>>, %arg7: memref<64xi32, #tpu.memory_space<vmem>>, %arg8: memref<64xi32, #tpu.memory_space<vmem>>, %arg9: memref<64xi32, #tpu.memory_space<vmem>>, %arg10: memref<64xi32, #tpu.memory_space<vmem>>, %arg11: memref<2x64x40xf32, #tpu.memory_space<vmem>>, %arg12: memref<!tpu.dma_semaphore, #tpu.memory_space<semaphore_mem>>, %arg13: memref<!tpu.dma_semaphore, #tpu.memory_space<semaphore_mem>>, %arg14: memref<!tpu.dma_semaphore, #tpu.memory_space<semaphore_mem>>, %arg15: memref<!tpu.dma_semaphore, #tpu.memory_space<semaphore_mem>>, %arg16: memref<!tpu.dma_semaphore, #tpu.memory_space<semaphore_mem>>, %arg17: memref<!tpu.dma_semaphore, #tpu.memory_space<semaphore_mem>>) attributes {dimension_semantics = [#tpu.dimension_semantics<core_parallel>, #tpu.dimension_semantics<subcore_parallel>], iteration_bounds = array<i64: 2, 16>, scalar_prefetch = 0 : i64, scratch_operands = 12 : i64, tpu.core_type = #tpu.core_type<sc_vector_subcore>, window_params = [{transform_indices = #map}, {transform_indices = #map1}, {transform_indices = #map}, {transform_indices = #map1}]} {
    %scan3A = arith.constant 0 : i32
    %scan3A_0 = arith.constant 0 : i32
    %scan3A_1 = arith.constant 25 : i32
    %scan3A_2 = arith.addi %scan3A_0, %scan3A_1 : i32
    %scan3A_3 = arith.constant 1 : i32
    scf.for %scan3A_92 = %scan3A_0 to %scan3A_2 step %scan3A_3  : i32 {
      %mul3A_93 = arith.constant 16 : i32
      %mul3A_94 = arith.muli %scan3A_92, %mul3A_93 : i32
      %add3A_95 = arith.addi %arg1, %mul3A_94 : i32
      %lt3A = arith.constant 392 : i32
      %lt3A_96 = arith.cmpi slt, %add3A_95, %lt3A : i32
      %convert_element_type3A = arith.extui %lt3A_96 : i1 to i32
      %cond3A = arith.constant 0 : i32
      %cond3A_97 = arith.cmpi ne, %convert_element_type3A, %cond3A : i32
      scf.if %cond3A_97 {
        %mul3A_98 = arith.constant 128 : i32
        %mul3A_99 = arith.muli %add3A_95, %mul3A_98 : i32
        "tpu.region"() ({
          %run_scoped3A = tpu.sem_alloc : memref<!tpu.dma_semaphore, #tpu.memory_space<semaphore_mem>>
          %dma_start3A_100 = arith.constant 0 : i32
          %dma_start3A_101 = tpu.memref_slice %arg6[%mul3A_99, %dma_start3A_100] : memref<50176x40xf32, #tpu.memory_space<vmem_shared>> -> memref<128x40xf32, #tpu.memory_space<vmem_shared>>
          tpu.enqueue_dma source(%arg4 : memref<128x40xf32, #tpu.memory_space<hbm>>) target(%dma_start3A_101 : memref<128x40xf32, #tpu.memory_space<vmem_shared>>) target_semaphore(%run_scoped3A : memref<!tpu.dma_semaphore, #tpu.memory_space<semaphore_mem>>)
          %dma_wait3A_102 = arith.constant 0 : i32
          %dma_wait3A_103 = tpu.memref_slice %arg6[%mul3A_99, %dma_wait3A_102] : memref<50176x40xf32, #tpu.memory_space<vmem_shared>> -> memref<128x40xf32, #tpu.memory_space<vmem_shared>>
          tpu.wait_dma2 semaphore(%run_scoped3A : memref<!tpu.dma_semaphore, #tpu.memory_space<semaphore_mem>>) src(%arg4 : memref<128x40xf32, #tpu.memory_space<hbm>>) dst(%dma_wait3A_103 : memref<128x40xf32, #tpu.memory_space<vmem_shared>>)
          tpu.yield
        }) : () -> ()
      } else {
      }
    }
    %scan3A_4 = arith.constant 25 : i32
    %barrier3A = arith.constant 0 : index
    tpu.barrier barrier_id(%barrier3A)
    %add3A = arith.constant 0 : i32
    %add3A_5 = arith.addi %arg1, %add3A : i32
    %mul3A = arith.constant 64 : i32
    %mul3A_6 = arith.muli %add3A_5, %mul3A : i32
    %dma_start3A = arith.constant 0 : i32
    %dma_start3A_7 = tpu.memref_slice %arg2[%dma_start3A, %mul3A_6] : memref<2x800000xi32, #tpu.memory_space<hbm>> -> memref<1x64xi32, #tpu.memory_space<hbm>>
    %dma_start3A_8 = tpu.memref_squeeze %dma_start3A_7 : memref<1x64xi32, #tpu.memory_space<hbm>> -> memref<64xi32, #tpu.memory_space<hbm>>
    %dma_start3A_9 = tpu.memref_slice %arg2[%dma_start3A, %mul3A_6] : memref<2x800000xi32, #tpu.memory_space<hbm>> -> memref<1x64xi32, #tpu.memory_space<hbm>>
    %dma_start3A_10 = tpu.memref_squeeze %dma_start3A_9 : memref<1x64xi32, #tpu.memory_space<hbm>> -> memref<64xi32, #tpu.memory_space<hbm>>
    tpu.enqueue_dma source(%dma_start3A_10 : memref<64xi32, #tpu.memory_space<hbm>>) target(%arg7 : memref<64xi32, #tpu.memory_space<vmem>>) target_semaphore(%arg14 : memref<!tpu.dma_semaphore, #tpu.memory_space<semaphore_mem>>)
    %add3A_11 = arith.constant 0 : i32
    %add3A_12 = arith.addi %arg1, %add3A_11 : i32
    %mul3A_13 = arith.constant 64 : i32
    %mul3A_14 = arith.muli %add3A_12, %mul3A_13 : i32
    %dma_start3A_15 = arith.constant 1 : i32
    %dma_start3A_16 = tpu.memref_slice %arg2[%dma_start3A_15, %mul3A_14] : memref<2x800000xi32, #tpu.memory_space<hbm>> -> memref<1x64xi32, #tpu.memory_space<hbm>>
    %dma_start3A_17 = tpu.memref_squeeze %dma_start3A_16 : memref<1x64xi32, #tpu.memory_space<hbm>> -> memref<64xi32, #tpu.memory_space<hbm>>
    %dma_start3A_18 = tpu.memref_slice %arg2[%dma_start3A_15, %mul3A_14] : memref<2x800000xi32, #tpu.memory_space<hbm>> -> memref<1x64xi32, #tpu.memory_space<hbm>>
    %dma_start3A_19 = tpu.memref_squeeze %dma_start3A_18 : memref<1x64xi32, #tpu.memory_space<hbm>> -> memref<64xi32, #tpu.memory_space<hbm>>
    tpu.enqueue_dma source(%dma_start3A_19 : memref<64xi32, #tpu.memory_space<hbm>>) target(%arg9 : memref<64xi32, #tpu.memory_space<vmem>>) target_semaphore(%arg16 : memref<!tpu.dma_semaphore, #tpu.memory_space<semaphore_mem>>)
    %add3A_20 = arith.constant 16 : i32
    %add3A_21 = arith.addi %arg1, %add3A_20 : i32
    %mul3A_22 = arith.constant 64 : i32
    %mul3A_23 = arith.muli %add3A_21, %mul3A_22 : i32
    %dma_start3A_24 = arith.constant 0 : i32
    %dma_start3A_25 = tpu.memref_slice %arg2[%dma_start3A_24, %mul3A_23] : memref<2x800000xi32, #tpu.memory_space<hbm>> -> memref<1x64xi32, #tpu.memory_space<hbm>>
    %dma_start3A_26 = tpu.memref_squeeze %dma_start3A_25 : memref<1x64xi32, #tpu.memory_space<hbm>> -> memref<64xi32, #tpu.memory_space<hbm>>
    %dma_start3A_27 = tpu.memref_slice %arg2[%dma_start3A_24, %mul3A_23] : memref<2x800000xi32, #tpu.memory_space<hbm>> -> memref<1x64xi32, #tpu.memory_space<hbm>>
    %dma_start3A_28 = tpu.memref_squeeze %dma_start3A_27 : memref<1x64xi32, #tpu.memory_space<hbm>> -> memref<64xi32, #tpu.memory_space<hbm>>
    tpu.enqueue_dma source(%dma_start3A_28 : memref<64xi32, #tpu.memory_space<hbm>>) target(%arg8 : memref<64xi32, #tpu.memory_space<vmem>>) target_semaphore(%arg15 : memref<!tpu.dma_semaphore, #tpu.memory_space<semaphore_mem>>)
    %add3A_29 = arith.constant 16 : i32
    %add3A_30 = arith.addi %arg1, %add3A_29 : i32
    %mul3A_31 = arith.constant 64 : i32
    %mul3A_32 = arith.muli %add3A_30, %mul3A_31 : i32
    %dma_start3A_33 = arith.constant 1 : i32
    %dma_start3A_34 = tpu.memref_slice %arg2[%dma_start3A_33, %mul3A_32] : memref<2x800000xi32, #tpu.memory_space<hbm>> -> memref<1x64xi32, #tpu.memory_space<hbm>>
    %dma_start3A_35 = tpu.memref_squeeze %dma_start3A_34 : memref<1x64xi32, #tpu.memory_space<hbm>> -> memref<64xi32, #tpu.memory_space<hbm>>
    %dma_start3A_36 = tpu.memref_slice %arg2[%dma_start3A_33, %mul3A_32] : memref<2x800000xi32, #tpu.memory_space<hbm>> -> memref<1x64xi32, #tpu.memory_space<hbm>>
    %dma_start3A_37 = tpu.memref_squeeze %dma_start3A_36 : memref<1x64xi32, #tpu.memory_space<hbm>> -> memref<64xi32, #tpu.memory_space<hbm>>
    tpu.enqueue_dma source(%dma_start3A_37 : memref<64xi32, #tpu.memory_space<hbm>>) target(%arg10 : memref<64xi32, #tpu.memory_space<vmem>>) target_semaphore(%arg17 : memref<!tpu.dma_semaphore, #tpu.memory_space<semaphore_mem>>)
    %add3A_38 = arith.constant 0 : i32
    %add3A_39 = arith.addi %arg1, %add3A_38 : i32
    %mul3A_40 = arith.constant 64 : i32
    %mul3A_41 = arith.muli %add3A_39, %mul3A_40 : i32
    %dma_wait3A = arith.constant 0 : i32
    %dma_wait3A_42 = tpu.memref_slice %arg2[%dma_wait3A, %mul3A_41] : memref<2x800000xi32, #tpu.memory_space<hbm>> -> memref<1x64xi32, #tpu.memory_space<hbm>>
    %dma_wait3A_43 = tpu.memref_squeeze %dma_wait3A_42 : memref<1x64xi32, #tpu.memory_space<hbm>> -> memref<64xi32, #tpu.memory_space<hbm>>
    %dma_wait3A_44 = tpu.memref_slice %arg2[%dma_wait3A, %mul3A_41] : memref<2x800000xi32, #tpu.memory_space<hbm>> -> memref<1x64xi32, #tpu.memory_space<hbm>>
    %dma_wait3A_45 = tpu.memref_squeeze %dma_wait3A_44 : memref<1x64xi32, #tpu.memory_space<hbm>> -> memref<64xi32, #tpu.memory_space<hbm>>
    tpu.wait_dma2 semaphore(%arg14 : memref<!tpu.dma_semaphore, #tpu.memory_space<semaphore_mem>>) src(%dma_wait3A_45 : memref<64xi32, #tpu.memory_space<hbm>>) dst(%arg7 : memref<64xi32, #tpu.memory_space<vmem>>)
    %dma_start3A_46 = arith.constant 0 : i32
    %dma_start3A_47 = arith.constant 0 : i32
    %dma_start3A_48 = arith.constant 0 : i32
    %dma_start3A_49 = tpu.memref_slice %arg11[%dma_start3A_46, %dma_start3A_47, %dma_start3A_48] : memref<2x64x40xf32, #tpu.memory_space<vmem>> -> memref<1x64x40xf32, #tpu.memory_space<vmem>>
    %dma_start3A_50 = tpu.memref_squeeze %dma_start3A_49 : memref<1x64x40xf32, #tpu.memory_space<vmem>> -> memref<64x40xf32, #tpu.memory_space<vmem>>
    %dma_start3A_51 = arith.constant 0 : i32
    %dma_start3A_52 = arith.constant 0 : i32
    %dma_start3A_53 = tpu.memref_slice %arg3[%arg0, %dma_start3A_51, %dma_start3A_52] : memref<2x50176x40xf32, #tpu.memory_space<hbm>> -> memref<1x50176x40xf32, #tpu.memory_space<hbm>>
    %dma_start3A_54 = tpu.memref_squeeze %dma_start3A_53 : memref<1x50176x40xf32, #tpu.memory_space<hbm>> -> memref<50176x40xf32, #tpu.memory_space<hbm>>
    %dma_start3A_55 = arith.constant 0 : i32
    %dma_start3A_56 = arith.constant 0 : i32
    %dma_start3A_57 = tpu.memref_slice %dma_start3A_54[%dma_start3A_55, %dma_start3A_56] : memref<50176x40xf32, #tpu.memory_space<hbm>> -> memref<50176x40xf32, #tpu.memory_space<hbm>>
    tpu.enqueue_indirect_dma source(%dma_start3A_57 : memref<50176x40xf32, #tpu.memory_space<hbm>>) target(%dma_start3A_50 : memref<64x40xf32, #tpu.memory_space<vmem>>) offsets(%arg7 : memref<64xi32, #tpu.memory_space<vmem>>) semaphore(%arg12 : memref<!tpu.dma_semaphore, #tpu.memory_space<semaphore_mem>>)
    %add3A_58 = arith.constant 16 : i32
    %add3A_59 = arith.addi %arg1, %add3A_58 : i32
    %mul3A_60 = arith.constant 64 : i32
    %mul3A_61 = arith.muli %add3A_59, %mul3A_60 : i32
    %dma_wait3A_62 = arith.constant 0 : i32
    %dma_wait3A_63 = tpu.memref_slice %arg2[%dma_wait3A_62, %mul3A_61] : memref<2x800000xi32, #tpu.memory_space<hbm>> -> memref<1x64xi32, #tpu.memory_space<hbm>>
    %dma_wait3A_64 = tpu.memref_squeeze %dma_wait3A_63 : memref<1x64xi32, #tpu.memory_space<hbm>> -> memref<64xi32, #tpu.memory_space<hbm>>
    %dma_wait3A_65 = tpu.memref_slice %arg2[%dma_wait3A_62, %mul3A_61] : memref<2x800000xi32, #tpu.memory_space<hbm>> -> memref<1x64xi32, #tpu.memory_space<hbm>>
    %dma_wait3A_66 = tpu.memref_squeeze %dma_wait3A_65 : memref<1x64xi32, #tpu.memory_space<hbm>> -> memref<64xi32, #tpu.memory_space<hbm>>
    tpu.wait_dma2 semaphore(%arg15 : memref<!tpu.dma_semaphore, #tpu.memory_space<semaphore_mem>>) src(%dma_wait3A_66 : memref<64xi32, #tpu.memory_space<hbm>>) dst(%arg8 : memref<64xi32, #tpu.memory_space<vmem>>)
    %dma_start3A_67 = arith.constant 1 : i32
    %dma_start3A_68 = arith.constant 0 : i32
    %dma_start3A_69 = arith.constant 0 : i32
    %dma_start3A_70 = tpu.memref_slice %arg11[%dma_start3A_67, %dma_start3A_68, %dma_start3A_69] : memref<2x64x40xf32, #tpu.memory_space<vmem>> -> memref<1x64x40xf32, #tpu.memory_space<vmem>>
    %dma_start3A_71 = tpu.memref_squeeze %dma_start3A_70 : memref<1x64x40xf32, #tpu.memory_space<vmem>> -> memref<64x40xf32, #tpu.memory_space<vmem>>
    %dma_start3A_72 = arith.constant 0 : i32
    %dma_start3A_73 = arith.constant 0 : i32
    %dma_start3A_74 = tpu.memref_slice %arg3[%arg0, %dma_start3A_72, %dma_start3A_73] : memref<2x50176x40xf32, #tpu.memory_space<hbm>> -> memref<1x50176x40xf32, #tpu.memory_space<hbm>>
    %dma_start3A_75 = tpu.memref_squeeze %dma_start3A_74 : memref<1x50176x40xf32, #tpu.memory_space<hbm>> -> memref<50176x40xf32, #tpu.memory_space<hbm>>
    %dma_start3A_76 = arith.constant 0 : i32
    %dma_start3A_77 = arith.constant 0 : i32
    %dma_start3A_78 = tpu.memref_slice %dma_start3A_75[%dma_start3A_76, %dma_start3A_77] : memref<50176x40xf32, #tpu.memory_space<hbm>> -> memref<50176x40xf32, #tpu.memory_space<hbm>>
    tpu.enqueue_indirect_dma source(%dma_start3A_78 : memref<50176x40xf32, #tpu.memory_space<hbm>>) target(%dma_start3A_71 : memref<64x40xf32, #tpu.memory_space<vmem>>) offsets(%arg8 : memref<64xi32, #tpu.memory_space<vmem>>) semaphore(%arg13 : memref<!tpu.dma_semaphore, #tpu.memory_space<semaphore_mem>>)
    %scan3A_79 = arith.constant 0 : i32
    %scan3A_80 = arith.constant 0 : i32
    %scan3A_81 = arith.constant 391 : i32
    %scan3A_82 = arith.addi %scan3A_80, %scan3A_81 : i32
    %scan3A_83 = arith.constant 1 : i32
    scf.for %scan3A_92 = %scan3A_80 to %scan3A_82 step %scan3A_83  : i32 {
      %mul3A_93 = arith.constant 2 : i32
      %mul3A_94 = arith.muli %mul3A_93, %scan3A_92 : i32
      %add3A_95 = arith.constant 0 : i32
      %add3A_96 = arith.addi %mul3A_94, %add3A_95 : i32
      %mul3A_97 = arith.constant 16 : i32
      %mul3A_98 = arith.muli %add3A_96, %mul3A_97 : i32
      %add3A_99 = arith.addi %arg1, %mul3A_98 : i32
      %lt3A = arith.constant 12500 : i32
      %lt3A_100 = arith.cmpi slt, %add3A_99, %lt3A : i32
      %convert_element_type3A = arith.extui %lt3A_100 : i1 to i32
      %cond3A = arith.constant 0 : i32
      %cond3A_101 = arith.cmpi ne, %convert_element_type3A, %cond3A : i32
      scf.if %cond3A_101 {
        %dma_wait3A_114 = arith.constant 0 : i32
        %dma_wait3A_115 = arith.constant 0 : i32
        %dma_wait3A_116 = arith.constant 0 : i32
        %dma_wait3A_117 = tpu.memref_slice %arg11[%dma_wait3A_114, %dma_wait3A_115, %dma_wait3A_116] : memref<2x64x40xf32, #tpu.memory_space<vmem>> -> memref<1x64x40xf32, #tpu.memory_space<vmem>>
        %dma_wait3A_118 = tpu.memref_squeeze %dma_wait3A_117 : memref<1x64x40xf32, #tpu.memory_space<vmem>> -> memref<64x40xf32, #tpu.memory_space<vmem>>
        %dma_wait3A_119 = arith.constant 0 : i32
        %dma_wait3A_120 = arith.constant 0 : i32
        %dma_wait3A_121 = tpu.memref_slice %arg3[%arg0, %dma_wait3A_119, %dma_wait3A_120] : memref<2x50176x40xf32, #tpu.memory_space<hbm>> -> memref<1x50176x40xf32, #tpu.memory_space<hbm>>
        %dma_wait3A_122 = tpu.memref_squeeze %dma_wait3A_121 : memref<1x50176x40xf32, #tpu.memory_space<hbm>> -> memref<50176x40xf32, #tpu.memory_space<hbm>>
        %dma_wait3A_123 = arith.constant 0 : i32
        %dma_wait3A_124 = arith.constant 0 : i32
        %dma_wait3A_125 = tpu.memref_slice %dma_wait3A_122[%dma_wait3A_123, %dma_wait3A_124] : memref<50176x40xf32, #tpu.memory_space<hbm>> -> memref<50176x40xf32, #tpu.memory_space<hbm>>
        tpu.wait_indirect_dma semaphore(%arg12 : memref<!tpu.dma_semaphore, #tpu.memory_space<semaphore_mem>>) src(%dma_wait3A_125 : memref<50176x40xf32, #tpu.memory_space<hbm>>) dst(%dma_wait3A_118 : memref<64x40xf32, #tpu.memory_space<vmem>>)
        %mul3A_126 = arith.constant 16 : i32
        %mul3A_127 = arith.muli %add3A_96, %mul3A_126 : i32
        %add3A_128 = arith.addi %arg1, %mul3A_127 : i32
        %mul3A_129 = arith.constant 64 : i32
        %mul3A_130 = arith.muli %add3A_128, %mul3A_129 : i32
        %dma_wait3A_131 = arith.constant 1 : i32
        %dma_wait3A_132 = tpu.memref_slice %arg2[%dma_wait3A_131, %mul3A_130] : memref<2x800000xi32, #tpu.memory_space<hbm>> -> memref<1x64xi32, #tpu.memory_space<hbm>>
        %dma_wait3A_133 = tpu.memref_squeeze %dma_wait3A_132 : memref<1x64xi32, #tpu.memory_space<hbm>> -> memref<64xi32, #tpu.memory_space<hbm>>
        %dma_wait3A_134 = tpu.memref_slice %arg2[%dma_wait3A_131, %mul3A_130] : memref<2x800000xi32, #tpu.memory_space<hbm>> -> memref<1x64xi32, #tpu.memory_space<hbm>>
        %dma_wait3A_135 = tpu.memref_squeeze %dma_wait3A_134 : memref<1x64xi32, #tpu.memory_space<hbm>> -> memref<64xi32, #tpu.memory_space<hbm>>
        tpu.wait_dma2 semaphore(%arg16 : memref<!tpu.dma_semaphore, #tpu.memory_space<semaphore_mem>>) src(%dma_wait3A_135 : memref<64xi32, #tpu.memory_space<hbm>>) dst(%arg9 : memref<64xi32, #tpu.memory_space<vmem>>)
        %run_scoped3A = arith.constant 0 : i32
        "tpu.region"() ({
          %run_scoped3A_146 = tpu.sem_alloc : memref<!tpu.dma_semaphore, #tpu.memory_space<semaphore_mem>>
          %dma_start3A_147 = arith.constant 0 : i32
          %dma_start3A_148 = arith.constant 0 : i32
          %dma_start3A_149 = tpu.memref_slice %arg11[%run_scoped3A, %dma_start3A_147, %dma_start3A_148] : memref<2x64x40xf32, #tpu.memory_space<vmem>> -> memref<1x64x40xf32, #tpu.memory_space<vmem>>
          %dma_start3A_150 = tpu.memref_squeeze %dma_start3A_149 : memref<1x64x40xf32, #tpu.memory_space<vmem>> -> memref<64x40xf32, #tpu.memory_space<vmem>>
          %dma_start3A_151 = arith.constant 0 : i32
          %dma_start3A_152 = arith.constant 0 : i32
          %dma_start3A_153 = tpu.memref_slice %arg6[%dma_start3A_151, %dma_start3A_152] : memref<50176x40xf32, #tpu.memory_space<vmem_shared>> -> memref<50176x40xf32, #tpu.memory_space<vmem_shared>>
          tpu.enqueue_indirect_dma source(%dma_start3A_150 : memref<64x40xf32, #tpu.memory_space<vmem>>) target(%dma_start3A_153 : memref<50176x40xf32, #tpu.memory_space<vmem_shared>>) offsets(%arg9 : memref<64xi32, #tpu.memory_space<vmem>>) semaphore(%run_scoped3A_146 : memref<!tpu.dma_semaphore, #tpu.memory_space<semaphore_mem>>) {add = true}
          %dma_wait3A_154 = arith.constant 0 : i32
          %dma_wait3A_155 = arith.constant 0 : i32
          %dma_wait3A_156 = tpu.memref_slice %arg11[%run_scoped3A, %dma_wait3A_154, %dma_wait3A_155] : memref<2x64x40xf32, #tpu.memory_space<vmem>> -> memref<1x64x40xf32, #tpu.memory_space<vmem>>
          %dma_wait3A_157 = tpu.memref_squeeze %dma_wait3A_156 : memref<1x64x40xf32, #tpu.memory_space<vmem>> -> memref<64x40xf32, #tpu.memory_space<vmem>>
          %dma_wait3A_158 = arith.constant 0 : i32
          %dma_wait3A_159 = arith.constant 0 : i32
          %dma_wait3A_160 = tpu.memref_slice %arg6[%dma_wait3A_158, %dma_wait3A_159] : memref<50176x40xf32, #tpu.memory_space<vmem_shared>> -> memref<50176x40xf32, #tpu.memory_space<vmem_shared>>
          tpu.wait_indirect_dma semaphore(%run_scoped3A_146 : memref<!tpu.dma_semaphore, #tpu.memory_space<semaphore_mem>>) src(%dma_wait3A_157 : memref<64x40xf32, #tpu.memory_space<vmem>>) dst(%dma_wait3A_160 : memref<50176x40xf32, #tpu.memory_space<vmem_shared>>)
          tpu.yield
        }) : () -> ()
        %add3A_136 = arith.constant 2 : i32
        %add3A_137 = arith.addi %add3A_96, %add3A_136 : i32
        %mul3A_138 = arith.constant 16 : i32
        %mul3A_139 = arith.muli %add3A_137, %mul3A_138 : i32
        %add3A_140 = arith.addi %arg1, %mul3A_139 : i32
        %lt3A_141 = arith.constant 12500 : i32
        %lt3A_142 = arith.cmpi slt, %add3A_140, %lt3A_141 : i32
        %convert_element_type3A_143 = arith.extui %lt3A_142 : i1 to i32
        %cond3A_144 = arith.constant 0 : i32
        %cond3A_145 = arith.cmpi ne, %convert_element_type3A_143, %cond3A_144 : i32
        scf.if %cond3A_145 {
          %add3A_146 = arith.constant 2 : i32
          %add3A_147 = arith.addi %add3A_96, %add3A_146 : i32
          %mul3A_148 = arith.constant 16 : i32
          %mul3A_149 = arith.muli %add3A_147, %mul3A_148 : i32
          %add3A_150 = arith.addi %arg1, %mul3A_149 : i32
          %mul3A_151 = arith.constant 64 : i32
          %mul3A_152 = arith.muli %add3A_150, %mul3A_151 : i32
          %dma_start3A_153 = arith.constant 1 : i32
          %dma_start3A_154 = tpu.memref_slice %arg2[%dma_start3A_153, %mul3A_152] : memref<2x800000xi32, #tpu.memory_space<hbm>> -> memref<1x64xi32, #tpu.memory_space<hbm>>
          %dma_start3A_155 = tpu.memref_squeeze %dma_start3A_154 : memref<1x64xi32, #tpu.memory_space<hbm>> -> memref<64xi32, #tpu.memory_space<hbm>>
          %dma_start3A_156 = tpu.memref_slice %arg2[%dma_start3A_153, %mul3A_152] : memref<2x800000xi32, #tpu.memory_space<hbm>> -> memref<1x64xi32, #tpu.memory_space<hbm>>
          %dma_start3A_157 = tpu.memref_squeeze %dma_start3A_156 : memref<1x64xi32, #tpu.memory_space<hbm>> -> memref<64xi32, #tpu.memory_space<hbm>>
          tpu.enqueue_dma source(%dma_start3A_157 : memref<64xi32, #tpu.memory_space<hbm>>) target(%arg9 : memref<64xi32, #tpu.memory_space<vmem>>) target_semaphore(%arg16 : memref<!tpu.dma_semaphore, #tpu.memory_space<semaphore_mem>>)
          %add3A_158 = arith.constant 2 : i32
          %add3A_159 = arith.addi %add3A_96, %add3A_158 : i32
          %mul3A_160 = arith.constant 16 : i32
          %mul3A_161 = arith.muli %add3A_159, %mul3A_160 : i32
          %add3A_162 = arith.addi %arg1, %mul3A_161 : i32
          %mul3A_163 = arith.constant 64 : i32
          %mul3A_164 = arith.muli %add3A_162, %mul3A_163 : i32
          %dma_start3A_165 = arith.constant 0 : i32
          %dma_start3A_166 = tpu.memref_slice %arg2[%dma_start3A_165, %mul3A_164] : memref<2x800000xi32, #tpu.memory_space<hbm>> -> memref<1x64xi32, #tpu.memory_space<hbm>>
          %dma_start3A_167 = tpu.memref_squeeze %dma_start3A_166 : memref<1x64xi32, #tpu.memory_space<hbm>> -> memref<64xi32, #tpu.memory_space<hbm>>
          %dma_start3A_168 = tpu.memref_slice %arg2[%dma_start3A_165, %mul3A_164] : memref<2x800000xi32, #tpu.memory_space<hbm>> -> memref<1x64xi32, #tpu.memory_space<hbm>>
          %dma_start3A_169 = tpu.memref_squeeze %dma_start3A_168 : memref<1x64xi32, #tpu.memory_space<hbm>> -> memref<64xi32, #tpu.memory_space<hbm>>
          tpu.enqueue_dma source(%dma_start3A_169 : memref<64xi32, #tpu.memory_space<hbm>>) target(%arg7 : memref<64xi32, #tpu.memory_space<vmem>>) target_semaphore(%arg14 : memref<!tpu.dma_semaphore, #tpu.memory_space<semaphore_mem>>)
          %add3A_170 = arith.constant 2 : i32
          %add3A_171 = arith.addi %add3A_96, %add3A_170 : i32
          %mul3A_172 = arith.constant 16 : i32
          %mul3A_173 = arith.muli %add3A_171, %mul3A_172 : i32
          %add3A_174 = arith.addi %arg1, %mul3A_173 : i32
          %mul3A_175 = arith.constant 64 : i32
          %mul3A_176 = arith.muli %add3A_174, %mul3A_175 : i32
          %dma_wait3A_177 = arith.constant 0 : i32
          %dma_wait3A_178 = tpu.memref_slice %arg2[%dma_wait3A_177, %mul3A_176] : memref<2x800000xi32, #tpu.memory_space<hbm>> -> memref<1x64xi32, #tpu.memory_space<hbm>>
          %dma_wait3A_179 = tpu.memref_squeeze %dma_wait3A_178 : memref<1x64xi32, #tpu.memory_space<hbm>> -> memref<64xi32, #tpu.memory_space<hbm>>
          %dma_wait3A_180 = tpu.memref_slice %arg2[%dma_wait3A_177, %mul3A_176] : memref<2x800000xi32, #tpu.memory_space<hbm>> -> memref<1x64xi32, #tpu.memory_space<hbm>>
          %dma_wait3A_181 = tpu.memref_squeeze %dma_wait3A_180 : memref<1x64xi32, #tpu.memory_space<hbm>> -> memref<64xi32, #tpu.memory_space<hbm>>
          tpu.wait_dma2 semaphore(%arg14 : memref<!tpu.dma_semaphore, #tpu.memory_space<semaphore_mem>>) src(%dma_wait3A_181 : memref<64xi32, #tpu.memory_space<hbm>>) dst(%arg7 : memref<64xi32, #tpu.memory_space<vmem>>)
          %dma_start3A_182 = arith.constant 0 : i32
          %dma_start3A_183 = arith.constant 0 : i32
          %dma_start3A_184 = arith.constant 0 : i32
          %dma_start3A_185 = tpu.memref_slice %arg11[%dma_start3A_182, %dma_start3A_183, %dma_start3A_184] : memref<2x64x40xf32, #tpu.memory_space<vmem>> -> memref<1x64x40xf32, #tpu.memory_space<vmem>>
          %dma_start3A_186 = tpu.memref_squeeze %dma_start3A_185 : memref<1x64x40xf32, #tpu.memory_space<vmem>> -> memref<64x40xf32, #tpu.memory_space<vmem>>
          %dma_start3A_187 = arith.constant 0 : i32
          %dma_start3A_188 = arith.constant 0 : i32
          %dma_start3A_189 = tpu.memref_slice %arg3[%arg0, %dma_start3A_187, %dma_start3A_188] : memref<2x50176x40xf32, #tpu.memory_space<hbm>> -> memref<1x50176x40xf32, #tpu.memory_space<hbm>>
          %dma_start3A_190 = tpu.memref_squeeze %dma_start3A_189 : memref<1x50176x40xf32, #tpu.memory_space<hbm>> -> memref<50176x40xf32, #tpu.memory_space<hbm>>
          %dma_start3A_191 = arith.constant 0 : i32
          %dma_start3A_192 = arith.constant 0 : i32
          %dma_start3A_193 = tpu.memref_slice %dma_start3A_190[%dma_start3A_191, %dma_start3A_192] : memref<50176x40xf32, #tpu.memory_space<hbm>> -> memref<50176x40xf32, #tpu.memory_space<hbm>>
          tpu.enqueue_indirect_dma source(%dma_start3A_193 : memref<50176x40xf32, #tpu.memory_space<hbm>>) target(%dma_start3A_186 : memref<64x40xf32, #tpu.memory_space<vmem>>) offsets(%arg7 : memref<64xi32, #tpu.memory_space<vmem>>) semaphore(%arg12 : memref<!tpu.dma_semaphore, #tpu.memory_space<semaphore_mem>>)
        } else {
        }
      } else {
      }
      %mul3A_102 = arith.constant 2 : i32
      %mul3A_103 = arith.muli %mul3A_102, %scan3A_92 : i32
      %add3A_104 = arith.constant 1 : i32
      %add3A_105 = arith.addi %mul3A_103, %add3A_104 : i32
      %mul3A_106 = arith.constant 16 : i32
      %mul3A_107 = arith.muli %add3A_105, %mul3A_106 : i32
      %add3A_108 = arith.addi %arg1, %mul3A_107 : i32
      %lt3A_109 = arith.constant 12500 : i32
      %lt3A_110 = arith.cmpi slt, %add3A_108, %lt3A_109 : i32
      %convert_element_type3A_111 = arith.extui %lt3A_110 : i1 to i32
      %cond3A_112 = arith.constant 0 : i32
      %cond3A_113 = arith.cmpi ne, %convert_element_type3A_111, %cond3A_112 : i32
      scf.if %cond3A_113 {
        %dma_wait3A_114 = arith.constant 1 : i32
        %dma_wait3A_115 = arith.constant 0 : i32
        %dma_wait3A_116 = arith.constant 0 : i32
        %dma_wait3A_117 = tpu.memref_slice %arg11[%dma_wait3A_114, %dma_wait3A_115, %dma_wait3A_116] : memref<2x64x40xf32, #tpu.memory_space<vmem>> -> memref<1x64x40xf32, #tpu.memory_space<vmem>>
        %dma_wait3A_118 = tpu.memref_squeeze %dma_wait3A_117 : memref<1x64x40xf32, #tpu.memory_space<vmem>> -> memref<64x40xf32, #tpu.memory_space<vmem>>
        %dma_wait3A_119 = arith.constant 0 : i32
        %dma_wait3A_120 = arith.constant 0 : i32
        %dma_wait3A_121 = tpu.memref_slice %arg3[%arg0, %dma_wait3A_119, %dma_wait3A_120] : memref<2x50176x40xf32, #tpu.memory_space<hbm>> -> memref<1x50176x40xf32, #tpu.memory_space<hbm>>
        %dma_wait3A_122 = tpu.memref_squeeze %dma_wait3A_121 : memref<1x50176x40xf32, #tpu.memory_space<hbm>> -> memref<50176x40xf32, #tpu.memory_space<hbm>>
        %dma_wait3A_123 = arith.constant 0 : i32
        %dma_wait3A_124 = arith.constant 0 : i32
        %dma_wait3A_125 = tpu.memref_slice %dma_wait3A_122[%dma_wait3A_123, %dma_wait3A_124] : memref<50176x40xf32, #tpu.memory_space<hbm>> -> memref<50176x40xf32, #tpu.memory_space<hbm>>
        tpu.wait_indirect_dma semaphore(%arg13 : memref<!tpu.dma_semaphore, #tpu.memory_space<semaphore_mem>>) src(%dma_wait3A_125 : memref<50176x40xf32, #tpu.memory_space<hbm>>) dst(%dma_wait3A_118 : memref<64x40xf32, #tpu.memory_space<vmem>>)
        %mul3A_126 = arith.constant 16 : i32
        %mul3A_127 = arith.muli %add3A_105, %mul3A_126 : i32
        %add3A_128 = arith.addi %arg1, %mul3A_127 : i32
        %mul3A_129 = arith.constant 64 : i32
        %mul3A_130 = arith.muli %add3A_128, %mul3A_129 : i32
        %dma_wait3A_131 = arith.constant 1 : i32
        %dma_wait3A_132 = tpu.memref_slice %arg2[%dma_wait3A_131, %mul3A_130] : memref<2x800000xi32, #tpu.memory_space<hbm>> -> memref<1x64xi32, #tpu.memory_space<hbm>>
        %dma_wait3A_133 = tpu.memref_squeeze %dma_wait3A_132 : memref<1x64xi32, #tpu.memory_space<hbm>> -> memref<64xi32, #tpu.memory_space<hbm>>
        %dma_wait3A_134 = tpu.memref_slice %arg2[%dma_wait3A_131, %mul3A_130] : memref<2x800000xi32, #tpu.memory_space<hbm>> -> memref<1x64xi32, #tpu.memory_space<hbm>>
        %dma_wait3A_135 = tpu.memref_squeeze %dma_wait3A_134 : memref<1x64xi32, #tpu.memory_space<hbm>> -> memref<64xi32, #tpu.memory_space<hbm>>
        tpu.wait_dma2 semaphore(%arg17 : memref<!tpu.dma_semaphore, #tpu.memory_space<semaphore_mem>>) src(%dma_wait3A_135 : memref<64xi32, #tpu.memory_space<hbm>>) dst(%arg10 : memref<64xi32, #tpu.memory_space<vmem>>)
        %run_scoped3A = arith.constant 1 : i32
        "tpu.region"() ({
          %run_scoped3A_146 = tpu.sem_alloc : memref<!tpu.dma_semaphore, #tpu.memory_space<semaphore_mem>>
          %dma_start3A_147 = arith.constant 0 : i32
          %dma_start3A_148 = arith.constant 0 : i32
          %dma_start3A_149 = tpu.memref_slice %arg11[%run_scoped3A, %dma_start3A_147, %dma_start3A_148] : memref<2x64x40xf32, #tpu.memory_space<vmem>> -> memref<1x64x40xf32, #tpu.memory_space<vmem>>
          %dma_start3A_150 = tpu.memref_squeeze %dma_start3A_149 : memref<1x64x40xf32, #tpu.memory_space<vmem>> -> memref<64x40xf32, #tpu.memory_space<vmem>>
          %dma_start3A_151 = arith.constant 0 : i32
          %dma_start3A_152 = arith.constant 0 : i32
          %dma_start3A_153 = tpu.memref_slice %arg6[%dma_start3A_151, %dma_start3A_152] : memref<50176x40xf32, #tpu.memory_space<vmem_shared>> -> memref<50176x40xf32, #tpu.memory_space<vmem_shared>>
          tpu.enqueue_indirect_dma source(%dma_start3A_150 : memref<64x40xf32, #tpu.memory_space<vmem>>) target(%dma_start3A_153 : memref<50176x40xf32, #tpu.memory_space<vmem_shared>>) offsets(%arg10 : memref<64xi32, #tpu.memory_space<vmem>>) semaphore(%run_scoped3A_146 : memref<!tpu.dma_semaphore, #tpu.memory_space<semaphore_mem>>) {add = true}
          %dma_wait3A_154 = arith.constant 0 : i32
          %dma_wait3A_155 = arith.constant 0 : i32
          %dma_wait3A_156 = tpu.memref_slice %arg11[%run_scoped3A, %dma_wait3A_154, %dma_wait3A_155] : memref<2x64x40xf32, #tpu.memory_space<vmem>> -> memref<1x64x40xf32, #tpu.memory_space<vmem>>
          %dma_wait3A_157 = tpu.memref_squeeze %dma_wait3A_156 : memref<1x64x40xf32, #tpu.memory_space<vmem>> -> memref<64x40xf32, #tpu.memory_space<vmem>>
          %dma_wait3A_158 = arith.constant 0 : i32
          %dma_wait3A_159 = arith.constant 0 : i32
          %dma_wait3A_160 = tpu.memref_slice %arg6[%dma_wait3A_158, %dma_wait3A_159] : memref<50176x40xf32, #tpu.memory_space<vmem_shared>> -> memref<50176x40xf32, #tpu.memory_space<vmem_shared>>
          tpu.wait_indirect_dma semaphore(%run_scoped3A_146 : memref<!tpu.dma_semaphore, #tpu.memory_space<semaphore_mem>>) src(%dma_wait3A_157 : memref<64x40xf32, #tpu.memory_space<vmem>>) dst(%dma_wait3A_160 : memref<50176x40xf32, #tpu.memory_space<vmem_shared>>)
          tpu.yield
        }) : () -> ()
        %add3A_136 = arith.constant 2 : i32
        %add3A_137 = arith.addi %add3A_105, %add3A_136 : i32
        %mul3A_138 = arith.constant 16 : i32
        %mul3A_139 = arith.muli %add3A_137, %mul3A_138 : i32
        %add3A_140 = arith.addi %arg1, %mul3A_139 : i32
        %lt3A_141 = arith.constant 12500 : i32
        %lt3A_142 = arith.cmpi slt, %add3A_140, %lt3A_141 : i32
        %convert_element_type3A_143 = arith.extui %lt3A_142 : i1 to i32
        %cond3A_144 = arith.constant 0 : i32
        %cond3A_145 = arith.cmpi ne, %convert_element_type3A_143, %cond3A_144 : i32
        scf.if %cond3A_145 {
          %add3A_146 = arith.constant 2 : i32
          %add3A_147 = arith.addi %add3A_105, %add3A_146 : i32
          %mul3A_148 = arith.constant 16 : i32
          %mul3A_149 = arith.muli %add3A_147, %mul3A_148 : i32
          %add3A_150 = arith.addi %arg1, %mul3A_149 : i32
          %mul3A_151 = arith.constant 64 : i32
          %mul3A_152 = arith.muli %add3A_150, %mul3A_151 : i32
          %dma_start3A_153 = arith.constant 1 : i32
          %dma_start3A_154 = tpu.memref_slice %arg2[%dma_start3A_153, %mul3A_152] : memref<2x800000xi32, #tpu.memory_space<hbm>> -> memref<1x64xi32, #tpu.memory_space<hbm>>
          %dma_start3A_155 = tpu.memref_squeeze %dma_start3A_154 : memref<1x64xi32, #tpu.memory_space<hbm>> -> memref<64xi32, #tpu.memory_space<hbm>>
          %dma_start3A_156 = tpu.memref_slice %arg2[%dma_start3A_153, %mul3A_152] : memref<2x800000xi32, #tpu.memory_space<hbm>> -> memref<1x64xi32, #tpu.memory_space<hbm>>
          %dma_start3A_157 = tpu.memref_squeeze %dma_start3A_156 : memref<1x64xi32, #tpu.memory_space<hbm>> -> memref<64xi32, #tpu.memory_space<hbm>>
          tpu.enqueue_dma source(%dma_start3A_157 : memref<64xi32, #tpu.memory_space<hbm>>) target(%arg10 : memref<64xi32, #tpu.memory_space<vmem>>) target_semaphore(%arg17 : memref<!tpu.dma_semaphore, #tpu.memory_space<semaphore_mem>>)
          %add3A_158 = arith.constant 2 : i32
          %add3A_159 = arith.addi %add3A_105, %add3A_158 : i32
          %mul3A_160 = arith.constant 16 : i32
          %mul3A_161 = arith.muli %add3A_159, %mul3A_160 : i32
          %add3A_162 = arith.addi %arg1, %mul3A_161 : i32
          %mul3A_163 = arith.constant 64 : i32
          %mul3A_164 = arith.muli %add3A_162, %mul3A_163 : i32
          %dma_start3A_165 = arith.constant 0 : i32
          %dma_start3A_166 = tpu.memref_slice %arg2[%dma_start3A_165, %mul3A_164] : memref<2x800000xi32, #tpu.memory_space<hbm>> -> memref<1x64xi32, #tpu.memory_space<hbm>>
          %dma_start3A_167 = tpu.memref_squeeze %dma_start3A_166 : memref<1x64xi32, #tpu.memory_space<hbm>> -> memref<64xi32, #tpu.memory_space<hbm>>
          %dma_start3A_168 = tpu.memref_slice %arg2[%dma_start3A_165, %mul3A_164] : memref<2x800000xi32, #tpu.memory_space<hbm>> -> memref<1x64xi32, #tpu.memory_space<hbm>>
          %dma_start3A_169 = tpu.memref_squeeze %dma_start3A_168 : memref<1x64xi32, #tpu.memory_space<hbm>> -> memref<64xi32, #tpu.memory_space<hbm>>
          tpu.enqueue_dma source(%dma_start3A_169 : memref<64xi32, #tpu.memory_space<hbm>>) target(%arg8 : memref<64xi32, #tpu.memory_space<vmem>>) target_semaphore(%arg15 : memref<!tpu.dma_semaphore, #tpu.memory_space<semaphore_mem>>)
          %add3A_170 = arith.constant 2 : i32
          %add3A_171 = arith.addi %add3A_105, %add3A_170 : i32
          %mul3A_172 = arith.constant 16 : i32
          %mul3A_173 = arith.muli %add3A_171, %mul3A_172 : i32
          %add3A_174 = arith.addi %arg1, %mul3A_173 : i32
          %mul3A_175 = arith.constant 64 : i32
          %mul3A_176 = arith.muli %add3A_174, %mul3A_175 : i32
          %dma_wait3A_177 = arith.constant 0 : i32
          %dma_wait3A_178 = tpu.memref_slice %arg2[%dma_wait3A_177, %mul3A_176] : memref<2x800000xi32, #tpu.memory_space<hbm>> -> memref<1x64xi32, #tpu.memory_space<hbm>>
          %dma_wait3A_179 = tpu.memref_squeeze %dma_wait3A_178 : memref<1x64xi32, #tpu.memory_space<hbm>> -> memref<64xi32, #tpu.memory_space<hbm>>
          %dma_wait3A_180 = tpu.memref_slice %arg2[%dma_wait3A_177, %mul3A_176] : memref<2x800000xi32, #tpu.memory_space<hbm>> -> memref<1x64xi32, #tpu.memory_space<hbm>>
          %dma_wait3A_181 = tpu.memref_squeeze %dma_wait3A_180 : memref<1x64xi32, #tpu.memory_space<hbm>> -> memref<64xi32, #tpu.memory_space<hbm>>
          tpu.wait_dma2 semaphore(%arg15 : memref<!tpu.dma_semaphore, #tpu.memory_space<semaphore_mem>>) src(%dma_wait3A_181 : memref<64xi32, #tpu.memory_space<hbm>>) dst(%arg8 : memref<64xi32, #tpu.memory_space<vmem>>)
          %dma_start3A_182 = arith.constant 1 : i32
          %dma_start3A_183 = arith.constant 0 : i32
          %dma_start3A_184 = arith.constant 0 : i32
          %dma_start3A_185 = tpu.memref_slice %arg11[%dma_start3A_182, %dma_start3A_183, %dma_start3A_184] : memref<2x64x40xf32, #tpu.memory_space<vmem>> -> memref<1x64x40xf32, #tpu.memory_space<vmem>>
          %dma_start3A_186 = tpu.memref_squeeze %dma_start3A_185 : memref<1x64x40xf32, #tpu.memory_space<vmem>> -> memref<64x40xf32, #tpu.memory_space<vmem>>
          %dma_start3A_187 = arith.constant 0 : i32
          %dma_start3A_188 = arith.constant 0 : i32
          %dma_start3A_189 = tpu.memref_slice %arg3[%arg0, %dma_start3A_187, %dma_start3A_188] : memref<2x50176x40xf32, #tpu.memory_space<hbm>> -> memref<1x50176x40xf32, #tpu.memory_space<hbm>>
          %dma_start3A_190 = tpu.memref_squeeze %dma_start3A_189 : memref<1x50176x40xf32, #tpu.memory_space<hbm>> -> memref<50176x40xf32, #tpu.memory_space<hbm>>
          %dma_start3A_191 = arith.constant 0 : i32
          %dma_start3A_192 = arith.constant 0 : i32
          %dma_start3A_193 = tpu.memref_slice %dma_start3A_190[%dma_start3A_191, %dma_start3A_192] : memref<50176x40xf32, #tpu.memory_space<hbm>> -> memref<50176x40xf32, #tpu.memory_space<hbm>>
          tpu.enqueue_indirect_dma source(%dma_start3A_193 : memref<50176x40xf32, #tpu.memory_space<hbm>>) target(%dma_start3A_186 : memref<64x40xf32, #tpu.memory_space<vmem>>) offsets(%arg8 : memref<64xi32, #tpu.memory_space<vmem>>) semaphore(%arg13 : memref<!tpu.dma_semaphore, #tpu.memory_space<semaphore_mem>>)
        } else {
        }
      } else {
      }
    }
    %scan3A_84 = arith.constant 391 : i32
    %barrier3A_85 = arith.constant 0 : index
    tpu.barrier barrier_id(%barrier3A_85)
    %scan3A_86 = arith.constant 0 : i32
    %scan3A_87 = arith.constant 0 : i32
    %scan3A_88 = arith.constant 25 : i32
    %scan3A_89 = arith.addi %scan3A_87, %scan3A_88 : i32
    %scan3A_90 = arith.constant 1 : i32
    scf.for %scan3A_92 = %scan3A_87 to %scan3A_89 step %scan3A_90  : i32 {
      %mul3A_93 = arith.constant 16 : i32
      %mul3A_94 = arith.muli %scan3A_92, %mul3A_93 : i32
      %add3A_95 = arith.addi %arg1, %mul3A_94 : i32
      %lt3A = arith.constant 392 : i32
      %lt3A_96 = arith.cmpi slt, %add3A_95, %lt3A : i32
      %convert_element_type3A = arith.extui %lt3A_96 : i1 to i32
      %cond3A = arith.constant 0 : i32
      %cond3A_97 = arith.cmpi ne, %convert_element_type3A, %cond3A : i32
      scf.if %cond3A_97 {
        %mul3A_98 = arith.constant 128 : i32
        %mul3A_99 = arith.muli %add3A_95, %mul3A_98 : i32
        %mul3A_100 = arith.constant 128 : i32
        %mul3A_101 = arith.muli %add3A_95, %mul3A_100 : i32
        "tpu.region"() ({
          %run_scoped3A = tpu.sem_alloc : memref<!tpu.dma_semaphore, #tpu.memory_space<semaphore_mem>>
          %dma_start3A_102 = arith.constant 0 : i32
          %dma_start3A_103 = arith.constant 0 : i32
          %dma_start3A_104 = tpu.memref_slice %arg5[%arg0, %dma_start3A_102, %dma_start3A_103] : memref<2x50176x40xf32, #tpu.memory_space<hbm>> -> memref<1x50176x40xf32, #tpu.memory_space<hbm>>
          %dma_start3A_105 = tpu.memref_squeeze %dma_start3A_104 : memref<1x50176x40xf32, #tpu.memory_space<hbm>> -> memref<50176x40xf32, #tpu.memory_space<hbm>>
          %dma_start3A_106 = arith.constant 0 : i32
          %dma_start3A_107 = tpu.memref_slice %dma_start3A_105[%mul3A_101, %dma_start3A_106] : memref<50176x40xf32, #tpu.memory_space<hbm>> -> memref<128x40xf32, #tpu.memory_space<hbm>>
          %dma_start3A_108 = arith.constant 0 : i32
          %dma_start3A_109 = tpu.memref_slice %arg6[%mul3A_99, %dma_start3A_108] : memref<50176x40xf32, #tpu.memory_space<vmem_shared>> -> memref<128x40xf32, #tpu.memory_space<vmem_shared>>
          tpu.enqueue_dma source(%dma_start3A_109 : memref<128x40xf32, #tpu.memory_space<vmem_shared>>) target(%dma_start3A_107 : memref<128x40xf32, #tpu.memory_space<hbm>>) target_semaphore(%run_scoped3A : memref<!tpu.dma_semaphore, #tpu.memory_space<semaphore_mem>>)
          %dma_wait3A_110 = arith.constant 0 : i32
          %dma_wait3A_111 = arith.constant 0 : i32
          %dma_wait3A_112 = tpu.memref_slice %arg5[%arg0, %dma_wait3A_110, %dma_wait3A_111] : memref<2x50176x40xf32, #tpu.memory_space<hbm>> -> memref<1x50176x40xf32, #tpu.memory_space<hbm>>
          %dma_wait3A_113 = tpu.memref_squeeze %dma_wait3A_112 : memref<1x50176x40xf32, #tpu.memory_space<hbm>> -> memref<50176x40xf32, #tpu.memory_space<hbm>>
          %dma_wait3A_114 = arith.constant 0 : i32
          %dma_wait3A_115 = tpu.memref_slice %dma_wait3A_113[%mul3A_101, %dma_wait3A_114] : memref<50176x40xf32, #tpu.memory_space<hbm>> -> memref<128x40xf32, #tpu.memory_space<hbm>>
          %dma_wait3A_116 = arith.constant 0 : i32
          %dma_wait3A_117 = tpu.memref_slice %arg6[%mul3A_99, %dma_wait3A_116] : memref<50176x40xf32, #tpu.memory_space<vmem_shared>> -> memref<128x40xf32, #tpu.memory_space<vmem_shared>>
          tpu.wait_dma2 semaphore(%run_scoped3A : memref<!tpu.dma_semaphore, #tpu.memory_space<semaphore_mem>>) src(%dma_wait3A_117 : memref<128x40xf32, #tpu.memory_space<vmem_shared>>) dst(%dma_wait3A_115 : memref<128x40xf32, #tpu.memory_space<hbm>>)
          tpu.yield
        }) : () -> ()
      } else {
      }
    }
    %scan3A_91 = arith.constant 25 : i32
    return
  }
}

#map = affine_map<(d0, d1) -> (0, 0)>
#map1 = affine_map<(d0, d1) -> (0, 0, 0)>
module attributes {stable_mosaic.version = 14 : i64} {
  func.func @body(%arg0: i32, %arg1: i32, %arg2: memref<2x800000xi32, #tpu.memory_space<hbm>>, %arg3: memref<800000x8xf32, #tpu.memory_space<hbm>>, %arg4: memref<128x8xf32, #tpu.memory_space<hbm>>, %arg5: memref<2x50176x8xf32, #tpu.memory_space<hbm>>, %arg6: memref<50176x8xf32, #tpu.memory_space<vmem_shared>>, %arg7: memref<128xi32, #tpu.memory_space<vmem>>, %arg8: memref<128x8xf32, #tpu.memory_space<vmem>>) attributes {dimension_semantics = [#tpu.dimension_semantics<core_parallel>, #tpu.dimension_semantics<subcore_parallel>], iteration_bounds = array<i64: 2, 16>, scalar_prefetch = 0 : i64, scratch_operands = 3 : i64, tpu.core_type = #tpu.core_type<sc_vector_subcore>, window_params = [{transform_indices = #map}, {transform_indices = #map}, {transform_indices = #map}, {transform_indices = #map1}]} {
    %scan3A = arith.constant 0 : i32
    %scan3A_0 = arith.constant 0 : i32
    %scan3A_1 = arith.constant 25 : i32
    %scan3A_2 = arith.addi %scan3A_0, %scan3A_1 : i32
    %scan3A_3 = arith.constant 1 : i32
    scf.for %scan3A_18 = %scan3A_0 to %scan3A_2 step %scan3A_3  : i32 {
      %mul3A = arith.constant 16 : i32
      %mul3A_19 = arith.muli %scan3A_18, %mul3A : i32
      %add3A = arith.addi %arg1, %mul3A_19 : i32
      %lt3A = arith.constant 392 : i32
      %lt3A_20 = arith.cmpi slt, %add3A, %lt3A : i32
      %convert_element_type3A = arith.extui %lt3A_20 : i1 to i32
      %cond3A = arith.constant 0 : i32
      %cond3A_21 = arith.cmpi ne, %convert_element_type3A, %cond3A : i32
      scf.if %cond3A_21 {
        %mul3A_22 = arith.constant 128 : i32
        %mul3A_23 = arith.muli %add3A, %mul3A_22 : i32
        "tpu.region"() ({
          %run_scoped3A = tpu.sem_alloc : memref<!tpu.dma_semaphore, #tpu.memory_space<semaphore_mem>>
          %dma_start3A = arith.constant 0 : i32
          %dma_start3A_24 = tpu.memref_slice %arg6[%mul3A_23, %dma_start3A] : memref<50176x8xf32, #tpu.memory_space<vmem_shared>> -> memref<128x8xf32, #tpu.memory_space<vmem_shared>>
          tpu.enqueue_dma source(%arg4 : memref<128x8xf32, #tpu.memory_space<hbm>>) target(%dma_start3A_24 : memref<128x8xf32, #tpu.memory_space<vmem_shared>>) target_semaphore(%run_scoped3A : memref<!tpu.dma_semaphore, #tpu.memory_space<semaphore_mem>>)
          %dma_wait3A = arith.constant 0 : i32
          %dma_wait3A_25 = tpu.memref_slice %arg6[%mul3A_23, %dma_wait3A] : memref<50176x8xf32, #tpu.memory_space<vmem_shared>> -> memref<128x8xf32, #tpu.memory_space<vmem_shared>>
          tpu.wait_dma2 semaphore(%run_scoped3A : memref<!tpu.dma_semaphore, #tpu.memory_space<semaphore_mem>>) src(%arg4 : memref<128x8xf32, #tpu.memory_space<hbm>>) dst(%dma_wait3A_25 : memref<128x8xf32, #tpu.memory_space<vmem_shared>>)
          tpu.yield
        }) : () -> ()
      } else {
      }
    }
    %scan3A_4 = arith.constant 25 : i32
    %barrier3A = arith.constant 0 : index
    tpu.barrier barrier_id(%barrier3A)
    %scan3A_5 = arith.constant 0 : i32
    %scan3A_6 = arith.constant 0 : i32
    %scan3A_7 = arith.constant 196 : i32
    %scan3A_8 = arith.addi %scan3A_6, %scan3A_7 : i32
    %scan3A_9 = arith.constant 1 : i32
    scf.for %scan3A_18 = %scan3A_6 to %scan3A_8 step %scan3A_9  : i32 {
      %mul3A = arith.constant 16 : i32
      %mul3A_19 = arith.muli %scan3A_18, %mul3A : i32
      %add3A = arith.addi %arg1, %mul3A_19 : i32
      %lt3A = arith.constant 3125 : i32
      %lt3A_20 = arith.cmpi slt, %add3A, %lt3A : i32
      %convert_element_type3A = arith.extui %lt3A_20 : i1 to i32
      %cond3A = arith.constant 0 : i32
      %cond3A_21 = arith.cmpi ne, %convert_element_type3A, %cond3A : i32
      scf.if %cond3A_21 {
        %mul3A_22 = arith.constant 400000 : i32
        %mul3A_23 = arith.muli %arg0, %mul3A_22 : i32
        %mul3A_24 = arith.constant 128 : i32
        %mul3A_25 = arith.muli %add3A, %mul3A_24 : i32
        %add3A_26 = arith.addi %mul3A_23, %mul3A_25 : i32
        %run_scoped3A = arith.constant 1 : i32
        "tpu.region"() ({
          %run_scoped3A_27 = tpu.sem_alloc : memref<!tpu.dma_semaphore, #tpu.memory_space<semaphore_mem>>
          %dma_start3A = tpu.memref_slice %arg2[%run_scoped3A, %add3A_26] : memref<2x800000xi32, #tpu.memory_space<hbm>> -> memref<1x128xi32, #tpu.memory_space<hbm>>
          %dma_start3A_28 = tpu.memref_squeeze %dma_start3A : memref<1x128xi32, #tpu.memory_space<hbm>> -> memref<128xi32, #tpu.memory_space<hbm>>
          %dma_start3A_29 = tpu.memref_slice %arg2[%run_scoped3A, %add3A_26] : memref<2x800000xi32, #tpu.memory_space<hbm>> -> memref<1x128xi32, #tpu.memory_space<hbm>>
          %dma_start3A_30 = tpu.memref_squeeze %dma_start3A_29 : memref<1x128xi32, #tpu.memory_space<hbm>> -> memref<128xi32, #tpu.memory_space<hbm>>
          tpu.enqueue_dma source(%dma_start3A_30 : memref<128xi32, #tpu.memory_space<hbm>>) target(%arg7 : memref<128xi32, #tpu.memory_space<vmem>>) target_semaphore(%run_scoped3A_27 : memref<!tpu.dma_semaphore, #tpu.memory_space<semaphore_mem>>)
          %dma_wait3A = tpu.memref_slice %arg2[%run_scoped3A, %add3A_26] : memref<2x800000xi32, #tpu.memory_space<hbm>> -> memref<1x128xi32, #tpu.memory_space<hbm>>
          %dma_wait3A_31 = tpu.memref_squeeze %dma_wait3A : memref<1x128xi32, #tpu.memory_space<hbm>> -> memref<128xi32, #tpu.memory_space<hbm>>
          %dma_wait3A_32 = tpu.memref_slice %arg2[%run_scoped3A, %add3A_26] : memref<2x800000xi32, #tpu.memory_space<hbm>> -> memref<1x128xi32, #tpu.memory_space<hbm>>
          %dma_wait3A_33 = tpu.memref_squeeze %dma_wait3A_32 : memref<1x128xi32, #tpu.memory_space<hbm>> -> memref<128xi32, #tpu.memory_space<hbm>>
          tpu.wait_dma2 semaphore(%run_scoped3A_27 : memref<!tpu.dma_semaphore, #tpu.memory_space<semaphore_mem>>) src(%dma_wait3A_33 : memref<128xi32, #tpu.memory_space<hbm>>) dst(%arg7 : memref<128xi32, #tpu.memory_space<vmem>>)
          tpu.yield
        }) : () -> ()
        "tpu.region"() ({
          %run_scoped3A_27 = tpu.sem_alloc : memref<!tpu.dma_semaphore, #tpu.memory_space<semaphore_mem>>
          %dma_start3A = arith.constant 0 : i32
          %dma_start3A_28 = tpu.memref_slice %arg3[%add3A_26, %dma_start3A] : memref<800000x8xf32, #tpu.memory_space<hbm>> -> memref<128x8xf32, #tpu.memory_space<hbm>>
          %dma_start3A_29 = arith.constant 0 : i32
          %dma_start3A_30 = tpu.memref_slice %arg3[%add3A_26, %dma_start3A_29] : memref<800000x8xf32, #tpu.memory_space<hbm>> -> memref<128x8xf32, #tpu.memory_space<hbm>>
          tpu.enqueue_dma source(%dma_start3A_30 : memref<128x8xf32, #tpu.memory_space<hbm>>) target(%arg8 : memref<128x8xf32, #tpu.memory_space<vmem>>) target_semaphore(%run_scoped3A_27 : memref<!tpu.dma_semaphore, #tpu.memory_space<semaphore_mem>>)
          %dma_wait3A = arith.constant 0 : i32
          %dma_wait3A_31 = tpu.memref_slice %arg3[%add3A_26, %dma_wait3A] : memref<800000x8xf32, #tpu.memory_space<hbm>> -> memref<128x8xf32, #tpu.memory_space<hbm>>
          %dma_wait3A_32 = arith.constant 0 : i32
          %dma_wait3A_33 = tpu.memref_slice %arg3[%add3A_26, %dma_wait3A_32] : memref<800000x8xf32, #tpu.memory_space<hbm>> -> memref<128x8xf32, #tpu.memory_space<hbm>>
          tpu.wait_dma2 semaphore(%run_scoped3A_27 : memref<!tpu.dma_semaphore, #tpu.memory_space<semaphore_mem>>) src(%dma_wait3A_33 : memref<128x8xf32, #tpu.memory_space<hbm>>) dst(%arg8 : memref<128x8xf32, #tpu.memory_space<vmem>>)
          tpu.yield
        }) : () -> ()
        "tpu.region"() ({
          %run_scoped3A_27 = tpu.sem_alloc : memref<!tpu.dma_semaphore, #tpu.memory_space<semaphore_mem>>
          %dma_start3A = arith.constant 0 : i32
          %dma_start3A_28 = arith.constant 0 : i32
          %dma_start3A_29 = tpu.memref_slice %arg6[%dma_start3A, %dma_start3A_28] : memref<50176x8xf32, #tpu.memory_space<vmem_shared>> -> memref<50176x8xf32, #tpu.memory_space<vmem_shared>>
          tpu.enqueue_indirect_dma source(%arg8 : memref<128x8xf32, #tpu.memory_space<vmem>>) target(%dma_start3A_29 : memref<50176x8xf32, #tpu.memory_space<vmem_shared>>) offsets(%arg7 : memref<128xi32, #tpu.memory_space<vmem>>) semaphore(%run_scoped3A_27 : memref<!tpu.dma_semaphore, #tpu.memory_space<semaphore_mem>>) {add = true}
          %dma_wait3A = arith.constant 0 : i32
          %dma_wait3A_30 = arith.constant 0 : i32
          %dma_wait3A_31 = tpu.memref_slice %arg6[%dma_wait3A, %dma_wait3A_30] : memref<50176x8xf32, #tpu.memory_space<vmem_shared>> -> memref<50176x8xf32, #tpu.memory_space<vmem_shared>>
          tpu.wait_indirect_dma semaphore(%run_scoped3A_27 : memref<!tpu.dma_semaphore, #tpu.memory_space<semaphore_mem>>) src(%arg8 : memref<128x8xf32, #tpu.memory_space<vmem>>) dst(%dma_wait3A_31 : memref<50176x8xf32, #tpu.memory_space<vmem_shared>>)
          tpu.yield
        }) : () -> ()
      } else {
      }
    }
    %scan3A_10 = arith.constant 196 : i32
    %barrier3A_11 = arith.constant 0 : index
    tpu.barrier barrier_id(%barrier3A_11)
    %scan3A_12 = arith.constant 0 : i32
    %scan3A_13 = arith.constant 0 : i32
    %scan3A_14 = arith.constant 25 : i32
    %scan3A_15 = arith.addi %scan3A_13, %scan3A_14 : i32
    %scan3A_16 = arith.constant 1 : i32
    scf.for %scan3A_18 = %scan3A_13 to %scan3A_15 step %scan3A_16  : i32 {
      %mul3A = arith.constant 16 : i32
      %mul3A_19 = arith.muli %scan3A_18, %mul3A : i32
      %add3A = arith.addi %arg1, %mul3A_19 : i32
      %lt3A = arith.constant 392 : i32
      %lt3A_20 = arith.cmpi slt, %add3A, %lt3A : i32
      %convert_element_type3A = arith.extui %lt3A_20 : i1 to i32
      %cond3A = arith.constant 0 : i32
      %cond3A_21 = arith.cmpi ne, %convert_element_type3A, %cond3A : i32
      scf.if %cond3A_21 {
        %mul3A_22 = arith.constant 128 : i32
        %mul3A_23 = arith.muli %add3A, %mul3A_22 : i32
        %mul3A_24 = arith.constant 128 : i32
        %mul3A_25 = arith.muli %add3A, %mul3A_24 : i32
        "tpu.region"() ({
          %run_scoped3A = tpu.sem_alloc : memref<!tpu.dma_semaphore, #tpu.memory_space<semaphore_mem>>
          %dma_start3A = arith.constant 0 : i32
          %dma_start3A_26 = arith.constant 0 : i32
          %dma_start3A_27 = tpu.memref_slice %arg5[%arg0, %dma_start3A, %dma_start3A_26] : memref<2x50176x8xf32, #tpu.memory_space<hbm>> -> memref<1x50176x8xf32, #tpu.memory_space<hbm>>
          %dma_start3A_28 = tpu.memref_squeeze %dma_start3A_27 : memref<1x50176x8xf32, #tpu.memory_space<hbm>> -> memref<50176x8xf32, #tpu.memory_space<hbm>>
          %dma_start3A_29 = arith.constant 0 : i32
          %dma_start3A_30 = tpu.memref_slice %dma_start3A_28[%mul3A_25, %dma_start3A_29] : memref<50176x8xf32, #tpu.memory_space<hbm>> -> memref<128x8xf32, #tpu.memory_space<hbm>>
          %dma_start3A_31 = arith.constant 0 : i32
          %dma_start3A_32 = tpu.memref_slice %arg6[%mul3A_23, %dma_start3A_31] : memref<50176x8xf32, #tpu.memory_space<vmem_shared>> -> memref<128x8xf32, #tpu.memory_space<vmem_shared>>
          tpu.enqueue_dma source(%dma_start3A_32 : memref<128x8xf32, #tpu.memory_space<vmem_shared>>) target(%dma_start3A_30 : memref<128x8xf32, #tpu.memory_space<hbm>>) target_semaphore(%run_scoped3A : memref<!tpu.dma_semaphore, #tpu.memory_space<semaphore_mem>>)
          %dma_wait3A = arith.constant 0 : i32
          %dma_wait3A_33 = arith.constant 0 : i32
          %dma_wait3A_34 = tpu.memref_slice %arg5[%arg0, %dma_wait3A, %dma_wait3A_33] : memref<2x50176x8xf32, #tpu.memory_space<hbm>> -> memref<1x50176x8xf32, #tpu.memory_space<hbm>>
          %dma_wait3A_35 = tpu.memref_squeeze %dma_wait3A_34 : memref<1x50176x8xf32, #tpu.memory_space<hbm>> -> memref<50176x8xf32, #tpu.memory_space<hbm>>
          %dma_wait3A_36 = arith.constant 0 : i32
          %dma_wait3A_37 = tpu.memref_slice %dma_wait3A_35[%mul3A_25, %dma_wait3A_36] : memref<50176x8xf32, #tpu.memory_space<hbm>> -> memref<128x8xf32, #tpu.memory_space<hbm>>
          %dma_wait3A_38 = arith.constant 0 : i32
          %dma_wait3A_39 = tpu.memref_slice %arg6[%mul3A_23, %dma_wait3A_38] : memref<50176x8xf32, #tpu.memory_space<vmem_shared>> -> memref<128x8xf32, #tpu.memory_space<vmem_shared>>
          tpu.wait_dma2 semaphore(%run_scoped3A : memref<!tpu.dma_semaphore, #tpu.memory_space<semaphore_mem>>) src(%dma_wait3A_39 : memref<128x8xf32, #tpu.memory_space<vmem_shared>>) dst(%dma_wait3A_37 : memref<128x8xf32, #tpu.memory_space<hbm>>)
          tpu.yield
        }) : () -> ()
      } else {
      }
    }
    %scan3A_17 = arith.constant 25 : i32
    return
  }
}

module attributes {stable_mosaic.version = 14 : i64} {
  func.func @body(%arg0: i32, %arg1: memref<1024x75xf32, #tpu.memory_space<vmem>>, %arg2: memref<1024x80xf32, #tpu.memory_space<vmem>>, %arg3: memref<2x1024x40xf32, #tpu.memory_space<vmem>>) attributes {dimension_semantics = [#tpu.dimension_semantics<arbitrary>], iteration_bounds = array<i64: 49>, scalar_prefetch = 0 : i64, scratch_operands = 0 : i64, tpu.core_type = #tpu.core_type<tc>, window_params = [{transform_indices = @transform_0, window_bounds = array<i64: 1024, 75>}, {transform_indices = @transform_1, window_bounds = array<i64: 1024, 80>}, {transform_indices = @transform_2, window_bounds = array<i64: 2, 1024, 40>}]} {
    %mul3A = arith.constant 1024 : i32
    %mul3A_0 = arith.muli %arg0, %mul3A : i32
    %iota3A = tpu.iota {dimensions = array<i32: 0>} : vector<1024x1xi32>
    %add3A = vector.broadcast %mul3A_0 : i32 to vector<1024x1xi32>
    %add3A_1 = arith.addi %add3A, %iota3A : vector<1024x1xi32>
    %get3A = arith.constant 0 : index
    %get3A_2 = arith.constant 0 : index
    %get3A_3 = vector.load %arg1[%get3A, %get3A_2] : memref<1024x75xf32, #tpu.memory_space<vmem>>, vector<1024x75xf32>
    %broadcast_in_dim3A = arith.constant 0.000000e+00 : f32
    %broadcast_in_dim3A_4 = vector.broadcast %broadcast_in_dim3A : f32 to vector<1024x5xf32>
    %concatenate3A = tpu.concatenate %get3A_3, %broadcast_in_dim3A_4 in 1 : vector<1024x75xf32>, vector<1024x5xf32> -> vector<1024x80xf32>
    %lt3A = arith.constant 50000 : i32
    %lt3A_5 = vector.broadcast %lt3A : i32 to vector<1024x1xi32>
    %lt3A_6 = arith.cmpi slt, %add3A_1, %lt3A_5 : vector<1024x1xi32>
    %jit3A = arith.constant 0.000000e+00 : f32
    %broadcast_in_dim3A_7 = vector.shape_cast %lt3A_6 : vector<1024x1xi1> to vector<1024x1xi1>
    %broadcast_in_dim3A_8 = vector.broadcast %broadcast_in_dim3A_7 : vector<1024x1xi1> to vector<1024x80xi1>
    %broadcast_in_dim3A_9 = vector.broadcast %jit3A : f32 to vector<1024x80xf32>
    %select_n3A = arith.select %broadcast_in_dim3A_8, %concatenate3A, %broadcast_in_dim3A_9 : vector<1024x80xi1>, vector<1024x80xf32>
    %swap3A = arith.constant 0 : index
    %swap3A_10 = arith.constant 0 : index
    %swap3A_11 = vector.load %arg2[%swap3A, %swap3A_10] : memref<1024x80xf32, #tpu.memory_space<vmem>>, vector<1024x80xf32>
    tpu.vector_store %arg2[%swap3A, %swap3A_10], %select_n3A {strides = array<i32>} : memref<1024x80xf32, #tpu.memory_space<vmem>>, vector<1024x80xf32>,
    %slice3A = vector.extract_strided_slice %select_n3A {offsets = [0, 0], sizes = [1024, 40], strides = [1, 1]} : vector<1024x80xf32> to vector<1024x40xf32>
    %swap3A_12 = arith.constant 0 : index
    %swap3A_13 = arith.constant 0 : index
    %swap3A_14 = arith.constant 0 : index
    %swap3A_15 = vector.load %arg3[%swap3A_12, %swap3A_13, %swap3A_14] : memref<2x1024x40xf32, #tpu.memory_space<vmem>>, vector<1x1024x40xf32>
    %swap3A_16 = vector.shape_cast %swap3A_15 : vector<1x1024x40xf32> to vector<1024x40xf32>
    %swap3A_17 = vector.shape_cast %slice3A : vector<1024x40xf32> to vector<1x1024x40xf32>
    tpu.vector_store %arg3[%swap3A_12, %swap3A_13, %swap3A_14], %swap3A_17 {strides = array<i32>} : memref<2x1024x40xf32, #tpu.memory_space<vmem>>, vector<1x1024x40xf32>,
    %slice3A_18 = vector.extract_strided_slice %select_n3A {offsets = [0, 40], sizes = [1024, 40], strides = [1, 1]} : vector<1024x80xf32> to vector<1024x40xf32>
    %swap3A_19 = arith.constant 1 : index
    %swap3A_20 = arith.constant 0 : index
    %swap3A_21 = arith.constant 0 : index
    %swap3A_22 = vector.load %arg3[%swap3A_19, %swap3A_20, %swap3A_21] : memref<2x1024x40xf32, #tpu.memory_space<vmem>>, vector<1x1024x40xf32>
    %swap3A_23 = vector.shape_cast %swap3A_22 : vector<1x1024x40xf32> to vector<1024x40xf32>
    %swap3A_24 = vector.shape_cast %slice3A_18 : vector<1024x40xf32> to vector<1x1024x40xf32>
    tpu.vector_store %arg3[%swap3A_19, %swap3A_20, %swap3A_21], %swap3A_24 {strides = array<i32>} : memref<2x1024x40xf32, #tpu.memory_space<vmem>>, vector<1x1024x40xf32>,
    return
  }
  func.func @transform_0(%arg0: i32) -> (i32, i32) {
    %c0_i32 = arith.constant 0 : i32
    %c0_i32_0 = arith.constant 0 : i32
    return %arg0, %c0_i32 : i32, i32
  }
  func.func @transform_1(%arg0: i32) -> (i32, i32) {
    %c0_i32 = arith.constant 0 : i32
    %c0_i32_0 = arith.constant 0 : i32
    return %arg0, %c0_i32 : i32, i32
  }
  func.func @transform_2(%arg0: i32) -> (i32, i32, i32) {
    %c0_i32 = arith.constant 0 : i32
    %c0_i32_0 = arith.constant 0 : i32
    %c0_i32_1 = arith.constant 0 : i32
    return %c0_i32, %arg0, %c0_i32_0 : i32, i32, i32
  }
}

module attributes {stable_mosaic.version = 14 : i64} {
  func.func @body(%arg0: i32, %arg1: memref<4096x6xf32, #tpu.memory_space<vmem>>, %arg2: memref<4096x8xf32, #tpu.memory_space<vmem>>) attributes {dimension_semantics = [#tpu.dimension_semantics<arbitrary>], iteration_bounds = array<i64: 196>, scalar_prefetch = 0 : i64, scratch_operands = 0 : i64, tpu.core_type = #tpu.core_type<tc>, window_params = [{transform_indices = @transform_0, window_bounds = array<i64: 4096, 6>}, {transform_indices = @transform_1, window_bounds = array<i64: 4096, 8>}]} {
    %get3A = arith.constant 0 : index
    %get3A_0 = arith.constant 0 : index
    %get3A_1 = vector.load %arg1[%get3A, %get3A_0] : memref<4096x6xf32, #tpu.memory_space<vmem>>, vector<4096x6xf32>
    %swap3A = arith.constant 0 : index
    %swap3A_2 = arith.constant 0 : index
    %swap3A_3 = vector.load %arg2[%swap3A, %swap3A_2] : memref<4096x8xf32, #tpu.memory_space<vmem>>, vector<4096x6xf32>
    tpu.vector_store %arg2[%swap3A, %swap3A_2], %get3A_1 {strides = array<i32>} : memref<4096x8xf32, #tpu.memory_space<vmem>>, vector<4096x6xf32>,
    %broadcast_in_dim3A = arith.constant 1.000000e+00 : f32
    %broadcast_in_dim3A_4 = vector.broadcast %broadcast_in_dim3A : f32 to vector<4096x1xf32>
    %swap3A_5 = arith.constant 0 : index
    %swap3A_6 = arith.constant 6 : index
    %swap3A_7 = vector.load %arg2[%swap3A_5, %swap3A_6] : memref<4096x8xf32, #tpu.memory_space<vmem>>, vector<4096x1xf32>
    tpu.vector_store %arg2[%swap3A_5, %swap3A_6], %broadcast_in_dim3A_4 {strides = array<i32>} : memref<4096x8xf32, #tpu.memory_space<vmem>>, vector<4096x1xf32>,
    %broadcast_in_dim3A_8 = arith.constant 0.000000e+00 : f32
    %broadcast_in_dim3A_9 = vector.broadcast %broadcast_in_dim3A_8 : f32 to vector<4096x1xf32>
    %swap3A_10 = arith.constant 0 : index
    %swap3A_11 = arith.constant 7 : index
    %swap3A_12 = vector.load %arg2[%swap3A_10, %swap3A_11] : memref<4096x8xf32, #tpu.memory_space<vmem>>, vector<4096x1xf32>
    tpu.vector_store %arg2[%swap3A_10, %swap3A_11], %broadcast_in_dim3A_9 {strides = array<i32>} : memref<4096x8xf32, #tpu.memory_space<vmem>>, vector<4096x1xf32>,
    return
  }
  func.func @transform_0(%arg0: i32) -> (i32, i32) {
    %c0_i32 = arith.constant 0 : i32
    %c0_i32_0 = arith.constant 0 : i32
    return %arg0, %c0_i32 : i32, i32
  }
  func.func @transform_1(%arg0: i32) -> (i32, i32) {
    %c0_i32 = arith.constant 0 : i32
    %c0_i32_0 = arith.constant 0 : i32
    return %arg0, %c0_i32 : i32, i32
  }
}

module attributes {stable_mosaic.version = 14 : i64} {
  func.func @body(%arg0: i32, %arg1: memref<2x1024x40xf32, #tpu.memory_space<vmem>>, %arg2: memref<2x1024x40xf32, #tpu.memory_space<vmem>>, %arg3: memref<2x1024x8xf32, #tpu.memory_space<vmem>>, %arg4: memref<80x80xf32, #tpu.memory_space<vmem>>, %arg5: memref<80x80xf32, #tpu.memory_space<vmem>>, %arg6: memref<8x80xf32, #tpu.memory_space<vmem>>, %arg7: memref<1x80xf32, #tpu.memory_space<vmem>>, %arg8: memref<2x1024x40xf32, #tpu.memory_space<vmem>>) attributes {dimension_semantics = [#tpu.dimension_semantics<arbitrary>], iteration_bounds = array<i64: 49>, scalar_prefetch = 0 : i64, scratch_operands = 0 : i64, tpu.core_type = #tpu.core_type<tc>, window_params = [{transform_indices = @transform_0, window_bounds = array<i64: 2, 1024, 40>}, {transform_indices = @transform_1, window_bounds = array<i64: 2, 1024, 40>}, {transform_indices = @transform_2, window_bounds = array<i64: 2, 1024, 8>}, {pipeline_mode = #tpu.pipeline_mode<synchronous>, transform_indices = @transform_3, window_bounds = array<i64: 80, 80>}, {pipeline_mode = #tpu.pipeline_mode<synchronous>, transform_indices = @transform_4, window_bounds = array<i64: 80, 80>}, {pipeline_mode = #tpu.pipeline_mode<synchronous>, transform_indices = @transform_5, window_bounds = array<i64: 8, 80>}, {pipeline_mode = #tpu.pipeline_mode<synchronous>, transform_indices = @transform_6, window_bounds = array<i64: 1, 80>}, {transform_indices = @transform_7, window_bounds = array<i64: 2, 1024, 40>}]} {
    %get3A = arith.constant 0 : index
    %get3A_0 = arith.constant 0 : index
    %get3A_1 = arith.constant 0 : index
    %get3A_2 = vector.load %arg1[%get3A, %get3A_0, %get3A_1] : memref<2x1024x40xf32, #tpu.memory_space<vmem>>, vector<1x1024x40xf32>
    %get3A_3 = vector.shape_cast %get3A_2 : vector<1x1024x40xf32> to vector<1024x40xf32>
    %get3A_4 = arith.constant 1 : index
    %get3A_5 = arith.constant 0 : index
    %get3A_6 = arith.constant 0 : index
    %get3A_7 = vector.load %arg1[%get3A_4, %get3A_5, %get3A_6] : memref<2x1024x40xf32, #tpu.memory_space<vmem>>, vector<1x1024x40xf32>
    %get3A_8 = vector.shape_cast %get3A_7 : vector<1x1024x40xf32> to vector<1024x40xf32>
    %concatenate3A = tpu.concatenate %get3A_3, %get3A_8 in 1 : vector<1024x40xf32>, vector<1024x40xf32> -> vector<1024x80xf32>
    %get3A_9 = arith.constant 0 : index
    %get3A_10 = arith.constant 0 : index
    %get3A_11 = arith.constant 0 : index
    %get3A_12 = vector.load %arg2[%get3A_9, %get3A_10, %get3A_11] : memref<2x1024x40xf32, #tpu.memory_space<vmem>>, vector<1x1024x40xf32>
    %get3A_13 = vector.shape_cast %get3A_12 : vector<1x1024x40xf32> to vector<1024x40xf32>
    %get3A_14 = arith.constant 1 : index
    %get3A_15 = arith.constant 0 : index
    %get3A_16 = arith.constant 0 : index
    %get3A_17 = vector.load %arg2[%get3A_14, %get3A_15, %get3A_16] : memref<2x1024x40xf32, #tpu.memory_space<vmem>>, vector<1x1024x40xf32>
    %get3A_18 = vector.shape_cast %get3A_17 : vector<1x1024x40xf32> to vector<1024x40xf32>
    %concatenate3A_19 = tpu.concatenate %get3A_13, %get3A_18 in 1 : vector<1024x40xf32>, vector<1024x40xf32> -> vector<1024x80xf32>
    %get3A_20 = arith.constant 0 : index
    %get3A_21 = arith.constant 0 : index
    %get3A_22 = arith.constant 0 : index
    %get3A_23 = vector.load %arg3[%get3A_20, %get3A_21, %get3A_22] : memref<2x1024x8xf32, #tpu.memory_space<vmem>>, vector<1x1024x8xf32>
    %get3A_24 = vector.shape_cast %get3A_23 : vector<1x1024x8xf32> to vector<1024x8xf32>
    %get3A_25 = arith.constant 1 : index
    %get3A_26 = arith.constant 0 : index
    %get3A_27 = arith.constant 0 : index
    %get3A_28 = vector.load %arg3[%get3A_25, %get3A_26, %get3A_27] : memref<2x1024x8xf32, #tpu.memory_space<vmem>>, vector<1x1024x8xf32>
    %get3A_29 = vector.shape_cast %get3A_28 : vector<1x1024x8xf32> to vector<1024x8xf32>
    %add3A = arith.addf %get3A_24, %get3A_29 : vector<1024x8xf32>
    %get3A_30 = arith.constant 0 : index
    %get3A_31 = arith.constant 0 : index
    %get3A_32 = vector.load %arg4[%get3A_30, %get3A_31] : memref<80x80xf32, #tpu.memory_space<vmem>>, vector<80x80xf32>
    %dot_general3A = arith.constant dense<0.000000e+00> : vector<1024x80xf32>
    %dot_general3A_33 = tpu.matmul %concatenate3A, %get3A_32, %dot_general3A {dimension_numbers = #tpu.dot_dimension_numbers<[1], [0], [0], [1], [0, 0, 1, 1], [], []>, transpose_lhs_hint = false} : vector<1024x80xf32>, vector<80x80xf32>, vector<1024x80xf32> -> vector<1024x80xf32>
    %get3A_34 = arith.constant 0 : index
    %get3A_35 = arith.constant 0 : index
    %get3A_36 = vector.load %arg5[%get3A_34, %get3A_35] : memref<80x80xf32, #tpu.memory_space<vmem>>, vector<80x80xf32>
    %dot_general3A_37 = arith.constant dense<0.000000e+00> : vector<1024x80xf32>
    %dot_general3A_38 = tpu.matmul %concatenate3A_19, %get3A_36, %dot_general3A_37 {dimension_numbers = #tpu.dot_dimension_numbers<[1], [0], [0], [1], [0, 0, 1, 1], [], []>, transpose_lhs_hint = false} : vector<1024x80xf32>, vector<80x80xf32>, vector<1024x80xf32> -> vector<1024x80xf32>
    %add3A_39 = arith.addf %dot_general3A_33, %dot_general3A_38 : vector<1024x80xf32>
    %get3A_40 = arith.constant 0 : index
    %get3A_41 = arith.constant 0 : index
    %get3A_42 = vector.load %arg6[%get3A_40, %get3A_41] : memref<8x80xf32, #tpu.memory_space<vmem>>, vector<8x80xf32>
    %dot_general3A_43 = arith.constant dense<0.000000e+00> : vector<1024x80xf32>
    %dot_general3A_44 = tpu.matmul %add3A, %get3A_42, %dot_general3A_43 {dimension_numbers = #tpu.dot_dimension_numbers<[1], [0], [0], [1], [0, 0, 1, 1], [], []>, transpose_lhs_hint = false} : vector<1024x8xf32>, vector<8x80xf32>, vector<1024x80xf32> -> vector<1024x80xf32>
    %add3A_45 = arith.addf %add3A_39, %dot_general3A_44 : vector<1024x80xf32>
    %get3A_46 = arith.constant 0 : index
    %get3A_47 = arith.constant 0 : index
    %get3A_48 = vector.load %arg7[%get3A_46, %get3A_47] : memref<1x80xf32, #tpu.memory_space<vmem>>, vector<1x80xf32>
    %add3A_49 = vector.broadcast %get3A_48 : vector<1x80xf32> to vector<1024x80xf32>
    %add3A_50 = arith.addf %add3A_45, %add3A_49 : vector<1024x80xf32>
    %max3A = arith.constant 0.000000e+00 : f32
    %max3A_51 = vector.broadcast %max3A : f32 to vector<1024x80xf32>
    %max3A_52 = arith.maximumf %add3A_50, %max3A_51 : vector<1024x80xf32>
    %slice3A = vector.extract_strided_slice %max3A_52 {offsets = [0, 0], sizes = [1024, 40], strides = [1, 1]} : vector<1024x80xf32> to vector<1024x40xf32>
    %swap3A = arith.constant 0 : index
    %swap3A_53 = arith.constant 0 : index
    %swap3A_54 = arith.constant 0 : index
    %swap3A_55 = vector.load %arg8[%swap3A, %swap3A_53, %swap3A_54] : memref<2x1024x40xf32, #tpu.memory_space<vmem>>, vector<1x1024x40xf32>
    %swap3A_56 = vector.shape_cast %swap3A_55 : vector<1x1024x40xf32> to vector<1024x40xf32>
    %swap3A_57 = vector.shape_cast %slice3A : vector<1024x40xf32> to vector<1x1024x40xf32>
    tpu.vector_store %arg8[%swap3A, %swap3A_53, %swap3A_54], %swap3A_57 {strides = array<i32>} : memref<2x1024x40xf32, #tpu.memory_space<vmem>>, vector<1x1024x40xf32>,
    %slice3A_58 = vector.extract_strided_slice %max3A_52 {offsets = [0, 40], sizes = [1024, 40], strides = [1, 1]} : vector<1024x80xf32> to vector<1024x40xf32>
    %swap3A_59 = arith.constant 1 : index
    %swap3A_60 = arith.constant 0 : index
    %swap3A_61 = arith.constant 0 : index
    %swap3A_62 = vector.load %arg8[%swap3A_59, %swap3A_60, %swap3A_61] : memref<2x1024x40xf32, #tpu.memory_space<vmem>>, vector<1x1024x40xf32>
    %swap3A_63 = vector.shape_cast %swap3A_62 : vector<1x1024x40xf32> to vector<1024x40xf32>
    %swap3A_64 = vector.shape_cast %slice3A_58 : vector<1024x40xf32> to vector<1x1024x40xf32>
    tpu.vector_store %arg8[%swap3A_59, %swap3A_60, %swap3A_61], %swap3A_64 {strides = array<i32>} : memref<2x1024x40xf32, #tpu.memory_space<vmem>>, vector<1x1024x40xf32>,
    return
  }
  func.func @transform_0(%arg0: i32) -> (i32, i32, i32) {
    %c0_i32 = arith.constant 0 : i32
    %c0_i32_0 = arith.constant 0 : i32
    %c0_i32_1 = arith.constant 0 : i32
    return %c0_i32, %arg0, %c0_i32_0 : i32, i32, i32
  }
  func.func @transform_1(%arg0: i32) -> (i32, i32, i32) {
    %c0_i32 = arith.constant 0 : i32
    %c0_i32_0 = arith.constant 0 : i32
    %c0_i32_1 = arith.constant 0 : i32
    return %c0_i32, %arg0, %c0_i32_0 : i32, i32, i32
  }
  func.func @transform_2(%arg0: i32) -> (i32, i32, i32) {
    %c0_i32 = arith.constant 0 : i32
    %c0_i32_0 = arith.constant 0 : i32
    %c0_i32_1 = arith.constant 0 : i32
    return %c0_i32, %arg0, %c0_i32_0 : i32, i32, i32
  }
  func.func @transform_3(%arg0: i32) -> (i32, i32) {
    %c0_i32 = arith.constant 0 : i32
    %c0_i32_0 = arith.constant 0 : i32
    %c0_i32_1 = arith.constant 0 : i32
    return %c0_i32, %c0_i32_0 : i32, i32
  }
  func.func @transform_4(%arg0: i32) -> (i32, i32) {
    %c0_i32 = arith.constant 0 : i32
    %c0_i32_0 = arith.constant 0 : i32
    %c0_i32_1 = arith.constant 0 : i32
    return %c0_i32, %c0_i32_0 : i32, i32
  }
  func.func @transform_5(%arg0: i32) -> (i32, i32) {
    %c0_i32 = arith.constant 0 : i32
    %c0_i32_0 = arith.constant 0 : i32
    %c0_i32_1 = arith.constant 0 : i32
    return %c0_i32, %c0_i32_0 : i32, i32
  }
  func.func @transform_6(%arg0: i32) -> (i32, i32) {
    %c0_i32 = arith.constant 0 : i32
    %c0_i32_0 = arith.constant 0 : i32
    %c0_i32_1 = arith.constant 0 : i32
    return %c0_i32, %c0_i32_0 : i32, i32
  }
  func.func @transform_7(%arg0: i32) -> (i32, i32, i32) {
    %c0_i32 = arith.constant 0 : i32
    %c0_i32_0 = arith.constant 0 : i32
    %c0_i32_1 = arith.constant 0 : i32
    return %c0_i32, %arg0, %c0_i32_0 : i32, i32, i32
  }
}

module attributes {stable_mosaic.version = 14 : i64} {
  func.func @body(%arg0: i32, %arg1: memref<2x1024x40xf32, #tpu.memory_space<vmem>>, %arg2: memref<1024x80xf32, #tpu.memory_space<vmem>>, %arg3: memref<80x128xf32, #tpu.memory_space<vmem>>, %arg4: memref<80x128xf32, #tpu.memory_space<vmem>>, %arg5: memref<1x128xf32, #tpu.memory_space<vmem>>, %arg6: memref<128x1xf32, #tpu.memory_space<vmem>>, %arg7: memref<1x1xf32, #tpu.memory_space<vmem>>, %arg8: memref<1x1xf32, #tpu.memory_space<vmem>>, %arg9: memref<8x128xf32, #tpu.memory_space<vmem>>) attributes {dimension_semantics = [#tpu.dimension_semantics<arbitrary>], iteration_bounds = array<i64: 49>, scalar_prefetch = 0 : i64, scratch_operands = 1 : i64, tpu.core_type = #tpu.core_type<tc>, window_params = [{transform_indices = @transform_0, window_bounds = array<i64: 2, 1024, 40>}, {transform_indices = @transform_1, window_bounds = array<i64: 1024, 80>}, {pipeline_mode = #tpu.pipeline_mode<synchronous>, transform_indices = @transform_2, window_bounds = array<i64: 80, 128>}, {pipeline_mode = #tpu.pipeline_mode<synchronous>, transform_indices = @transform_3, window_bounds = array<i64: 80, 128>}, {pipeline_mode = #tpu.pipeline_mode<synchronous>, transform_indices = @transform_4, window_bounds = array<i64: 1, 128>}, {pipeline_mode = #tpu.pipeline_mode<synchronous>, transform_indices = @transform_5, window_bounds = array<i64: 128, 1>}, {pipeline_mode = #tpu.pipeline_mode<synchronous>, transform_indices = @transform_6, window_bounds = array<i64: 1, 1>}, {pipeline_mode = #tpu.pipeline_mode<synchronous>, transform_indices = @transform_7, window_bounds = array<i64: 1, 1>}]} {
    %eq3A = arith.constant 0 : i32
    %eq3A_0 = arith.cmpi eq, %arg0, %eq3A : i32
    %convert_element_type3A = arith.extui %eq3A_0 : i1 to i32
    %cond3A = arith.constant 0 : i32
    %cond3A_1 = arith.cmpi ne, %convert_element_type3A, %cond3A : i32
    scf.if %cond3A_1 {
      %broadcast_in_dim3A_49 = arith.constant 0.000000e+00 : f32
      %broadcast_in_dim3A_50 = vector.broadcast %broadcast_in_dim3A_49 : f32 to vector<8x128xf32>
      %swap3A_51 = arith.constant 0 : index
      %swap3A_52 = arith.constant 0 : index
      %swap3A_53 = vector.load %arg9[%swap3A_51, %swap3A_52] : memref<8x128xf32, #tpu.memory_space<vmem>>, vector<8x128xf32>
      tpu.vector_store %arg9[%swap3A_51, %swap3A_52], %broadcast_in_dim3A_50 {strides = array<i32>} : memref<8x128xf32, #tpu.memory_space<vmem>>, vector<8x128xf32>,
    } else {
    }
    %get3A = arith.constant 0 : index
    %get3A_2 = arith.constant 0 : index
    %get3A_3 = arith.constant 0 : index
    %get3A_4 = vector.load %arg1[%get3A, %get3A_2, %get3A_3] : memref<2x1024x40xf32, #tpu.memory_space<vmem>>, vector<1x1024x40xf32>
    %get3A_5 = vector.shape_cast %get3A_4 : vector<1x1024x40xf32> to vector<1024x40xf32>
    %get3A_6 = arith.constant 1 : index
    %get3A_7 = arith.constant 0 : index
    %get3A_8 = arith.constant 0 : index
    %get3A_9 = vector.load %arg1[%get3A_6, %get3A_7, %get3A_8] : memref<2x1024x40xf32, #tpu.memory_space<vmem>>, vector<1x1024x40xf32>
    %get3A_10 = vector.shape_cast %get3A_9 : vector<1x1024x40xf32> to vector<1024x40xf32>
    %concatenate3A = tpu.concatenate %get3A_5, %get3A_10 in 1 : vector<1024x40xf32>, vector<1024x40xf32> -> vector<1024x80xf32>
    %get3A_11 = arith.constant 0 : index
    %get3A_12 = arith.constant 0 : index
    %get3A_13 = vector.load %arg3[%get3A_11, %get3A_12] : memref<80x128xf32, #tpu.memory_space<vmem>>, vector<80x128xf32>
    %dot_general3A = arith.constant dense<0.000000e+00> : vector<1024x128xf32>
    %dot_general3A_14 = tpu.matmul %concatenate3A, %get3A_13, %dot_general3A {dimension_numbers = #tpu.dot_dimension_numbers<[1], [0], [0], [1], [0, 0, 1, 1], [], []>, transpose_lhs_hint = false} : vector<1024x80xf32>, vector<80x128xf32>, vector<1024x128xf32> -> vector<1024x128xf32>
    %get3A_15 = arith.constant 0 : index
    %get3A_16 = arith.constant 0 : index
    %get3A_17 = vector.load %arg2[%get3A_15, %get3A_16] : memref<1024x80xf32, #tpu.memory_space<vmem>>, vector<1024x80xf32>
    %get3A_18 = arith.constant 0 : index
    %get3A_19 = arith.constant 0 : index
    %get3A_20 = vector.load %arg4[%get3A_18, %get3A_19] : memref<80x128xf32, #tpu.memory_space<vmem>>, vector<80x128xf32>
    %dot_general3A_21 = arith.constant dense<0.000000e+00> : vector<1024x128xf32>
    %dot_general3A_22 = tpu.matmul %get3A_17, %get3A_20, %dot_general3A_21 {dimension_numbers = #tpu.dot_dimension_numbers<[1], [0], [0], [1], [0, 0, 1, 1], [], []>, transpose_lhs_hint = false} : vector<1024x80xf32>, vector<80x128xf32>, vector<1024x128xf32> -> vector<1024x128xf32>
    %add3A = arith.addf %dot_general3A_14, %dot_general3A_22 : vector<1024x128xf32>
    %get3A_23 = arith.constant 0 : index
    %get3A_24 = arith.constant 0 : index
    %get3A_25 = vector.load %arg5[%get3A_23, %get3A_24] : memref<1x128xf32, #tpu.memory_space<vmem>>, vector<1x128xf32>
    %add3A_26 = vector.broadcast %get3A_25 : vector<1x128xf32> to vector<1024x128xf32>
    %add3A_27 = arith.addf %add3A, %add3A_26 : vector<1024x128xf32>
    %max3A = arith.constant 0.000000e+00 : f32
    %max3A_28 = vector.broadcast %max3A : f32 to vector<1024x128xf32>
    %max3A_29 = arith.maximumf %add3A_27, %max3A_28 : vector<1024x128xf32>
    %mul3A = arith.constant 1024 : i32
    %mul3A_30 = arith.muli %arg0, %mul3A : i32
    %iota3A = tpu.iota {dimensions = array<i32: 0>} : vector<1024x1xi32>
    %add3A_31 = vector.broadcast %mul3A_30 : i32 to vector<1024x1xi32>
    %add3A_32 = arith.addi %add3A_31, %iota3A : vector<1024x1xi32>
    %lt3A = arith.constant 50000 : i32
    %lt3A_33 = vector.broadcast %lt3A : i32 to vector<1024x1xi32>
    %lt3A_34 = arith.cmpi slt, %add3A_32, %lt3A_33 : vector<1024x1xi32>
    %jit3A = arith.constant 0.000000e+00 : f32
    %broadcast_in_dim3A = vector.shape_cast %lt3A_34 : vector<1024x1xi1> to vector<1024x1xi1>
    %broadcast_in_dim3A_35 = vector.broadcast %broadcast_in_dim3A : vector<1024x1xi1> to vector<1024x128xi1>
    %broadcast_in_dim3A_36 = vector.broadcast %jit3A : f32 to vector<1024x128xf32>
    %select_n3A = arith.select %broadcast_in_dim3A_35, %max3A_29, %broadcast_in_dim3A_36 : vector<1024x128xi1>, vector<1024x128xf32>
    %get3A_37 = arith.constant 0 : index
    %get3A_38 = arith.constant 0 : index
    %get3A_39 = vector.load %arg9[%get3A_37, %get3A_38] : memref<8x128xf32, #tpu.memory_space<vmem>>, vector<8x128xf32>
    %reshape3A = vector.shape_cast %select_n3A : vector<1024x128xf32> to vector<128x8x128xf32>
    %reduce_sum3A = arith.constant dense<0.000000e+00> : vector<8x128xf32>
    %reduce_sum3A_40 = vector.multi_reduction <add>, %reshape3A, %reduce_sum3A [0] : vector<128x8x128xf32> to vector<8x128xf32>
    %add3A_41 = arith.addf %get3A_39, %reduce_sum3A_40 : vector<8x128xf32>
    %swap3A = arith.constant 0 : index
    %swap3A_42 = arith.constant 0 : index
    %swap3A_43 = vector.load %arg9[%swap3A, %swap3A_42] : memref<8x128xf32, #tpu.memory_space<vmem>>, vector<8x128xf32>
    tpu.vector_store %arg9[%swap3A, %swap3A_42], %add3A_41 {strides = array<i32>} : memref<8x128xf32, #tpu.memory_space<vmem>>, vector<8x128xf32>,
    %eq3A_44 = arith.constant 48 : i32
    %eq3A_45 = arith.cmpi eq, %arg0, %eq3A_44 : i32
    %convert_element_type3A_46 = arith.extui %eq3A_45 : i1 to i32
    %cond3A_47 = arith.constant 0 : i32
    %cond3A_48 = arith.cmpi ne, %convert_element_type3A_46, %cond3A_47 : i32
    scf.if %cond3A_48 {
      %get3A_49 = arith.constant 0 : index
      %get3A_50 = arith.constant 0 : index
      %get3A_51 = vector.load %arg9[%get3A_49, %get3A_50] : memref<8x128xf32, #tpu.memory_space<vmem>>, vector<8x128xf32>
      %reduce_sum3A_52 = arith.constant dense<0.000000e+00> : vector<128xf32>
      %reduce_sum3A_53 = vector.multi_reduction <add>, %get3A_51, %reduce_sum3A_52 [0] : vector<8x128xf32> to vector<128xf32>
      %broadcast_in_dim3A_54 = vector.shape_cast %reduce_sum3A_53 : vector<128xf32> to vector<1x128xf32>
      %tanh3A = math.tanh %broadcast_in_dim3A_54 : vector<1x128xf32>
      %get3A_55 = arith.constant 0 : index
      %get3A_56 = arith.constant 0 : index
      %get3A_57 = vector.load %arg6[%get3A_55, %get3A_56] : memref<128x1xf32, #tpu.memory_space<vmem>>, vector<128x1xf32>
      %dot_general3A_58 = arith.constant dense<0.000000e+00> : vector<1x1xf32>
      %dot_general3A_59 = tpu.matmul %tanh3A, %get3A_57, %dot_general3A_58 {dimension_numbers = #tpu.dot_dimension_numbers<[1], [0], [0], [1], [0, 0, 1, 1], [], []>, transpose_lhs_hint = false} : vector<1x128xf32>, vector<128x1xf32>, vector<1x1xf32> -> vector<1x1xf32>
      %get3A_60 = arith.constant 0 : index
      %get3A_61 = arith.constant 0 : index
      %get3A_62 = vector.load %arg7[%get3A_60, %get3A_61] : memref<1x1xf32, #tpu.memory_space<vmem>>, vector<1x1xf32>
      %add3A_63 = arith.addf %dot_general3A_59, %get3A_62 : vector<1x1xf32>
      %swap3A_64 = arith.constant 0 : index
      %swap3A_65 = arith.constant 0 : index
      %swap3A_66 = vector.load %arg8[%swap3A_64, %swap3A_65] : memref<1x1xf32, #tpu.memory_space<vmem>>, vector<1x1xf32>
      tpu.vector_store %arg8[%swap3A_64, %swap3A_65], %add3A_63 {strides = array<i32>} : memref<1x1xf32, #tpu.memory_space<vmem>>, vector<1x1xf32>,
    } else {
    }
    return
  }
  func.func @transform_0(%arg0: i32) -> (i32, i32, i32) {
    %c0_i32 = arith.constant 0 : i32
    %c0_i32_0 = arith.constant 0 : i32
    %c0_i32_1 = arith.constant 0 : i32
    return %c0_i32, %arg0, %c0_i32_0 : i32, i32, i32
  }
  func.func @transform_1(%arg0: i32) -> (i32, i32) {
    %c0_i32 = arith.constant 0 : i32
    %c0_i32_0 = arith.constant 0 : i32
    return %arg0, %c0_i32 : i32, i32
  }
  func.func @transform_2(%arg0: i32) -> (i32, i32) {
    %c0_i32 = arith.constant 0 : i32
    %c0_i32_0 = arith.constant 0 : i32
    %c0_i32_1 = arith.constant 0 : i32
    return %c0_i32, %c0_i32_0 : i32, i32
  }
  func.func @transform_3(%arg0: i32) -> (i32, i32) {
    %c0_i32 = arith.constant 0 : i32
    %c0_i32_0 = arith.constant 0 : i32
    %c0_i32_1 = arith.constant 0 : i32
    return %c0_i32, %c0_i32_0 : i32, i32
  }
  func.func @transform_4(%arg0: i32) -> (i32, i32) {
    %c0_i32 = arith.constant 0 : i32
    %c0_i32_0 = arith.constant 0 : i32
    %c0_i32_1 = arith.constant 0 : i32
    return %c0_i32, %c0_i32_0 : i32, i32
  }
  func.func @transform_5(%arg0: i32) -> (i32, i32) {
    %c0_i32 = arith.constant 0 : i32
    %c0_i32_0 = arith.constant 0 : i32
    %c0_i32_1 = arith.constant 0 : i32
    return %c0_i32, %c0_i32_0 : i32, i32
  }
  func.func @transform_6(%arg0: i32) -> (i32, i32) {
    %c0_i32 = arith.constant 0 : i32
    %c0_i32_0 = arith.constant 0 : i32
    %c0_i32_1 = arith.constant 0 : i32
    return %c0_i32, %c0_i32_0 : i32, i32
  }
  func.func @transform_7(%arg0: i32) -> (i32, i32) {
    %c0_i32 = arith.constant 0 : i32
    %c0_i32_0 = arith.constant 0 : i32
    %c0_i32_1 = arith.constant 0 : i32
    return %c0_i32, %c0_i32_0 : i32, i32
  }
}

</mosaic_0001>

<sc_bundles>
// kernel: kernel.12.cloned.1.call-start
scs
__scs_entry_jumppad:
0x0: {  	(pc) =	sbr.rel $0x88, $3  }
0x1: {  	(tag) =	ssettag $0x0;
	lr =	simm.s32 $0x1  }
0x2: {  	[smem:$0x3F8C] =	sst lr;
	_ =	strace $0xD0000000  }
0x3: {  	_ = 	snop  }
0x4: {  	_ = 	snop  }
0x5: {  	_ = 	snop  }
0x6: {  	_ = 	snop  }
0x7: {  	_ = 	snop  }
__scs_overlays_trampoline_lowered:
0x8: {  	[smem:$0x3F9B] =	sst s0  }
0x9: {  	[smem:$0x3F9C] =	sst s1  }
0xa: {  	[smem:$0x3F9D] =	sst s2  }
0xb: {  	[smem:$0x3F9E] =	sst s3  }
0xc: {  	[smem:$0x3F9F] =	sst s4  }
0xd: {  	[smem:$0x3FA0] =	sst s5  }
0xe: {  	[smem:$0x3FA1] =	sst s6  }
0xf: {  	[smem:$0x3FA2] =	sst s7  }
0x10: {  	[smem:$0x3FA3] =	sst s8  }
0x11: {  	[smem:$0x3FA4] =	sst s9;
	s0 =	simm.s32 @!p0 $0x0  }
0x12: {  	s1 =	sld [smem:$0x3F8A];
	s0 =	simm.s32 @p0 $0x1  }
0x13: {  	[smem:$0x3FA5] =	sst s0;
	s0 =	simm.s32 @!p1 $0x0  }
0x14: {  	s2 =	sld [smem:$0x3F89];
	s0 =	simm.s32 @p1 $0x1  }
0x15: {  	[smem:$0x3FA6] =	sst s0;
	s0 =	simm.s32 @!p2 $0x0  }
0x16: {  	s3 =	sld [smem:$0x3FDB];
	s0 =	simm.s32 @p2 $0x1  }
0x17: {  	s4 =	simm.s32 $0x1BF5;
	[smem:$0x3FA8] =	sst s0  }
0x18: {  	s0 =	sld [smem:$0x3F8B];
	_ =	swait.ge [sflag:s4], $0x0  }
0x19: {  	s7 =	sld [smem:$0x3F8C]  }
0x1a: {  	s8 =	sadd.s32 $0xFFFFE003, lr  }
0x1b: {  	s9 =	sadd.s32 $0xFFFFFEF7, lr;
	s5 =	simm.s32 $0xFFFFFFFF;
	p2 =	slt.u32 s8, $0xFFFFF086  }
0x1c: {  	p1 =	slt.u32 s9, $0xF7A;
	s5 =	simm.s32 @!p2 $0x0  }
0x1d: {  	s5 =	simm.s32 @p1 $0x1;
	p0 =	seq.s32 s7, s2  }
0x1e: {  	s7 =	smul.u32 @!p0 $0xF7A, s2;
	p2 =	seq.s32 @!p0 s5, $0x0  }
0x1f: {  	s9 =	smul.u32 $0xF7A, s1;
	s8 =	simm.s32 @!p0 $0x1BF5;
	p2 =	por !p2, p0  }
0x20: {  	[sflag:s8] =	ssyncset.s32 @!p0 $0xFFFFF086;
	s6 =	sadd.s32 @!p0 s3, s7;
	s7 =	simm.s32 @!p0 $0x108  }
0x21: {  	s3 =	sadd.s32 s3, s9;
	s6 =	sadd.s32 @!p0 $0x88, s6;
	s7 =	simm.s32 @p2 $0x1082  }
0x22: {  	[simem:s7], [sflag:s8] =	dma.local @!p0 [hbm:s6], $0xF7A  }
0x23: {  	s9 =	sor.u32 $0xD0000000, s2;
	s6 =	simm.s32 $0x108;
	_ =	swait.ge @!p0 [sflag:s8], $0x0  }
0x24: {  	s3 =	sadd.s32 $0x88, s3;
	s6 =	simm.s32 @!p1 $0x1082;
	[sflag:s4] =	ssyncset.s32 $0xFFFFF086  }
0x25: {  	[simem:s6], [sflag:s4] =	dma.local [hbm:s3], $0xF7A  }
0x26: {  	[smem:$0x3F8C] =	sst s1;
	(tag) =	ssettag s2;
	_ =	strace s9  }
0x27: {  	s1 =	sld [smem:$0x3F9C]  }
0x28: {  	s2 =	sld [smem:$0x3F9D]  }
0x29: {  	s4 =	sld [smem:$0x3F9F]  }
0x2a: {  	p0 =	seq.s32 s5, $0x0;
	s5 =	sld [smem:$0x3FA0]  }
0x2b: {  	s6 =	sld [smem:$0x3FA1]  }
0x2c: {  	s7 =	sld [smem:$0x3FA2]  }
0x2d: {  	s3 =	simm.s32 $0x108;
	s8 =	sld [smem:$0x3FA3]  }
0x2e: {  	s3 =	simm.s32 @!p0 $0x1082;
	s9 =	sld [smem:$0x3FA4]  }
0x2f: {  	lr =	sadd.s32 s0, s3;
	s0 =	sld [smem:$0x3F9B]  }
0x30: {  	s3 =	sld [smem:$0x3F9E]  }
0x31: {  	[smem:$0x3FA7] =	sst s10  }
0x32: {  	s10 =	sld [smem:$0x3FA5];
	_ =	sdelay $0x3  }
0x33: {  	p0 =	seq.s32 s10, $0x1;
	s10 =	sld [smem:$0x3FA7];
	_ =	sdelay $0x3  }
0x34: {  	[smem:$0x3FA7] =	sst s10  }
0x35: {  	s10 =	sld [smem:$0x3FA6];
	_ =	sdelay $0x3  }
0x36: {  	p1 =	seq.s32 s10, $0x1;
	s10 =	sld [smem:$0x3FA7];
	_ =	sdelay $0x3  }
0x37: {  	[smem:$0x3FA7] =	sst s10  }
0x38: {  	s10 =	sld [smem:$0x3FA8]  }
0x39: {  	_ = 	snop;
	(pc) =	sbr.ind lr, $3  }
0x3a: {  	_ = 	snop  }
0x3b: {  	_ = 	snop  }
0x3c: {  	p2 =	seq.s32 s10, $0x1;
	s10 =	sld [smem:$0x3FA7]  }
0x3d: {  	_ =	shalt  }
0x3e: {  	_ =	shalt  }
0x3f: {  	_ =	shalt  }
0x40: {  	_ =	shalt  }
0x41: {  	_ =	shalt  }
0x42: {  	_ =	shalt  }
0x43: {  	_ =	shalt  }
0x44: {  	_ =	shalt  }
0x45: {  	_ =	shalt  }
0x46: {  	_ =	shalt  }
0x47: {  	_ =	shalt  }
0x48: {  	_ =	shalt  }
0x49: {  	_ =	shalt  }
0x4a: {  	_ =	shalt  }
0x4b: {  	_ =	shalt  }
0x4c: {  	_ =	shalt  }
0x4d: {  	_ =	shalt  }
0x4e: {  	_ =	shalt  }
0x4f: {  	_ =	shalt  }
0x50: {  	_ =	shalt  }
0x51: {  	_ =	shalt  }
0x52: {  	_ =	shalt  }
0x53: {  	_ =	shalt  }
0x54: {  	_ =	shalt  }
0x55: {  	_ =	shalt  }
0x56: {  	_ =	shalt  }
0x57: {  	_ =	shalt  }
0x58: {  	_ =	shalt  }
0x59: {  	_ =	shalt  }
0x5a: {  	_ =	shalt  }
0x5b: {  	_ =	shalt  }
0x5c: {  	_ =	shalt  }
0x5d: {  	_ =	shalt  }
0x5e: {  	_ =	shalt  }
0x5f: {  	_ =	shalt  }
0x60: {  	_ =	shalt  }
0x61: {  	_ =	shalt  }
0x62: {  	_ =	shalt  }
0x63: {  	_ =	shalt  }
0x64: {  	_ =	shalt  }
0x65: {  	_ =	shalt  }
0x66: {  	_ =	shalt  }
0x67: {  	_ =	shalt  }
0x68: {  	_ =	shalt  }
0x69: {  	_ =	shalt  }
0x6a: {  	_ =	shalt  }
0x6b: {  	_ =	shalt  }
0x6c: {  	_ =	shalt  }
0x6d: {  	_ =	shalt  }
0x6e: {  	_ =	shalt  }
0x6f: {  	_ =	shalt  }
0x70: {  	_ =	shalt  }
0x71: {  	_ =	shalt  }
0x72: {  	_ =	shalt  }
0x73: {  	_ =	shalt  }
0x74: {  	_ =	shalt  }
0x75: {  	_ =	shalt  }
0x76: {  	_ =	shalt  }
0x77: {  	_ =	shalt  }
0x78: {  	_ =	shalt  }
0x79: {  	_ =	shalt  }
0x7a: {  	_ =	shalt  }
0x7b: {  	_ =	shalt  }
0x7c: {  	_ =	shalt  }
0x7d: {  	_ =	shalt  }
0x7e: {  	_ =	shalt  }
0x7f: {  	_ =	shalt  }
0x80: {  	_ =	shalt  }
0x81: {  	_ =	shalt  }
0x82: {  	_ =	shalt  }
0x83: {  	_ =	shalt  }
0x84: {  	_ =	shalt  }
0x85: {  	_ =	shalt  }
0x86: {  	_ =	shalt  }
0x87: {  	_ =	shalt  }
.Lfunc_end0:
.L_simem_size_0:
called_computation_lowered:
.L_overlay_start_0:
0x88: {  	s2 =	sld [smem:$0x3FD9]  }
0x89: {  	s3 =	sld [smem:$0x3FFE];
	_ =	sdelay $0x1  }
0x8a: {  	s1 =	srdreg.scid  }
0x8b: {  	s0 =	sand.u32 $0x1, s1  }
0x8c: {  	s16 =	sshll.u32 s0, $0xA;
	s2 =	sadd.s32 s3, s2  }
0x8d: {  	s2 =	sadd.s32 s2, s16  }
0x8e: {  	[smem:$0x3FB3] =	sst s2  }
0x8f: {  	_ = 	snop  }
0x90: {  	(tm) =	ssettm $0x1  }
0x91: {  	s17 =	sld [smem:$0x3FFB];
	_ =	sdelay $0x3  }
0x92: {  	_ =	strace s17  }
0x93: {  	s2 =	sld [smem:$0x3FFC];
	_ =	sdelay $0x3  }
0x94: {  	_ =	strace s2  }
0x95: {  	s2 =	sld [smem:$0x3FFD];
	_ =	sdelay $0x3  }
0x96: {  	_ =	strace s2  }
0x97: {  	_ =	strace $0x8FFFFFFF  }
0x98: {  	s18 =	sld [smem:$0x3FDB];
	_ =	sdelay $0x1  }
0x99: {  	s19 =	simm.s32 $_scs_section_size  }
0x9a: {  	s4 =	simm.s32 $_size__tile_overlayer_lowered;
	s5 =	simm.s32 $_tile_overlayer_lowered  }
0x9b: {  	s22 =	simm.s32 $0x1BFF;
	s21 =	sshll.u32 s5, $0x1;
	s2 =	sadd.s32 s19, s18  }
0x9c: {  	s6 =	simm.s32 $0x0;
	s20 =	sshll.u32 s4, $0x1;
	s4 =	sadd.s32 s21, s2  }
0x9d: {  	[timem:s6], [sflag:s22] =	dma.local [hbm:s4], s20  }
0x9e: {  	_ =	swait.ge [sflag:s22], s20  }
0x9f: {  	s3 =	ssub.s32 $0x0, s20;
	[sflag:s22] =	ssyncset.done $0x0  }
0xa0: {  	[sflag:s22] =	ssyncadd.s32 s3;
	_ =	sdelay $0x1  }
0xa1: {  	s23 =	simm.s32 $0x1B8B  }
0xa2: {  	_ =	swait.ge [sflag:s23], $0x1  }
0xa3: {  	[sflag:s23] =	ssyncset.done $0x0  }
0xa4: {  	s25 =	simm.s32 $0x1B8E;
	s24 =	sld [smem:$0x3FFE];
	[sflag:s23] =	ssyncadd.s32 $0xFFFFFFFF  }
0xa5: {  	s26 =	simm.s32 $execute0_lowered;
	[smem:$0x3FD2] =	sst s25  }
0xa6: {  	s4 =	sshll.u32 s26, $0x1;
	_ =	strace $0x80000046;
	[dreg:$0x1] =	wrdreg $0xFFFFFFFF  }
0xa7: {  	s28 =	simm.s32 $_size_execute0_lowered;
	s2 =	sadd.s32 s2, s4;
	[dreg:$0x0] =	wrdreg $0x0  }
0xa8: {  	s4 =	sshll.u32 s28, $0x1;
	[dreg:$0x2] =	wrdreg s2  }
0xa9: {  	[dreg:$0x3] =	wrdreg s4  }
0xaa: {  	[dreg:$0x4] =	wrdreg $0xC0  }
0xab: {  	_ =	task [dreg:s6], $0x5FFFF  }
0xac: {  	[dreg:$0x1] =	wrdreg $0xFFFFFFFF  }
0xad: {  	[dreg:$0x0] =	wrdreg $0x60  }
0xae: {  	[dreg:$0x2] =	wrdreg s24  }
0xaf: {  	[dreg:$0x3] =	wrdreg $0x0  }
0xb0: {  	[dreg:$0x4] =	wrdreg $0x9  }
0xb1: {  	_ =	task.clear_ibuf [dreg:s6], $0x5FFFF;
	_ =	strace $0x90000046  }
0xb2: {  	s29 =	simm.s32 $0x9;
	_ =	strace $0x80000048  }
0xb3: {  	_ =	swait.ge [sflag:s29], $0x1  }
0xb4: {  	[sflag:s29] =	ssyncadd.s32 $0xFFFFFFFF  }
0xb5: {  	_ =	strace $0x90000048  }
0xb6: {  	_ =	sfence  }
0xb7: {  	s30 =	sld [smem:$0x0];
	_ =	sdelay $0x2  }
0xb8: {  	s31 =	sshll.u32 s1, $0xD;
	s1 =	sshrl.u32 s1, $0x2  }
0xb9: {  	s3 =	sand.u32 $0x4000, s31;
	s1 =	sadd.s32 s1, s30  }
0xba: {  	s0 =	sor.u32 s3, s0;
	s1 =	sshll.u32 s1, $0x11  }
0xbb: {  	s0 =	sor.u32 s1, s0  }
0xbc: {  	s0 =	sadd.s32 $0x8F2B, s0  }
0xbd: {  	[sflag:s0] =	ssyncadd.remote.s32 $0x1  }
0xbe: {  	_ =	sfence.sel $0xFFFF  }
0xbf: {  	[dreg:$0x0] =	wrdreg $0xFFFFFFFF;
	(pc) =	sbr.abs _section_cstart, $3  }
0xc0: {  	[dreg:$0x1] =	wrdreg $0xFFFFFFFF  }
0xc1: {  	_ =	task.clear_ibuf [dreg:s6], $0x2FFFF;
	_ =	strace $0x9FFFFFFF  }
0xc2: {  	(tm) =	ssettm $0x7FFFFFFF  }
0xc3: {  	_ =	shalt  }
tec
execute0_lowered:
.L_overlay_start_1:
0x0: {  	(tag) =	ssettag $0x1  }
0x1: {  	s0 =	rddreg [dreg:$0x0]  }
0x2: {  	s1 =	rddreg [dreg:$0x1];
	s3 =	simm.s32 $0x0;
	s4 =	srdreg.scid  }
0x3: {  	s2 =	stileid.u32;
	s15 =	simm.s32 $0x1EA00;
	s16 =	simm.s32 $0x1EA80  }
0x4: {  	s18 =	simm.s32 $0x1EAC0;
	s19 =	simm.s32 $0x3;
	s20 =	simm.s32 $0x40  }
0x5: {  	s21 =	simm.s32 $0x1EB00;
	s28 =	simm.s32 $0x2;
	s29 =	simm.s32 $0x6  }
0x6: {  	s30 =	simm.s32 $0x0;
	[smem:$0x7FF] =	sst s3;
	s4 =	sand.u32 $0x1, s4  }
0x7: {  	s5 =	sshll.u32 s2, $0x3;
	s25 =	smul.u32 $0x5000, s2;
	s13 =	sor.u32 $0x30, s2  }
0x8: {  	s14 =	smul.u32 $0x280, s2;
	p0 =	sgt.u32 s2, $0x3;
	_ =	strace $0x80000047  }
0x9: {  	s6 =	smul.u32 $0x3D400, s4;
	s7 =	ssub.s32 $0x2, s4;
	s8 =	sadd.s32 s5, s0  }
0xa: {  	s4 =	sadd.s32 $0xB1200, s0;
	s23 =	sshrl.u32 s7, $0x1;
	s9 =	sadd.s32 $0x1E2A0, s8  }
0xb: {  	s5 =	sadd.s32 $0x5C00, s8;
	s26 =	sadd.s32 $0x5C80, s8;
	[dreg:$0x3] =	wrdreg s9  }
0xc: {  	s8 =	sadd.s32 $0x1E320, s8;
	s0 =	sadd.s32 s6, s0;
	[dreg:$0x4] =	wrdreg s26  }
0xd: {  	s24 =	ssub.s32 s7, s23;
	[dreg:$0x5] =	wrdreg s8;
	s7 =	sshrl.u32 s25, $0x2  }
0xe: {  	s23 =	simm.s32 $0x1F500;
	s25 =	simm.s32 $0x5;
	s26 =	simm.s32 $0x7  }
0xf: {  	s9 =	sadd.s32 $0x36A00, s0;
	s10 =	sadd.s32 $0x346000, s0;
	s31 =	smax.u32 s24, $0x1  }
0x10: {  	s12 =	sadd.s32 s7, s1;
	s24 =	simm.s32 $0x1;
	[dreg:$0x6] =	wrdreg s31  }
.LBB2_1:
0x11: {  	s0 =	sadd.s32 $0x0, s2  }
0x12: {  	p1 =	sgt.u32 s0, $0x187  }
0x13: {  	s0 =	sshll.u32 @!p1 s2, $0x6  }
0x14: {  	s6 =	sshrl.u32 @!p1 s12, $0x3;
	s7 =	simm.s32 @!p1 $0x7;
	s0 =	sor.u32 @!p1 $0x1C07, s0  }
0x15: {  	[spmem:s6], [sflag:s0] =	dma.local @!p1 [hbm:s4], $0x280  }
0x16: {  	s31 =	sadd.s32 $0x10, s2;
	_ =	swait.ge @!p1 [sflag:s7], $0x280  }
0x17: {  	s6 =	simm.s32 $0x20;
	s0 =	sadd.s32 $0x14000, s12;
	[sflag:s7] =	ssyncset.done @!p1 $0x0  }
.LBB2_2:
0x18: {  	s8 =	smov.u32 s6;
	s6 =	sadd.s32 $0x10, s6  }
0x19: {  	[sflag:s7] =	ssyncadd.s32 @!p1 $0xFFFFFD80;
	p1 =	sgt.u32 s31, $0x187;
	p2 =	sne.s32 s6, $0x190  }
.Ltmp0:
0x1a: {  	s7 =	sshll.u32 @!p1 s2, $0x6;
	s31 =	sshrl.u32 @!p1 s0, $0x3;
	(pc) =	sbr.rel @p2 .LBB2_2-.Ltmp0, $4  }
0x1b: {  	s11 =	sor.u32 @!p1 $0x1C07, s7;
	s7 =	simm.s32 @!p1 $0x7  }
0x1c: {  	[spmem:s31], [sflag:s11] =	dma.local @!p1 [hbm:s4], $0x280  }
0x1d: {  	_ =	swait.ge @!p1 [sflag:s7], $0x280  }
0x1e: {  	s0 =	sadd.s32 $0x14000, s0;
	s31 =	sadd.s32 s8, s2;
	[sflag:s7] =	ssyncset.done @!p1 $0x0  }
0x1f: {  	p2 =	sgt.u32 s31, $0x187  }
0x20: {  	[sflag:s7] =	ssyncadd.s32 @!p1 $0xFFFFFD80;
	s6 =	sshll.u32 @!p2 s2, $0x6  }
0x21: {  	s0 =	sshrl.u32 @!p2 s0, $0x3;
	s7 =	simm.s32 @!p2 $0x7;
	s6 =	sor.u32 @!p2 $0x1C07, s6  }
0x22: {  	[spmem:s0], [sflag:s6] =	dma.local @!p2 [hbm:s4], $0x280  }
0x23: {  	_ =	swait.ge @!p2 [sflag:s7], $0x280  }
0x24: {  	[sflag:s7] =	ssyncset.done @!p2 $0x0  }
0x25: {  	[sflag:s7] =	ssyncadd.s32 @!p2 $0xFFFFFD80  }
0x26: {  	s7 =	simm.s32 $0x0;
	[bflag:$0x0] =	sbarrier.arrive $0xFFFF  }
0x27: {  	[tilespmem:s15], [sflag:$0x3] =	stream.linear.gather [hbm4b:s5+s7], $0x40, $0x38;
	[tilespmem:$0x1FF00] =	vst v63  }
0x28: {  	s11 =	rddreg [dreg:$0x3]  }
0x29: {  	[tilespmem:s16], [sflag:$0x5] =	stream.linear.gather [hbm4b:s11+s7], $0x40, $0x38;
	[tilespmem:$0x1FF00] =	vst v63  }
0x2a: {  	s22 =	simm.s32 $0x1EA40;
	s17 =	rddreg [dreg:$0x4]  }
0x2b: {  	[tilespmem:s22], [sflag:$0x4] =	stream.linear.gather [hbm4b:s17+s7], $0x40, $0x38;
	[tilespmem:$0x1FF00] =	vst v63  }
0x2c: {  	s8 =	rddreg [dreg:$0x5]  }
0x2d: {  	[tilespmem:s18], [sflag:$0x6] =	stream.linear.gather [hbm4b:s8+s7], $0x40, $0x38;
	[tilespmem:$0x1FF00] =	vst v63  }
0x2e: {  	_ =	swait.ge [sflag:s19], $0x40  }
0x2f: {  	[sflag:s19] =	ssyncset.done $0x0  }
0x30: {  	s11 =	simm.s32 $0x4;
	[sflag:s19] =	ssyncadd.s32 $0xFFFFFFC0  }
0x31: {  	[tilespmem:s21], [sflag:$0x1] =	stream.indirect.gather [hbm4b:s9+s20], $0x28, s15, s20, $0xb8;
	[tilespmem:$0x1FF00] =	vst v63  }
0x32: {  	_ =	swait.ge [sflag:s11], $0x40  }
0x33: {  	[sflag:s11] =	ssyncset.done $0x0  }
0x34: {  	[sflag:s11] =	ssyncadd.s32 $0xFFFFFFC0  }
0x35: {  	[tilespmem:s23], [sflag:$0x2] =	stream.indirect.gather [hbm4b:s9+s20], $0x28, s22, s20, $0xb8;
	[tilespmem:$0x1FF00] =	vst v63  }
0x36: {  	_ =	swait.ge [sflag:s24], $0xA00  }
0x37: {  	[sflag:s24] =	ssyncset.done $0x0  }
0x38: {  	[sflag:s24] =	ssyncadd.s32 $0xFFFFF600  }
0x39: {  	_ =	swait.ge [sflag:s25], $0x40  }
0x3a: {  	[sflag:s25] =	ssyncset.done $0x0  }
0x3b: {  	[sflag:s25] =	ssyncadd.s32 $0xFFFFFFC0  }
0x3c: {  	[spmem:s1] =	stream.indirect.scatter.add.f32 [tilespmem:s21], [sflag:$0x7], $0x28, s16, s20, $0xb8;
	[tilespmem:$0x1FF00] =	vst v63  }
0x3d: {  	_ =	swait.ge [sflag:s26], $0xA00  }
0x3e: {  	s17 =	sadd.s32 $0x0, s5;
	[sflag:s26] =	ssyncset.done $0x0  }
0x3f: {  	s22 =	sadd.s32 $0x187A0, s17;
	[sflag:s26] =	ssyncadd.s32 $0xFFFFF600  }
0x40: {  	[tilespmem:s16], [sflag:$0x5] =	stream.linear.gather [hbm4b:s22+s3], $0x40, $0x38;
	[tilespmem:$0x1FF00] =	vst v63  }
0x41: {  	s0 =	sadd.s32 $0x100, s17  }
0x42: {  	[tilespmem:s15], [sflag:$0x3] =	stream.linear.gather [hbm4b:s0+s3], $0x40, $0x38;
	[tilespmem:$0x1FF00] =	vst v63  }
0x43: {  	_ =	swait.ge [sflag:s19], $0x40  }
0x44: {  	[sflag:s19] =	ssyncset.done $0x0  }
0x45: {  	[sflag:s19] =	ssyncadd.s32 $0xFFFFFFC0  }
0x46: {  	[tilespmem:s21], [sflag:$0x1] =	stream.indirect.gather [hbm4b:s9+s20], $0x28, s15, s20, $0xb8;
	[tilespmem:$0x1FF00] =	vst v63  }
0x47: {  	_ =	swait.ge [sflag:s28], $0xA00  }
0x48: {  	[sflag:s28] =	ssyncset.done $0x0  }
0x49: {  	[sflag:s28] =	ssyncadd.s32 $0xFFFFF600  }
0x4a: {  	_ =	swait.ge [sflag:s29], $0x40  }
0x4b: {  	[sflag:s29] =	ssyncset.done $0x0  }
0x4c: {  	[sflag:s29] =	ssyncadd.s32 $0xFFFFFFC0  }
0x4d: {  	[spmem:s1] =	stream.indirect.scatter.add.f32 [tilespmem:s23], [sflag:$0x7], $0x28, s18, s20, $0xb8;
	[tilespmem:$0x1FF00] =	vst v63  }
0x4e: {  	p2 =	sgt.u32 s13, $0x30D3;
	_ =	swait.ge [sflag:s26], $0xA00  }
0x4f: {  	s6 =	simm.s32 @!p2 $0x1EAC0;
	s0 =	sadd.s32 @!p2 $0x0, s5;
	[sflag:s26] =	ssyncset.done $0x0  }
0x50: {  	s8 =	simm.s32 @!p2 $0x0;
	s7 =	sadd.s32 @!p2 $0x18820, s0;
	[sflag:s26] =	ssyncadd.s32 $0xFFFFF600  }
0x51: {  	[tilespmem:s6], [sflag:$0x6] =	stream.linear.gather @!p2 [hbm4b:s7+s8], $0x40, $0x38;
	[tilespmem:$0x1FF00] =	vst v63  }
0x52: {  	s0 =	sadd.s32 @!p2 $0x180, s0;
	s6 =	simm.s32 @!p2 $0x1EA40;
	s7 =	simm.s32 @!p2 $0x4  }
0x53: {  	[tilespmem:s6], [sflag:$0x4] =	stream.linear.gather @!p2 [hbm4b:s0+s8], $0x40, $0x38;
	[tilespmem:$0x1FF00] =	vst v63  }
0x54: {  	_ =	swait.ge @!p2 [sflag:s7], $0x40  }
0x55: {  	s31 =	simm.s32 $0x100;
	s0 =	sadd.s32 $0x20, s13;
	[sflag:s7] =	ssyncset.done @!p2 $0x0  }
0x56: {  	s8 =	simm.s32 @!p2 $0x1F500;
	[sflag:s7] =	ssyncadd.s32 @!p2 $0xFFFFFFC0;
	s7 =	simm.s32 @!p2 $0x40  }
.LBB2_4:
0x57: {  	[tilespmem:s8], [sflag:$0x2] =	stream.indirect.gather @!p2 [hbm4b:s9+s7], $0x28, s6, s7, $0xb8;
	[tilespmem:$0x1FF00] =	vst v63  }
0x58: {  	s6 =	smov.u32 s31;
	s31 =	sadd.s32 $0x100, s31  }
0x59: {  	p1 =	sne.s32 s31, $0x18600;
	_ =	swait.ge [sflag:s24], $0xA00  }
0x5a: {  	[sflag:s24] =	ssyncset.done $0x0  }
0x5b: {  	[sflag:s24] =	ssyncadd.s32 $0xFFFFF600  }
0x5c: {  	_ =	swait.ge [sflag:s25], $0x40  }
0x5d: {  	[sflag:s25] =	ssyncset.done $0x0  }
0x5e: {  	[sflag:s25] =	ssyncadd.s32 $0xFFFFFFC0  }
0x5f: {  	[spmem:s1] =	stream.indirect.scatter.add.f32 [tilespmem:s21], [sflag:$0x7], $0x28, s16, s20, $0xb8;
	[tilespmem:$0x1FF00] =	vst v63  }
0x60: {  	_ =	swait.ge [sflag:s26], $0xA00  }
0x61: {  	s7 =	sadd.s32 s6, s5;
	[sflag:s26] =	ssyncset.done $0x0  }
0x62: {  	s8 =	sadd.s32 $0x187A0, s7;
	[sflag:s26] =	ssyncadd.s32 $0xFFFFF600  }
0x63: {  	[tilespmem:s16], [sflag:$0x5] =	stream.linear.gather [hbm4b:s8+s3], $0x40, $0x38;
	[tilespmem:$0x1FF00] =	vst v63  }
0x64: {  	s7 =	sadd.s32 $0x100, s7  }
0x65: {  	[tilespmem:s15], [sflag:$0x3] =	stream.linear.gather [hbm4b:s7+s3], $0x40, $0x38;
	[tilespmem:$0x1FF00] =	vst v63  }
0x66: {  	_ =	swait.ge [sflag:s19], $0x40  }
0x67: {  	[sflag:s19] =	ssyncset.done $0x0  }
0x68: {  	[sflag:s19] =	ssyncadd.s32 $0xFFFFFFC0  }
0x69: {  	[tilespmem:s21], [sflag:$0x1] =	stream.indirect.gather [hbm4b:s9+s20], $0x28, s15, s20, $0xb8;
	[tilespmem:$0x1FF00] =	vst v63  }
0x6a: {  	_ =	swait.ge [sflag:s28], $0xA00  }
0x6b: {  	[sflag:s28] =	ssyncset.done $0x0  }
0x6c: {  	[sflag:s28] =	ssyncadd.s32 $0xFFFFF600  }
0x6d: {  	_ =	swait.ge [sflag:s29], $0x40  }
0x6e: {  	[sflag:s29] =	ssyncset.done $0x0  }
0x6f: {  	[sflag:s29] =	ssyncadd.s32 $0xFFFFFFC0  }
0x70: {  	[spmem:s1] =	stream.indirect.scatter.add.f32 [tilespmem:s23], [sflag:$0x7], $0x28, s18, s20, $0xb8;
	[tilespmem:$0x1FF00] =	vst v63  }
0x71: {  	p2 =	sgt.u32 s0, $0x30D3;
	_ =	swait.ge [sflag:s26], $0xA00  }
0x72: {  	s6 =	sadd.s32 @!p2 s6, s5;
	s7 =	simm.s32 @!p2 $0x1EAC0;
	[sflag:s26] =	ssyncset.done $0x0  }
0x73: {  	s11 =	simm.s32 @!p2 $0x0;
	s8 =	sadd.s32 @!p2 $0x18820, s6;
	[sflag:s26] =	ssyncadd.s32 $0xFFFFF600  }
0x74: {  	[tilespmem:s7], [sflag:$0x6] =	stream.linear.gather @!p2 [hbm4b:s8+s11], $0x40, $0x38;
	[tilespmem:$0x1FF00] =	vst v63  }
0x75: {  	s7 =	sadd.s32 @!p2 $0x180, s6  }
.Ltmp1:
0x76: {  	s6 =	simm.s32 @!p2 $0x1EA40;
	s8 =	simm.s32 @!p2 $0x4;
	(pc) =	sbr.rel @p1 .LBB2_4-.Ltmp1, $4  }
0x77: {  	[tilespmem:s6], [sflag:$0x4] =	stream.linear.gather @!p2 [hbm4b:s7+s11], $0x40, $0x38;
	[tilespmem:$0x1FF00] =	vst v63  }
0x78: {  	_ =	swait.ge @!p2 [sflag:s8], $0x40  }
0x79: {  	s0 =	sadd.s32 $0x20, s0;
	[sflag:s8] =	ssyncset.done @!p2 $0x0  }
0x7a: {  	s7 =	simm.s32 @!p2 $0x40;
	[sflag:s8] =	ssyncadd.s32 @!p2 $0xFFFFFFC0;
	s8 =	simm.s32 @!p2 $0x1F500  }
0x7b: {  	[tilespmem:s8], [sflag:$0x2] =	stream.indirect.gather @!p2 [hbm4b:s9+s7], $0x28, s6, s7, $0xb8;
	[tilespmem:$0x1FF00] =	vst v63  }
0x7c: {  	_ =	swait.ge [sflag:s24], $0xA00  }
0x7d: {  	[sflag:s24] =	ssyncset.done $0x0  }
0x7e: {  	[sflag:s24] =	ssyncadd.s32 $0xFFFFF600  }
0x7f: {  	_ =	swait.ge [sflag:s25], $0x40  }
0x80: {  	[sflag:s25] =	ssyncset.done $0x0  }
0x81: {  	[sflag:s25] =	ssyncadd.s32 $0xFFFFFFC0  }
0x82: {  	[spmem:s1] =	stream.indirect.scatter.add.f32 [tilespmem:s21], [sflag:$0x7], $0x28, s16, s20, $0xb8;
	[tilespmem:$0x1FF00] =	vst v63  }
0x83: {  	_ =	swait.ge [sflag:s26], $0xA00  }
0x84: {  	[sflag:s26] =	ssyncset.done $0x0  }
0x85: {  	s0 =	simm.s32 @!p0 $0x2;
	[sflag:s26] =	ssyncadd.s32 $0xFFFFF600  }
0x86: {  	_ =	swait.ge @!p0 [sflag:s0], $0xA00  }
0x87: {  	[sflag:s0] =	ssyncset.done @!p0 $0x0  }
0x88: {  	[sflag:s0] =	ssyncadd.s32 @!p0 $0xFFFFF600;
	s0 =	simm.s32 @!p0 $0x6  }
0x89: {  	_ =	swait.ge @!p0 [sflag:s0], $0x40  }
0x8a: {  	s6 =	simm.s32 @!p0 $0x1EAC0;
	[sflag:s0] =	ssyncset.done @!p0 $0x0  }
0x8b: {  	s7 =	simm.s32 @!p0 $0x1F500;
	[sflag:s0] =	ssyncadd.s32 @!p0 $0xFFFFFFC0;
	s0 =	simm.s32 @!p0 $0x40  }
0x8c: {  	[spmem:s1] =	stream.indirect.scatter.add.f32 @!p0 [tilespmem:s7], [sflag:$0x7], $0x28, s6, s0, $0xb8;
	[tilespmem:$0x1FF00] =	vst v63  }
0x8d: {  	s22 =	sadd.s32 $0x0, s2;
	s0 =	simm.s32 @!p0 $0x7  }
0x8e: {  	p1 =	sgt.u32 s22, $0x187;
	_ =	swait.ge @!p0 [sflag:s0], $0xA00  }
0x8f: {  	s31 =	simm.s32 @!p1 $0x7;
	[sflag:s0] =	ssyncset.done @!p0 $0x0  }
0x90: {  	s6 =	sadd.s32 @!p1 s14, s10;
	[sflag:s0] =	ssyncadd.s32 @!p0 $0xFFFFF600;
	s0 =	sshll.u32 @!p1 s2, $0x6  }
0x91: {  	s7 =	sshrl.u32 @!p1 s12, $0x3;
	[bflag:$0x0] =	sbarrier.arrive $0xFFFF;
	s0 =	sor.u32 @!p1 $0x1C07, s0  }
0x92: {  	[hbm:s6], [sflag:s0] =	dma.local @!p1 [spmem:s7], $0x280  }
0x93: {  	s8 =	sadd.s32 $0x10, s2;
	s7 =	simm.s32 $0x20;
	_ =	swait.ge @!p1 [sflag:s31], $0x280  }
0x94: {  	s0 =	sadd.s32 $0x14000, s12;
	s6 =	sadd.s32 $0x2800, s14;
	[sflag:s31] =	ssyncset.done @!p1 $0x0  }
.LBB2_6:
0x95: {  	[sflag:s31] =	ssyncadd.s32 @!p1 $0xFFFFFD80  }
0x96: {  	p1 =	sgt.u32 s8, $0x187;
	s8 =	smov.u32 s7;
	s7 =	sadd.s32 $0x10, s7  }
0x97: {  	p2 =	sne.s32 s7, $0x190  }
.Ltmp2:
0x98: {  	s11 =	sshll.u32 @!p1 s2, $0x6;
	s31 =	simm.s32 @!p1 $0x7;
	(pc) =	sbr.rel @p2 .LBB2_6-.Ltmp2, $4  }
0x99: {  	s17 =	sadd.s32 @!p1 s6, s10;
	s22 =	sshrl.u32 @!p1 s0, $0x3;
	s11 =	sor.u32 @!p1 $0x1C07, s11  }
0x9a: {  	[hbm:s17], [sflag:s11] =	dma.local @!p1 [spmem:s22], $0x280  }
0x9b: {  	s0 =	sadd.s32 $0x14000, s0;
	_ =	swait.ge @!p1 [sflag:s31], $0x280  }
0x9c: {  	s8 =	sadd.s32 s8, s2;
	s6 =	sadd.s32 $0x2800, s6;
	[sflag:s31] =	ssyncset.done @!p1 $0x0  }
0x9d: {  	p2 =	sgt.u32 s8, $0x187  }
0x9e: {  	[sflag:s31] =	ssyncadd.s32 @!p1 $0xFFFFFD80;
	s7 =	sshll.u32 @!p2 s2, $0x6;
	s8 =	simm.s32 @!p2 $0x7  }
0x9f: {  	s6 =	sadd.s32 @!p2 s6, s10;
	s0 =	sshrl.u32 @!p2 s0, $0x3;
	s7 =	sor.u32 @!p2 $0x1C07, s7  }
0xa0: {  	[hbm:s6], [sflag:s7] =	dma.local @!p2 [spmem:s0], $0x280  }
0xa1: {  	_ =	swait.ge @!p2 [sflag:s8], $0x280  }
0xa2: {  	s30 =	sadd.s32 $0x1, s30;
	s31 =	rddreg [dreg:$0x6]  }
0xa3: {  	p1 =	sne.s32 s30, s31  }
.Ltmp3:
0xa4: {  	_ = 	snop;
	(pc) =	sbr.rel @p1 .LBB2_1-.Ltmp3, $3  }
0xa5: {  	_ =	sdelay $0x1  }
0xa6: {  	[sflag:s8] =	ssyncset.done @!p2 $0x0  }
0xa7: {  	[sflag:s8] =	ssyncadd.s32 @!p2 $0xFFFFFD80  }
0xa8: {  	_ =	sfence.sel $0x180000  }
0xa9: {  	[bflag:$0x0] =	sbarrier.arrive $0xFFFF  }
0xaa: {  	_ =	strace $0x90000047  }
0xab: {  	[bflag:$0x2] =	sbarrier.arrive $0xFFFF  }
0xac: {  	p0 =	sne.s32 s2, $0x0;
	s0 =	rddreg [dreg:$0x2]  }
0xad: {  	s0 =	sadd.s32 @!p0 $0x100000, s0  }
0xae: {  	[sflag:s0] =	ssyncadd.tile.s32 @!p0 $0x1;
	_ =	shalt  }
.Lfunc_end2:
_tile_overlayer_lowered:
.L_overlay_start_2:
0xaf: {  	(tag) =	ssettag $0x2  }
0xb0: {  	s0 =	rddreg [dreg:$0x0];
	s2 =	stileid.u32  }
0xb1: {  	s1 =	rddreg [dreg:$0x1];
	p0 =	sne.s32 s2, $0x0  }
0xb2: {  	s3 =	rddreg [dreg:$0x2];
	[bflag:$0x3] =	sbarrier.arrive $0xFFFF;
	s2 =	simm.s32 @!p0 $0x1C07  }
0xb3: {  	[timem:s3], [sflag:s2] =	dma.local @!p0 [hbm:s0], s1  }
0xb4: {  	s0 =	simm.s32 @!p0 $0x7  }
0xb5: {  	_ =	swait.ge @!p0 [sflag:s0], s1  }
0xb6: {  	s1 =	ssub.s32 @!p0 $0x0, s1;
	[sflag:s0] =	ssyncset.done @!p0 $0x0  }
0xb7: {  	[sflag:s0] =	ssyncadd.s32 @!p0 s1  }
0xb8: {  	[bflag:$0x3] =	sbarrier.arrive $0xFFFF  }
0xb9: {  	_ =	shalt  }

// kernel: kernel.15.cloned.1.call-start
scs
__scs_entry_jumppad:
0x0: {  	(pc) =	sbr.rel $0x88, $3  }
0x1: {  	(tag) =	ssettag $0x0;
	lr =	simm.s32 $0x1  }
0x2: {  	[smem:$0x3F8C] =	sst lr;
	_ =	strace $0xD0000000  }
0x3: {  	_ = 	snop  }
0x4: {  	_ = 	snop  }
0x5: {  	_ = 	snop  }
0x6: {  	_ = 	snop  }
0x7: {  	_ = 	snop  }
__scs_overlays_trampoline_lowered:
0x8: {  	[smem:$0x3F9B] =	sst s0  }
0x9: {  	[smem:$0x3F9C] =	sst s1  }
0xa: {  	[smem:$0x3F9D] =	sst s2  }
0xb: {  	[smem:$0x3F9E] =	sst s3  }
0xc: {  	[smem:$0x3F9F] =	sst s4  }
0xd: {  	[smem:$0x3FA0] =	sst s5  }
0xe: {  	[smem:$0x3FA1] =	sst s6  }
0xf: {  	[smem:$0x3FA2] =	sst s7  }
0x10: {  	[smem:$0x3FA3] =	sst s8  }
0x11: {  	[smem:$0x3FA4] =	sst s9;
	s0 =	simm.s32 @!p0 $0x0  }
0x12: {  	s1 =	sld [smem:$0x3F8A];
	s0 =	simm.s32 @p0 $0x1  }
0x13: {  	[smem:$0x3FA5] =	sst s0;
	s0 =	simm.s32 @!p1 $0x0  }
0x14: {  	s2 =	sld [smem:$0x3F89];
	s0 =	simm.s32 @p1 $0x1  }
0x15: {  	[smem:$0x3FA6] =	sst s0;
	s0 =	simm.s32 @!p2 $0x0  }
0x16: {  	s3 =	sld [smem:$0x3FDB];
	s0 =	simm.s32 @p2 $0x1  }
0x17: {  	s4 =	simm.s32 $0x1BF5;
	[smem:$0x3FA8] =	sst s0  }
0x18: {  	s0 =	sld [smem:$0x3F8B];
	_ =	swait.ge [sflag:s4], $0x0  }
0x19: {  	s7 =	sld [smem:$0x3F8C]  }
0x1a: {  	s8 =	sadd.s32 $0xFFFFE003, lr  }
0x1b: {  	s9 =	sadd.s32 $0xFFFFFEF7, lr;
	s5 =	simm.s32 $0xFFFFFFFF;
	p2 =	slt.u32 s8, $0xFFFFF086  }
0x1c: {  	p1 =	slt.u32 s9, $0xF7A;
	s5 =	simm.s32 @!p2 $0x0  }
0x1d: {  	s5 =	simm.s32 @p1 $0x1;
	p0 =	seq.s32 s7, s2  }
0x1e: {  	s7 =	smul.u32 @!p0 $0xF7A, s2;
	p2 =	seq.s32 @!p0 s5, $0x0  }
0x1f: {  	s9 =	smul.u32 $0xF7A, s1;
	s8 =	simm.s32 @!p0 $0x1BF5;
	p2 =	por !p2, p0  }
0x20: {  	[sflag:s8] =	ssyncset.s32 @!p0 $0xFFFFF086;
	s6 =	sadd.s32 @!p0 s3, s7;
	s7 =	simm.s32 @!p0 $0x108  }
0x21: {  	s3 =	sadd.s32 s3, s9;
	s6 =	sadd.s32 @!p0 $0x88, s6;
	s7 =	simm.s32 @p2 $0x1082  }
0x22: {  	[simem:s7], [sflag:s8] =	dma.local @!p0 [hbm:s6], $0xF7A  }
0x23: {  	s9 =	sor.u32 $0xD0000000, s2;
	s6 =	simm.s32 $0x108;
	_ =	swait.ge @!p0 [sflag:s8], $0x0  }
0x24: {  	s3 =	sadd.s32 $0x88, s3;
	s6 =	simm.s32 @!p1 $0x1082;
	[sflag:s4] =	ssyncset.s32 $0xFFFFF086  }
0x25: {  	[simem:s6], [sflag:s4] =	dma.local [hbm:s3], $0xF7A  }
0x26: {  	[smem:$0x3F8C] =	sst s1;
	(tag) =	ssettag s2;
	_ =	strace s9  }
0x27: {  	s1 =	sld [smem:$0x3F9C]  }
0x28: {  	s2 =	sld [smem:$0x3F9D]  }
0x29: {  	s4 =	sld [smem:$0x3F9F]  }
0x2a: {  	p0 =	seq.s32 s5, $0x0;
	s5 =	sld [smem:$0x3FA0]  }
0x2b: {  	s6 =	sld [smem:$0x3FA1]  }
0x2c: {  	s7 =	sld [smem:$0x3FA2]  }
0x2d: {  	s3 =	simm.s32 $0x108;
	s8 =	sld [smem:$0x3FA3]  }
0x2e: {  	s3 =	simm.s32 @!p0 $0x1082;
	s9 =	sld [smem:$0x3FA4]  }
0x2f: {  	lr =	sadd.s32 s0, s3;
	s0 =	sld [smem:$0x3F9B]  }
0x30: {  	s3 =	sld [smem:$0x3F9E]  }
0x31: {  	[smem:$0x3FA7] =	sst s10  }
0x32: {  	s10 =	sld [smem:$0x3FA5];
	_ =	sdelay $0x3  }
0x33: {  	p0 =	seq.s32 s10, $0x1;
	s10 =	sld [smem:$0x3FA7];
	_ =	sdelay $0x3  }
0x34: {  	[smem:$0x3FA7] =	sst s10  }
0x35: {  	s10 =	sld [smem:$0x3FA6];
	_ =	sdelay $0x3  }
0x36: {  	p1 =	seq.s32 s10, $0x1;
	s10 =	sld [smem:$0x3FA7];
	_ =	sdelay $0x3  }
0x37: {  	[smem:$0x3FA7] =	sst s10  }
0x38: {  	s10 =	sld [smem:$0x3FA8]  }
0x39: {  	_ = 	snop;
	(pc) =	sbr.ind lr, $3  }
0x3a: {  	_ = 	snop  }
0x3b: {  	_ = 	snop  }
0x3c: {  	p2 =	seq.s32 s10, $0x1;
	s10 =	sld [smem:$0x3FA7]  }
0x3d: {  	_ =	shalt  }
0x3e: {  	_ =	shalt  }
0x3f: {  	_ =	shalt  }
0x40: {  	_ =	shalt  }
0x41: {  	_ =	shalt  }
0x42: {  	_ =	shalt  }
0x43: {  	_ =	shalt  }
0x44: {  	_ =	shalt  }
0x45: {  	_ =	shalt  }
0x46: {  	_ =	shalt  }
0x47: {  	_ =	shalt  }
0x48: {  	_ =	shalt  }
0x49: {  	_ =	shalt  }
0x4a: {  	_ =	shalt  }
0x4b: {  	_ =	shalt  }
0x4c: {  	_ =	shalt  }
0x4d: {  	_ =	shalt  }
0x4e: {  	_ =	shalt  }
0x4f: {  	_ =	shalt  }
0x50: {  	_ =	shalt  }
0x51: {  	_ =	shalt  }
0x52: {  	_ =	shalt  }
0x53: {  	_ =	shalt  }
0x54: {  	_ =	shalt  }
0x55: {  	_ =	shalt  }
0x56: {  	_ =	shalt  }
0x57: {  	_ =	shalt  }
0x58: {  	_ =	shalt  }
0x59: {  	_ =	shalt  }
0x5a: {  	_ =	shalt  }
0x5b: {  	_ =	shalt  }
0x5c: {  	_ =	shalt  }
0x5d: {  	_ =	shalt  }
0x5e: {  	_ =	shalt  }
0x5f: {  	_ =	shalt  }
0x60: {  	_ =	shalt  }
0x61: {  	_ =	shalt  }
0x62: {  	_ =	shalt  }
0x63: {  	_ =	shalt  }
0x64: {  	_ =	shalt  }
0x65: {  	_ =	shalt  }
0x66: {  	_ =	shalt  }
0x67: {  	_ =	shalt  }
0x68: {  	_ =	shalt  }
0x69: {  	_ =	shalt  }
0x6a: {  	_ =	shalt  }
0x6b: {  	_ =	shalt  }
0x6c: {  	_ =	shalt  }
0x6d: {  	_ =	shalt  }
0x6e: {  	_ =	shalt  }
0x6f: {  	_ =	shalt  }
0x70: {  	_ =	shalt  }
0x71: {  	_ =	shalt  }
0x72: {  	_ =	shalt  }
0x73: {  	_ =	shalt  }
0x74: {  	_ =	shalt  }
0x75: {  	_ =	shalt  }
0x76: {  	_ =	shalt  }
0x77: {  	_ =	shalt  }
0x78: {  	_ =	shalt  }
0x79: {  	_ =	shalt  }
0x7a: {  	_ =	shalt  }
0x7b: {  	_ =	shalt  }
0x7c: {  	_ =	shalt  }
0x7d: {  	_ =	shalt  }
0x7e: {  	_ =	shalt  }
0x7f: {  	_ =	shalt  }
0x80: {  	_ =	shalt  }
0x81: {  	_ =	shalt  }
0x82: {  	_ =	shalt  }
0x83: {  	_ =	shalt  }
0x84: {  	_ =	shalt  }
0x85: {  	_ =	shalt  }
0x86: {  	_ =	shalt  }
0x87: {  	_ =	shalt  }
.Lfunc_end0:
.L_simem_size_0:
called_computation.1_lowered:
.L_overlay_start_0:
0x88: {  	s2 =	sld [smem:$0x3FD9]  }
0x89: {  	s3 =	sld [smem:$0x3FFE];
	_ =	sdelay $0x1  }
0x8a: {  	s1 =	srdreg.scid  }
0x8b: {  	s0 =	sand.u32 $0x1, s1  }
0x8c: {  	s17 =	sshll.u32 s0, $0xA;
	s2 =	sadd.s32 s3, s2  }
0x8d: {  	s2 =	sadd.s32 s2, s17  }
0x8e: {  	[smem:$0x3FB3] =	sst s2  }
0x8f: {  	_ = 	snop  }
0x90: {  	(tm) =	ssettm $0x1  }
0x91: {  	s18 =	sld [smem:$0x3FFB];
	_ =	sdelay $0x3  }
0x92: {  	_ =	strace s18  }
0x93: {  	s2 =	sld [smem:$0x3FFC];
	_ =	sdelay $0x3  }
0x94: {  	_ =	strace s2  }
0x95: {  	s2 =	sld [smem:$0x3FFD];
	_ =	sdelay $0x3  }
0x96: {  	_ =	strace s2  }
0x97: {  	_ =	strace $0x8FFFFFFF  }
0x98: {  	s19 =	sld [smem:$0x3FDB];
	_ =	sdelay $0x1  }
0x99: {  	s20 =	simm.s32 $_scs_section_size  }
0x9a: {  	s4 =	simm.s32 $_size__tile_overlayer_lowered;
	s5 =	simm.s32 $_tile_overlayer_lowered  }
0x9b: {  	s6 =	simm.s32 $0x1BFF;
	s21 =	sshll.u32 s5, $0x1;
	s3 =	sadd.s32 s20, s19  }
0x9c: {  	s22 =	simm.s32 $0x0;
	s4 =	sshll.u32 s4, $0x1;
	s5 =	sadd.s32 s21, s3  }
0x9d: {  	[timem:s22], [sflag:s6] =	dma.local [hbm:s5], s4  }
0x9e: {  	_ =	swait.ge [sflag:s6], s4  }
0x9f: {  	s4 =	ssub.s32 $0x0, s4;
	[sflag:s6] =	ssyncset.done $0x0  }
0xa0: {  	[sflag:s6] =	ssyncadd.s32 s4;
	_ =	sdelay $0x1  }
0xa1: {  	s23 =	simm.s32 $0x1B8B  }
0xa2: {  	_ =	swait.ge [sflag:s23], $0x1  }
0xa3: {  	[sflag:s23] =	ssyncset.done $0x0  }
0xa4: {  	[sflag:s23] =	ssyncadd.s32 $0xFFFFFFFF  }
0xa5: {  	s4 =	sld [smem:$0x0]  }
0xa6: {  	s5 =	sand.u32 $0xFFFFFFFE, s1  }
0xa7: {  	p0 =	sne.s32 s1, s5  }
0xa8: {  	s5 =	sshll.u32 @p0 s5, $0xE  }
0xa9: {  	s5 =	sadd.s32 @p0 $0x11B8D, s5;
	s6 =	sshll.u32 @p0 s4, $0x11  }
0xaa: {  	s5 =	sor.u32 @p0 s6, s5  }
0xab: {  	[sflag:s5] =	ssyncadd.remote.s32 @p0 $0x1;
	_ =	sdelay $0x1  }
0xac: {  	s5 =	simm.s32 @p0 $0x1B8D  }
0xad: {  	_ =	swait.eq @p0 [sflag:s5], $0x1  }
0xae: {  	[sflag:s5] =	ssyncadd.s32 @p0 $0xFFFFFFFF  }
0xaf: {  	s6 =	sshll.u32 @!p0 s1, $0xE  }
0xb0: {  	s6 =	sor.u32 @!p0 $0x4000, s6;
	s5 =	simm.s32 @!p0 $0x1B8D  }
0xb1: {  	s4 =	sshll.u32 @!p0 s4, $0x11;
	s6 =	sadd.s32 @!p0 $0x11B8D, s6;
	_ =	swait.eq @!p0 [sflag:s5], $0x1  }
0xb2: {  	s4 =	sor.u32 @!p0 s4, s6;
	[sflag:s5] =	ssyncadd.s32 @!p0 $0xFFFFFFFF  }
0xb3: {  	s25 =	simm.s32 $0x1B8E;
	s24 =	sld [smem:$0x3FFE];
	[sflag:s4] =	ssyncadd.remote.s32 @!p0 $0x1  }
0xb4: {  	s26 =	simm.s32 $execute0_lowered;
	[smem:$0x3FD2] =	sst s25  }
0xb5: {  	s5 =	sshll.u32 s26, $0x1;
	_ =	strace $0x80000049;
	[dreg:$0x1] =	wrdreg $0xFFFFFFFF  }
0xb6: {  	s28 =	simm.s32 $_size_execute0_lowered;
	s3 =	sadd.s32 s3, s5;
	[dreg:$0x0] =	wrdreg $0x0  }
0xb7: {  	s5 =	sshll.u32 s28, $0x1;
	[dreg:$0x2] =	wrdreg s3  }
0xb8: {  	[dreg:$0x3] =	wrdreg s5  }
0xb9: {  	[dreg:$0x4] =	wrdreg $0xC0  }
0xba: {  	_ =	task [dreg:s22], $0x5FFFF  }
0xbb: {  	[dreg:$0x1] =	wrdreg $0xFFFFFFFF  }
0xbc: {  	[dreg:$0x0] =	wrdreg $0x60  }
0xbd: {  	[dreg:$0x2] =	wrdreg s24  }
0xbe: {  	[dreg:$0x3] =	wrdreg $0x0  }
0xbf: {  	[dreg:$0x4] =	wrdreg $0xA  }
0xc0: {  	_ =	task.clear_ibuf [dreg:s22], $0x5FFFF;
	_ =	strace $0x90000049  }
0xc1: {  	s29 =	simm.s32 $0xA;
	_ =	strace $0x8000004B  }
0xc2: {  	_ =	swait.ge [sflag:s29], $0x1  }
0xc3: {  	[sflag:s29] =	ssyncadd.s32 $0xFFFFFFFF  }
0xc4: {  	_ =	strace $0x9000004B  }
0xc5: {  	_ =	sfence  }
0xc6: {  	s30 =	sld [smem:$0x0];
	_ =	sdelay $0x2  }
0xc7: {  	s31 =	sshll.u32 s1, $0xD;
	s1 =	sshrl.u32 s1, $0x2  }
0xc8: {  	s4 =	sand.u32 $0x4000, s31;
	s1 =	sadd.s32 s1, s30  }
0xc9: {  	s0 =	sor.u32 s4, s0;
	s1 =	sshll.u32 s1, $0x11  }
0xca: {  	s0 =	sor.u32 s1, s0  }
0xcb: {  	s0 =	sadd.s32 $0x8F2B, s0  }
0xcc: {  	[sflag:s0] =	ssyncadd.remote.s32 $0x1  }
0xcd: {  	_ =	sfence.sel $0xFFFF  }
0xce: {  	[dreg:$0x0] =	wrdreg $0xFFFFFFFF;
	(pc) =	sbr.abs _section_cstart, $3  }
0xcf: {  	[dreg:$0x1] =	wrdreg $0xFFFFFFFF  }
0xd0: {  	_ =	task.clear_ibuf [dreg:s22], $0x2FFFF;
	_ =	strace $0x9FFFFFFF  }
0xd1: {  	(tm) =	ssettm $0x7FFFFFFF  }
tec
execute0_lowered:
.L_overlay_start_1:
0x0: {  	(tag) =	ssettag $0x1  }
0x1: {  	s5 =	rddreg [dreg:$0x0];
	s0 =	srdreg.scid  }
0x2: {  	s2 =	rddreg [dreg:$0x1];
	s1 =	stileid.u32  }
0x3: {  	s3 =	simm.s32 $0x0;
	s6 =	sand.u32 $0x1, s0;
	s0 =	rddreg [dreg:$0x2]  }
0x4: {  	s4 =	sshll.u32 s1, $0x7;
	[smem:$0x7FF] =	sst s3;
	s7 =	smul.u32 $0x61A80, s6  }
0x5: {  	s31 =	sshll.u32 s1, $0xA;
	s9 =	smul.u32 $0xC400, s6;
	s6 =	ssub.s32 $0x2, s6  }
0x6: {  	_ =	strace $0x8000004A;
	s29 =	sshrl.u32 s6, $0x1;
	s7 =	sadd.s32 s4, s7  }
0x7: {  	s30 =	sadd.s32 s9, s5;
	s8 =	sadd.s32 $0xC3500, s7;
	s11 =	sadd.s32 s7, s5  }
0x8: {  	s7 =	ssub.s32 s6, s29;
	s6 =	sadd.s32 $0xB1800, s30;
	s8 =	sshrl.u32 s8, $0x3  }
0x9: {  	s7 =	smax.u32 s7, $0x1;
	s9 =	sadd.s32 $0x3C0800, s11;
	s10 =	sadd.s32 s8, s5  }
0xa: {  	s5 =	sadd.s32 $0xB1600, s5;
	s8 =	sadd.s32 s31, s2;
	s10 =	sadd.s32 $0x5C00, s10  }
.LBB2_1:
0xb: {  	s11 =	sadd.s32 $0x0, s1  }
0xc: {  	p0 =	sgt.u32 s11, $0x187  }
0xd: {  	s11 =	sshll.u32 @!p0 s1, $0x6  }
0xe: {  	s12 =	sshrl.u32 @!p0 s8, $0x3;
	s13 =	simm.s32 @!p0 $0x1;
	s11 =	sor.u32 @!p0 $0x1C01, s11  }
0xf: {  	[spmem:s12], [sflag:s11] =	dma.local @!p0 [hbm:s5], $0x80  }
0x10: {  	s14 =	sadd.s32 $0x10, s1;
	_ =	swait.ge @!p0 [sflag:s13], $0x80  }
0x11: {  	s12 =	simm.s32 $0x20;
	s11 =	sadd.s32 $0x4000, s8;
	[sflag:s13] =	ssyncset.done @!p0 $0x0  }
.LBB2_2:
0x12: {  	[sflag:s13] =	ssyncadd.s32 @!p0 $0xFFFFFF80  }
0x13: {  	p0 =	sgt.u32 s14, $0x187;
	s14 =	smov.u32 s12;
	s12 =	sadd.s32 $0x10, s12  }
0x14: {  	p1 =	sne.s32 s12, $0x190  }
.Ltmp0:
0x15: {  	s13 =	sshll.u32 @!p0 s1, $0x6;
	s15 =	sshrl.u32 @!p0 s11, $0x3;
	(pc) =	sbr.rel @p1 .LBB2_2-.Ltmp0, $4  }
0x16: {  	s16 =	sor.u32 @!p0 $0x1C01, s13;
	s13 =	simm.s32 @!p0 $0x1  }
0x17: {  	[spmem:s15], [sflag:s16] =	dma.local @!p0 [hbm:s5], $0x80  }
0x18: {  	_ =	swait.ge @!p0 [sflag:s13], $0x80  }
0x19: {  	s14 =	sadd.s32 s14, s1;
	s11 =	sadd.s32 $0x4000, s11;
	[sflag:s13] =	ssyncset.done @!p0 $0x0  }
0x1a: {  	p1 =	sgt.u32 s14, $0x187  }
0x1b: {  	[sflag:s13] =	ssyncadd.s32 @!p0 $0xFFFFFF80;
	s12 =	sshll.u32 @!p1 s1, $0x6  }
0x1c: {  	s11 =	sshrl.u32 @!p1 s11, $0x3;
	s13 =	simm.s32 @!p1 $0x1;
	s12 =	sor.u32 @!p1 $0x1C01, s12  }
0x1d: {  	[spmem:s11], [sflag:s12] =	dma.local @!p1 [hbm:s5], $0x80  }
0x1e: {  	s30 =	sadd.s32 $0x0, s1;
	_ =	swait.ge @!p1 [sflag:s13], $0x80  }
0x1f: {  	p0 =	sgt.u32 s30, $0xC34;
	[sflag:s13] =	ssyncset.done @!p1 $0x0  }
0x20: {  	s14 =	simm.s32 @!p0 $0x2;
	[sflag:s13] =	ssyncadd.s32 @!p1 $0xFFFFFF80  }
0x21: {  	s11 =	simm.s32 @!p0 $0x0;
	s12 =	simm.s32 @!p0 $0x6200;
	[bflag:$0x0] =	sbarrier.arrive $0xFFFF  }
0x22: {  	[tilespmem:s12], [sflag:$0x2] =	stream.linear.gather @!p0 [hbm4b:s10+s11], $0x80, $0x38;
	[tilespmem:$0x6680] =	vst v63  }
0x23: {  	_ =	swait.ge @!p0 [sflag:s14], $0x80;
	p0 =	por p0, p0  }
0x24: {  	[sflag:s14] =	ssyncset.done @!p0 $0x0  }
0x25: {  	s15 =	simm.s32 @!p0 $0x6280;
	[sflag:s14] =	ssyncadd.s32 @!p0 $0xFFFFFF80  }
0x26: {  	[tilespmem:s15], [sflag:$0x2] =	stream.linear.gather @!p0 [hbm4b:s9+s11], $0x400, $0x38;
	[tilespmem:$0x6680] =	vst v63  }
0x27: {  	s31 =	sadd.s32 $0x10, s1;
	_ =	swait.ge @!p0 [sflag:s14], $0x400  }
0x28: {  	s13 =	simm.s32 $0x20;
	p1 =	sgt.u32 s31, $0xC34;
	[sflag:s14] =	ssyncset.done @!p0 $0x0  }
0x29: {  	s11 =	simm.s32 @!p0 $0x80;
	[sflag:s14] =	ssyncadd.s32 @!p0 $0xFFFFFC00;
	s14 =	simm.s32 @!p0 $0x1  }
0x2a: {  	[spmem:s2] =	stream.indirect.scatter.add.f32 @!p0 [tilespmem:s15], [sflag:$0x1], $0x8, s12, s11, $0xb8;
	[tilespmem:$0x6680] =	vst v63  }
0x2b: {  	s12 =	sadd.s32 $0x100, s10;
	s11 =	sadd.s32 $0x800, s9;
	_ =	swait.ge @!p0 [sflag:s14], $0x400  }
.LBB2_4:
0x2c: {  	s15 =	simm.s32 @!p1 $0x0  }
0x2d: {  	s16 =	simm.s32 @!p1 $0x6200;
	[sflag:s14] =	ssyncset.done @!p0 $0x0;
	s17 =	smov.u32 s13  }
0x2e: {  	s13 =	sadd.s32 $0x10, s13;
	s18 =	simm.s32 @!p1 $0x2;
	[sflag:s14] =	ssyncadd.s32 @!p0 $0xFFFFFC00  }
0x2f: {  	[tilespmem:s16], [sflag:$0x2] =	stream.linear.gather @!p1 [hbm4b:s12+s15], $0x80, $0x38;
	[tilespmem:$0x6680] =	vst v63  }
0x30: {  	p2 =	sne.s32 s13, $0xC40;
	p0 =	por p1, p1;
	_ =	swait.ge @!p1 [sflag:s18], $0x80  }
0x31: {  	[sflag:s18] =	ssyncset.done @!p0 $0x0  }
0x32: {  	s19 =	simm.s32 @!p0 $0x6280;
	[sflag:s18] =	ssyncadd.s32 @!p0 $0xFFFFFF80  }
0x33: {  	[tilespmem:s19], [sflag:$0x2] =	stream.linear.gather @!p0 [hbm4b:s11+s15], $0x400, $0x38;
	[tilespmem:$0x6680] =	vst v63  }
.Ltmp1:
0x34: {  	_ =	swait.ge @!p0 [sflag:s18], $0x400;
	(pc) =	sbr.rel @p2 .LBB2_4-.Ltmp1, $4  }
0x35: {  	s14 =	simm.s32 @!p0 $0x1;
	s12 =	sadd.s32 $0x100, s12;
	[sflag:s18] =	ssyncset.done @!p0 $0x0  }
0x36: {  	s15 =	sadd.s32 s17, s1;
	s17 =	simm.s32 @!p0 $0x80;
	[sflag:s18] =	ssyncadd.s32 @!p0 $0xFFFFFC00  }
0x37: {  	[spmem:s2] =	stream.indirect.scatter.add.f32 @!p0 [tilespmem:s19], [sflag:$0x1], $0x8, s16, s17, $0xb8;
	[tilespmem:$0x6680] =	vst v63  }
0x38: {  	s11 =	sadd.s32 $0x800, s11;
	p1 =	sgt.u32 s15, $0xC34;
	_ =	swait.ge @!p0 [sflag:s14], $0x400  }
0x39: {  	s13 =	simm.s32 @!p1 $0x0;
	[sflag:s14] =	ssyncset.done @!p0 $0x0  }
0x3a: {  	s15 =	simm.s32 @!p1 $0x6200;
	s16 =	simm.s32 @!p1 $0x2;
	[sflag:s14] =	ssyncadd.s32 @!p0 $0xFFFFFC00  }
0x3b: {  	[tilespmem:s15], [sflag:$0x2] =	stream.linear.gather @!p1 [hbm4b:s12+s13], $0x80, $0x38;
	[tilespmem:$0x6680] =	vst v63  }
0x3c: {  	p0 =	por p1, p1;
	_ =	swait.ge @!p1 [sflag:s16], $0x80  }
0x3d: {  	[sflag:s16] =	ssyncset.done @!p0 $0x0  }
0x3e: {  	s12 =	simm.s32 @!p0 $0x6280;
	[sflag:s16] =	ssyncadd.s32 @!p0 $0xFFFFFF80  }
0x3f: {  	[tilespmem:s12], [sflag:$0x2] =	stream.linear.gather @!p0 [hbm4b:s11+s13], $0x400, $0x38;
	[tilespmem:$0x6680] =	vst v63  }
0x40: {  	_ =	swait.ge @!p0 [sflag:s16], $0x400  }
0x41: {  	[sflag:s16] =	ssyncset.done @!p0 $0x0  }
0x42: {  	s11 =	simm.s32 @!p0 $0x1;
	s13 =	simm.s32 @!p0 $0x80;
	[sflag:s16] =	ssyncadd.s32 @!p0 $0xFFFFFC00  }
0x43: {  	[spmem:s2] =	stream.indirect.scatter.add.f32 @!p0 [tilespmem:s12], [sflag:$0x1], $0x8, s15, s13, $0xb8;
	[tilespmem:$0x6680] =	vst v63  }
0x44: {  	_ =	swait.ge @!p0 [sflag:s11], $0x400  }
0x45: {  	s31 =	sadd.s32 $0x0, s1;
	[sflag:s11] =	ssyncset.done @!p0 $0x0  }
0x46: {  	[sflag:s11] =	ssyncadd.s32 @!p0 $0xFFFFFC00;
	p0 =	sgt.u32 s31, $0x187  }
0x47: {  	[bflag:$0x0] =	sbarrier.arrive $0xFFFF;
	s11 =	sshll.u32 @!p0 s1, $0x6;
	s12 =	simm.s32 @!p0 $0x1  }
0x48: {  	s13 =	sadd.s32 @!p0 s4, s6;
	s14 =	sshrl.u32 @!p0 s8, $0x3;
	s11 =	sor.u32 @!p0 $0x1C01, s11  }
0x49: {  	[hbm:s13], [sflag:s11] =	dma.local @!p0 [spmem:s14], $0x80  }
0x4a: {  	s15 =	sadd.s32 $0x10, s1;
	s14 =	simm.s32 $0x20;
	_ =	swait.ge @!p0 [sflag:s12], $0x80  }
0x4b: {  	s11 =	sadd.s32 $0x4000, s8;
	s13 =	sadd.s32 $0x800, s4;
	[sflag:s12] =	ssyncset.done @!p0 $0x0  }
.LBB2_6:
0x4c: {  	[sflag:s12] =	ssyncadd.s32 @!p0 $0xFFFFFF80  }
0x4d: {  	p0 =	sgt.u32 s15, $0x187;
	s15 =	smov.u32 s14;
	s14 =	sadd.s32 $0x10, s14  }
0x4e: {  	p1 =	sne.s32 s14, $0x190  }
.Ltmp2:
0x4f: {  	s16 =	sshll.u32 @!p0 s1, $0x6;
	s12 =	simm.s32 @!p0 $0x1;
	(pc) =	sbr.rel @p1 .LBB2_6-.Ltmp2, $4  }
0x50: {  	s17 =	sadd.s32 @!p0 s13, s6;
	s18 =	sshrl.u32 @!p0 s11, $0x3;
	s16 =	sor.u32 @!p0 $0x1C01, s16  }
0x51: {  	[hbm:s17], [sflag:s16] =	dma.local @!p0 [spmem:s18], $0x80  }
0x52: {  	s11 =	sadd.s32 $0x4000, s11;
	_ =	swait.ge @!p0 [sflag:s12], $0x80  }
0x53: {  	s15 =	sadd.s32 s15, s1;
	s13 =	sadd.s32 $0x800, s13;
	[sflag:s12] =	ssyncset.done @!p0 $0x0  }
0x54: {  	p1 =	sgt.u32 s15, $0x187  }
0x55: {  	[sflag:s12] =	ssyncadd.s32 @!p0 $0xFFFFFF80;
	s3 =	sadd.s32 $0x1, s3;
	s12 =	sshll.u32 @!p1 s1, $0x6  }
0x56: {  	s14 =	simm.s32 @!p1 $0x1;
	s13 =	sadd.s32 @!p1 s13, s6;
	p0 =	sne.s32 s3, s7  }
.Ltmp3:
0x57: {  	s11 =	sshrl.u32 @!p1 s11, $0x3;
	s12 =	sor.u32 @!p1 $0x1C01, s12;
	(pc) =	sbr.rel @p0 .LBB2_1-.Ltmp3, $4  }
0x58: {  	[hbm:s13], [sflag:s12] =	dma.local @!p1 [spmem:s11], $0x80  }
0x59: {  	_ =	swait.ge @!p1 [sflag:s14], $0x80  }
0x5a: {  	[sflag:s14] =	ssyncset.done @!p1 $0x0  }
0x5b: {  	[sflag:s14] =	ssyncadd.s32 @!p1 $0xFFFFFF80  }
0x5c: {  	_ =	sfence.sel $0x180000  }
0x5d: {  	[bflag:$0x0] =	sbarrier.arrive $0xFFFF  }
0x5e: {  	p0 =	sne.s32 s1, $0x0;
	_ =	strace $0x9000004A  }
0x5f: {  	s0 =	sadd.s32 @!p0 $0x100000, s0;
	[bflag:$0x2] =	sbarrier.arrive $0xFFFF  }
0x60: {  	[sflag:s0] =	ssyncadd.tile.s32 @!p0 $0x1;
	_ =	shalt  }
.Lfunc_end2:
_tile_overlayer_lowered:
.L_overlay_start_2:
0x61: {  	(tag) =	ssettag $0x2  }
0x62: {  	s0 =	rddreg [dreg:$0x0];
	s2 =	stileid.u32  }
0x63: {  	s1 =	rddreg [dreg:$0x1];
	p0 =	sne.s32 s2, $0x0  }
0x64: {  	s3 =	rddreg [dreg:$0x2];
	[bflag:$0x3] =	sbarrier.arrive $0xFFFF;
	s2 =	simm.s32 @!p0 $0x1C01  }
0x65: {  	[timem:s3], [sflag:s2] =	dma.local @!p0 [hbm:s0], s1  }
0x66: {  	s0 =	simm.s32 @!p0 $0x1  }
0x67: {  	_ =	swait.ge @!p0 [sflag:s0], s1  }
0x68: {  	s1 =	ssub.s32 @!p0 $0x0, s1;
	[sflag:s0] =	ssyncset.done @!p0 $0x0  }
0x69: {  	[sflag:s0] =	ssyncadd.s32 @!p0 s1  }
0x6a: {  	[bflag:$0x3] =	sbarrier.arrive $0xFFFF  }
0x6b: {  	_ =	shalt  }

// kernel: kernel.18.cloned.1.call-start
scs
__scs_entry_jumppad:
0x0: {  	(pc) =	sbr.rel $0x88, $3  }
0x1: {  	(tag) =	ssettag $0x0;
	lr =	simm.s32 $0x1  }
0x2: {  	[smem:$0x3F8C] =	sst lr;
	_ =	strace $0xD0000000  }
0x3: {  	_ = 	snop  }
0x4: {  	_ = 	snop  }
0x5: {  	_ = 	snop  }
0x6: {  	_ = 	snop  }
0x7: {  	_ = 	snop  }
__scs_overlays_trampoline_lowered:
0x8: {  	[smem:$0x3F9B] =	sst s0  }
0x9: {  	[smem:$0x3F9C] =	sst s1  }
0xa: {  	[smem:$0x3F9D] =	sst s2  }
0xb: {  	[smem:$0x3F9E] =	sst s3  }
0xc: {  	[smem:$0x3F9F] =	sst s4  }
0xd: {  	[smem:$0x3FA0] =	sst s5  }
0xe: {  	[smem:$0x3FA1] =	sst s6  }
0xf: {  	[smem:$0x3FA2] =	sst s7  }
0x10: {  	[smem:$0x3FA3] =	sst s8  }
0x11: {  	[smem:$0x3FA4] =	sst s9;
	s0 =	simm.s32 @!p0 $0x0  }
0x12: {  	s1 =	sld [smem:$0x3F8A];
	s0 =	simm.s32 @p0 $0x1  }
0x13: {  	[smem:$0x3FA5] =	sst s0;
	s0 =	simm.s32 @!p1 $0x0  }
0x14: {  	s2 =	sld [smem:$0x3F89];
	s0 =	simm.s32 @p1 $0x1  }
0x15: {  	[smem:$0x3FA6] =	sst s0;
	s0 =	simm.s32 @!p2 $0x0  }
0x16: {  	s3 =	sld [smem:$0x3FDB];
	s0 =	simm.s32 @p2 $0x1  }
0x17: {  	s4 =	simm.s32 $0x1BF5;
	[smem:$0x3FA8] =	sst s0  }
0x18: {  	s0 =	sld [smem:$0x3F8B];
	_ =	swait.ge [sflag:s4], $0x0  }
0x19: {  	s7 =	sld [smem:$0x3F8C]  }
0x1a: {  	s8 =	sadd.s32 $0xFFFFE003, lr  }
0x1b: {  	s9 =	sadd.s32 $0xFFFFFEF7, lr;
	s5 =	simm.s32 $0xFFFFFFFF;
	p2 =	slt.u32 s8, $0xFFFFF086  }
0x1c: {  	p1 =	slt.u32 s9, $0xF7A;
	s5 =	simm.s32 @!p2 $0x0  }
0x1d: {  	s5 =	simm.s32 @p1 $0x1;
	p0 =	seq.s32 s7, s2  }
0x1e: {  	s7 =	smul.u32 @!p0 $0xF7A, s2;
	p2 =	seq.s32 @!p0 s5, $0x0  }
0x1f: {  	s9 =	smul.u32 $0xF7A, s1;
	s8 =	simm.s32 @!p0 $0x1BF5;
	p2 =	por !p2, p0  }
0x20: {  	[sflag:s8] =	ssyncset.s32 @!p0 $0xFFFFF086;
	s6 =	sadd.s32 @!p0 s3, s7;
	s7 =	simm.s32 @!p0 $0x108  }
0x21: {  	s3 =	sadd.s32 s3, s9;
	s6 =	sadd.s32 @!p0 $0x88, s6;
	s7 =	simm.s32 @p2 $0x1082  }
0x22: {  	[simem:s7], [sflag:s8] =	dma.local @!p0 [hbm:s6], $0xF7A  }
0x23: {  	s9 =	sor.u32 $0xD0000000, s2;
	s6 =	simm.s32 $0x108;
	_ =	swait.ge @!p0 [sflag:s8], $0x0  }
0x24: {  	s3 =	sadd.s32 $0x88, s3;
	s6 =	simm.s32 @!p1 $0x1082;
	[sflag:s4] =	ssyncset.s32 $0xFFFFF086  }
0x25: {  	[simem:s6], [sflag:s4] =	dma.local [hbm:s3], $0xF7A  }
0x26: {  	[smem:$0x3F8C] =	sst s1;
	(tag) =	ssettag s2;
	_ =	strace s9  }
0x27: {  	s1 =	sld [smem:$0x3F9C]  }
0x28: {  	s2 =	sld [smem:$0x3F9D]  }
0x29: {  	s4 =	sld [smem:$0x3F9F]  }
0x2a: {  	p0 =	seq.s32 s5, $0x0;
	s5 =	sld [smem:$0x3FA0]  }
0x2b: {  	s6 =	sld [smem:$0x3FA1]  }
0x2c: {  	s7 =	sld [smem:$0x3FA2]  }
0x2d: {  	s3 =	simm.s32 $0x108;
	s8 =	sld [smem:$0x3FA3]  }
0x2e: {  	s3 =	simm.s32 @!p0 $0x1082;
	s9 =	sld [smem:$0x3FA4]  }
0x2f: {  	lr =	sadd.s32 s0, s3;
	s0 =	sld [smem:$0x3F9B]  }
0x30: {  	s3 =	sld [smem:$0x3F9E]  }
0x31: {  	[smem:$0x3FA7] =	sst s10  }
0x32: {  	s10 =	sld [smem:$0x3FA5];
	_ =	sdelay $0x3  }
0x33: {  	p0 =	seq.s32 s10, $0x1;
	s10 =	sld [smem:$0x3FA7];
	_ =	sdelay $0x3  }
0x34: {  	[smem:$0x3FA7] =	sst s10  }
0x35: {  	s10 =	sld [smem:$0x3FA6];
	_ =	sdelay $0x3  }
0x36: {  	p1 =	seq.s32 s10, $0x1;
	s10 =	sld [smem:$0x3FA7];
	_ =	sdelay $0x3  }
0x37: {  	[smem:$0x3FA7] =	sst s10  }
0x38: {  	s10 =	sld [smem:$0x3FA8]  }
0x39: {  	_ = 	snop;
	(pc) =	sbr.ind lr, $3  }
0x3a: {  	_ = 	snop  }
0x3b: {  	_ = 	snop  }
0x3c: {  	p2 =	seq.s32 s10, $0x1;
	s10 =	sld [smem:$0x3FA7]  }
0x3d: {  	_ =	shalt  }
0x3e: {  	_ =	shalt  }
0x3f: {  	_ =	shalt  }
0x40: {  	_ =	shalt  }
0x41: {  	_ =	shalt  }
0x42: {  	_ =	shalt  }
0x43: {  	_ =	shalt  }
0x44: {  	_ =	shalt  }
0x45: {  	_ =	shalt  }
0x46: {  	_ =	shalt  }
0x47: {  	_ =	shalt  }
0x48: {  	_ =	shalt  }
0x49: {  	_ =	shalt  }
0x4a: {  	_ =	shalt  }
0x4b: {  	_ =	shalt  }
0x4c: {  	_ =	shalt  }
0x4d: {  	_ =	shalt  }
0x4e: {  	_ =	shalt  }
0x4f: {  	_ =	shalt  }
0x50: {  	_ =	shalt  }
0x51: {  	_ =	shalt  }
0x52: {  	_ =	shalt  }
0x53: {  	_ =	shalt  }
0x54: {  	_ =	shalt  }
0x55: {  	_ =	shalt  }
0x56: {  	_ =	shalt  }
0x57: {  	_ =	shalt  }
0x58: {  	_ =	shalt  }
0x59: {  	_ =	shalt  }
0x5a: {  	_ =	shalt  }
0x5b: {  	_ =	shalt  }
0x5c: {  	_ =	shalt  }
0x5d: {  	_ =	shalt  }
0x5e: {  	_ =	shalt  }
0x5f: {  	_ =	shalt  }
0x60: {  	_ =	shalt  }
0x61: {  	_ =	shalt  }
0x62: {  	_ =	shalt  }
0x63: {  	_ =	shalt  }
0x64: {  	_ =	shalt  }
0x65: {  	_ =	shalt  }
0x66: {  	_ =	shalt  }
0x67: {  	_ =	shalt  }
0x68: {  	_ =	shalt  }
0x69: {  	_ =	shalt  }
0x6a: {  	_ =	shalt  }
0x6b: {  	_ =	shalt  }
0x6c: {  	_ =	shalt  }
0x6d: {  	_ =	shalt  }
0x6e: {  	_ =	shalt  }
0x6f: {  	_ =	shalt  }
0x70: {  	_ =	shalt  }
0x71: {  	_ =	shalt  }
0x72: {  	_ =	shalt  }
0x73: {  	_ =	shalt  }
0x74: {  	_ =	shalt  }
0x75: {  	_ =	shalt  }
0x76: {  	_ =	shalt  }
0x77: {  	_ =	shalt  }
0x78: {  	_ =	shalt  }
0x79: {  	_ =	shalt  }
0x7a: {  	_ =	shalt  }
0x7b: {  	_ =	shalt  }
0x7c: {  	_ =	shalt  }
0x7d: {  	_ =	shalt  }
0x7e: {  	_ =	shalt  }
0x7f: {  	_ =	shalt  }
0x80: {  	_ =	shalt  }
0x81: {  	_ =	shalt  }
0x82: {  	_ =	shalt  }
0x83: {  	_ =	shalt  }
0x84: {  	_ =	shalt  }
0x85: {  	_ =	shalt  }
0x86: {  	_ =	shalt  }
0x87: {  	_ =	shalt  }
.Lfunc_end0:
.L_simem_size_0:
called_computation.2_lowered:
.L_overlay_start_0:
0x88: {  	s2 =	sld [smem:$0x3FD9]  }
0x89: {  	s3 =	sld [smem:$0x3FFE];
	_ =	sdelay $0x1  }
0x8a: {  	s1 =	srdreg.scid  }
0x8b: {  	s0 =	sand.u32 $0x1, s1  }
0x8c: {  	s16 =	sshll.u32 s0, $0xA;
	s2 =	sadd.s32 s3, s2  }
0x8d: {  	s2 =	sadd.s32 s2, s16  }
0x8e: {  	[smem:$0x3FB3] =	sst s2  }
0x8f: {  	_ = 	snop  }
0x90: {  	(tm) =	ssettm $0x1  }
0x91: {  	s17 =	sld [smem:$0x3FFB];
	_ =	sdelay $0x3  }
0x92: {  	_ =	strace s17  }
0x93: {  	s2 =	sld [smem:$0x3FFC];
	_ =	sdelay $0x3  }
0x94: {  	_ =	strace s2  }
0x95: {  	s2 =	sld [smem:$0x3FFD];
	_ =	sdelay $0x3  }
0x96: {  	_ =	strace s2  }
0x97: {  	_ =	strace $0x8FFFFFFF  }
0x98: {  	s18 =	sld [smem:$0x3FDB];
	_ =	sdelay $0x1  }
0x99: {  	s19 =	simm.s32 $_scs_section_size  }
0x9a: {  	s4 =	simm.s32 $_size__tile_overlayer_lowered;
	s5 =	simm.s32 $_tile_overlayer_lowered  }
0x9b: {  	s22 =	simm.s32 $0x1BFF;
	s21 =	sshll.u32 s5, $0x1;
	s2 =	sadd.s32 s19, s18  }
0x9c: {  	s6 =	simm.s32 $0x0;
	s20 =	sshll.u32 s4, $0x1;
	s4 =	sadd.s32 s21, s2  }
0x9d: {  	[timem:s6], [sflag:s22] =	dma.local [hbm:s4], s20  }
0x9e: {  	_ =	swait.ge [sflag:s22], s20  }
0x9f: {  	s3 =	ssub.s32 $0x0, s20;
	[sflag:s22] =	ssyncset.done $0x0  }
0xa0: {  	[sflag:s22] =	ssyncadd.s32 s3;
	_ =	sdelay $0x1  }
0xa1: {  	s23 =	simm.s32 $0x1B8B  }
0xa2: {  	_ =	swait.ge [sflag:s23], $0x1  }
0xa3: {  	[sflag:s23] =	ssyncset.done $0x0  }
0xa4: {  	s25 =	simm.s32 $0x1B8E;
	s24 =	sld [smem:$0x3FFE];
	[sflag:s23] =	ssyncadd.s32 $0xFFFFFFFF  }
0xa5: {  	s26 =	simm.s32 $execute0_lowered;
	[smem:$0x3FD2] =	sst s25  }
0xa6: {  	s4 =	sshll.u32 s26, $0x1;
	_ =	strace $0x8000004C;
	[dreg:$0x1] =	wrdreg $0xFFFFFFFF  }
0xa7: {  	s28 =	simm.s32 $_size_execute0_lowered;
	s2 =	sadd.s32 s2, s4;
	[dreg:$0x0] =	wrdreg $0x0  }
0xa8: {  	s4 =	sshll.u32 s28, $0x1;
	[dreg:$0x2] =	wrdreg s2  }
0xa9: {  	[dreg:$0x3] =	wrdreg s4  }
0xaa: {  	[dreg:$0x4] =	wrdreg $0xC0  }
0xab: {  	_ =	task [dreg:s6], $0x5FFFF  }
0xac: {  	[dreg:$0x1] =	wrdreg $0xFFFFFFFF  }
0xad: {  	[dreg:$0x0] =	wrdreg $0x60  }
0xae: {  	[dreg:$0x2] =	wrdreg s24  }
0xaf: {  	[dreg:$0x3] =	wrdreg $0x0  }
0xb0: {  	[dreg:$0x4] =	wrdreg $0x9  }
0xb1: {  	_ =	task.clear_ibuf [dreg:s6], $0x5FFFF;
	_ =	strace $0x9000004C  }
0xb2: {  	s29 =	simm.s32 $0x9;
	_ =	strace $0x8000004E  }
0xb3: {  	_ =	swait.ge [sflag:s29], $0x1  }
0xb4: {  	[sflag:s29] =	ssyncadd.s32 $0xFFFFFFFF  }
0xb5: {  	_ =	strace $0x9000004E  }
0xb6: {  	_ =	sfence  }
0xb7: {  	s30 =	sld [smem:$0x0];
	_ =	sdelay $0x2  }
0xb8: {  	s31 =	sshll.u32 s1, $0xD;
	s1 =	sshrl.u32 s1, $0x2  }
0xb9: {  	s3 =	sand.u32 $0x4000, s31;
	s1 =	sadd.s32 s1, s30  }
0xba: {  	s0 =	sor.u32 s3, s0;
	s1 =	sshll.u32 s1, $0x11  }
0xbb: {  	s0 =	sor.u32 s1, s0  }
0xbc: {  	s0 =	sadd.s32 $0x8F2B, s0  }
0xbd: {  	[sflag:s0] =	ssyncadd.remote.s32 $0x1  }
0xbe: {  	_ =	sfence.sel $0xFFFF  }
0xbf: {  	[dreg:$0x0] =	wrdreg $0xFFFFFFFF;
	(pc) =	sbr.abs _section_cstart, $3  }
0xc0: {  	[dreg:$0x1] =	wrdreg $0xFFFFFFFF  }
0xc1: {  	_ =	task.clear_ibuf [dreg:s6], $0x2FFFF;
	_ =	strace $0x9FFFFFFF  }
0xc2: {  	(tm) =	ssettm $0x7FFFFFFF  }
0xc3: {  	_ =	shalt  }
tec
execute0_lowered:
.L_overlay_start_1:
0x0: {  	(tag) =	ssettag $0x1  }
0x1: {  	s0 =	rddreg [dreg:$0x0]  }
0x2: {  	s1 =	rddreg [dreg:$0x1];
	s3 =	simm.s32 $0x0;
	s4 =	srdreg.scid  }
0x3: {  	s2 =	stileid.u32;
	s15 =	simm.s32 $0x1EA00;
	s16 =	simm.s32 $0x1EA80  }
0x4: {  	s18 =	simm.s32 $0x1EAC0;
	s19 =	simm.s32 $0x3;
	s20 =	simm.s32 $0x40  }
0x5: {  	s21 =	simm.s32 $0x1EB00;
	s28 =	simm.s32 $0x2;
	s29 =	simm.s32 $0x6  }
0x6: {  	s30 =	simm.s32 $0x0;
	[smem:$0x7FF] =	sst s3;
	s4 =	sand.u32 $0x1, s4  }
0x7: {  	s5 =	sshll.u32 s2, $0x3;
	s25 =	smul.u32 $0x5000, s2;
	s13 =	sor.u32 $0x30, s2  }
0x8: {  	s14 =	smul.u32 $0x280, s2;
	p0 =	sgt.u32 s2, $0x3;
	_ =	strace $0x8000004D  }
0x9: {  	s6 =	smul.u32 $0x3D400, s4;
	s7 =	ssub.s32 $0x2, s4;
	s8 =	sadd.s32 s5, s0  }
0xa: {  	s4 =	sadd.s32 $0xB1200, s0;
	s23 =	sshrl.u32 s7, $0x1;
	s9 =	sadd.s32 $0x1E2A0, s8  }
0xb: {  	s5 =	sadd.s32 $0x5C00, s8;
	s26 =	sadd.s32 $0x5C80, s8;
	[dreg:$0x3] =	wrdreg s9  }
0xc: {  	s8 =	sadd.s32 $0x1E320, s8;
	s0 =	sadd.s32 s6, s0;
	[dreg:$0x4] =	wrdreg s26  }
0xd: {  	s24 =	ssub.s32 s7, s23;
	[dreg:$0x5] =	wrdreg s8;
	s7 =	sshrl.u32 s25, $0x2  }
0xe: {  	s23 =	simm.s32 $0x1F500;
	s25 =	simm.s32 $0x5;
	s26 =	simm.s32 $0x7  }
0xf: {  	s9 =	sadd.s32 $0x36A00, s0;
	s10 =	sadd.s32 $0xB1600, s0;
	s31 =	smax.u32 s24, $0x1  }
0x10: {  	s12 =	sadd.s32 s7, s1;
	s24 =	simm.s32 $0x1;
	[dreg:$0x6] =	wrdreg s31  }
.LBB2_1:
0x11: {  	s0 =	sadd.s32 $0x0, s2  }
0x12: {  	p1 =	sgt.u32 s0, $0x187  }
0x13: {  	s0 =	sshll.u32 @!p1 s2, $0x6  }
0x14: {  	s6 =	sshrl.u32 @!p1 s12, $0x3;
	s7 =	simm.s32 @!p1 $0x7;
	s0 =	sor.u32 @!p1 $0x1C07, s0  }
0x15: {  	[spmem:s6], [sflag:s0] =	dma.local @!p1 [hbm:s4], $0x280  }
0x16: {  	s31 =	sadd.s32 $0x10, s2;
	_ =	swait.ge @!p1 [sflag:s7], $0x280  }
0x17: {  	s6 =	simm.s32 $0x20;
	s0 =	sadd.s32 $0x14000, s12;
	[sflag:s7] =	ssyncset.done @!p1 $0x0  }
.LBB2_2:
0x18: {  	s8 =	smov.u32 s6;
	s6 =	sadd.s32 $0x10, s6  }
0x19: {  	[sflag:s7] =	ssyncadd.s32 @!p1 $0xFFFFFD80;
	p1 =	sgt.u32 s31, $0x187;
	p2 =	sne.s32 s6, $0x190  }
.Ltmp0:
0x1a: {  	s7 =	sshll.u32 @!p1 s2, $0x6;
	s31 =	sshrl.u32 @!p1 s0, $0x3;
	(pc) =	sbr.rel @p2 .LBB2_2-.Ltmp0, $4  }
0x1b: {  	s11 =	sor.u32 @!p1 $0x1C07, s7;
	s7 =	simm.s32 @!p1 $0x7  }
0x1c: {  	[spmem:s31], [sflag:s11] =	dma.local @!p1 [hbm:s4], $0x280  }
0x1d: {  	_ =	swait.ge @!p1 [sflag:s7], $0x280  }
0x1e: {  	s0 =	sadd.s32 $0x14000, s0;
	s31 =	sadd.s32 s8, s2;
	[sflag:s7] =	ssyncset.done @!p1 $0x0  }
0x1f: {  	p2 =	sgt.u32 s31, $0x187  }
0x20: {  	[sflag:s7] =	ssyncadd.s32 @!p1 $0xFFFFFD80;
	s6 =	sshll.u32 @!p2 s2, $0x6  }
0x21: {  	s0 =	sshrl.u32 @!p2 s0, $0x3;
	s7 =	simm.s32 @!p2 $0x7;
	s6 =	sor.u32 @!p2 $0x1C07, s6  }
0x22: {  	[spmem:s0], [sflag:s6] =	dma.local @!p2 [hbm:s4], $0x280  }
0x23: {  	_ =	swait.ge @!p2 [sflag:s7], $0x280  }
0x24: {  	[sflag:s7] =	ssyncset.done @!p2 $0x0  }
0x25: {  	[sflag:s7] =	ssyncadd.s32 @!p2 $0xFFFFFD80  }
0x26: {  	s7 =	simm.s32 $0x0;
	[bflag:$0x0] =	sbarrier.arrive $0xFFFF  }
0x27: {  	[tilespmem:s15], [sflag:$0x3] =	stream.linear.gather [hbm4b:s5+s7], $0x40, $0x38;
	[tilespmem:$0x1FF00] =	vst v63  }
0x28: {  	s11 =	rddreg [dreg:$0x3]  }
0x29: {  	[tilespmem:s16], [sflag:$0x5] =	stream.linear.gather [hbm4b:s11+s7], $0x40, $0x38;
	[tilespmem:$0x1FF00] =	vst v63  }
0x2a: {  	s22 =	simm.s32 $0x1EA40;
	s17 =	rddreg [dreg:$0x4]  }
0x2b: {  	[tilespmem:s22], [sflag:$0x4] =	stream.linear.gather [hbm4b:s17+s7], $0x40, $0x38;
	[tilespmem:$0x1FF00] =	vst v63  }
0x2c: {  	s8 =	rddreg [dreg:$0x5]  }
0x2d: {  	[tilespmem:s18], [sflag:$0x6] =	stream.linear.gather [hbm4b:s8+s7], $0x40, $0x38;
	[tilespmem:$0x1FF00] =	vst v63  }
0x2e: {  	_ =	swait.ge [sflag:s19], $0x40  }
0x2f: {  	[sflag:s19] =	ssyncset.done $0x0  }
0x30: {  	s11 =	simm.s32 $0x4;
	[sflag:s19] =	ssyncadd.s32 $0xFFFFFFC0  }
0x31: {  	[tilespmem:s21], [sflag:$0x1] =	stream.indirect.gather [hbm4b:s9+s20], $0x28, s15, s20, $0xb8;
	[tilespmem:$0x1FF00] =	vst v63  }
0x32: {  	_ =	swait.ge [sflag:s11], $0x40  }
0x33: {  	[sflag:s11] =	ssyncset.done $0x0  }
0x34: {  	[sflag:s11] =	ssyncadd.s32 $0xFFFFFFC0  }
0x35: {  	[tilespmem:s23], [sflag:$0x2] =	stream.indirect.gather [hbm4b:s9+s20], $0x28, s22, s20, $0xb8;
	[tilespmem:$0x1FF00] =	vst v63  }
0x36: {  	_ =	swait.ge [sflag:s24], $0xA00  }
0x37: {  	[sflag:s24] =	ssyncset.done $0x0  }
0x38: {  	[sflag:s24] =	ssyncadd.s32 $0xFFFFF600  }
0x39: {  	_ =	swait.ge [sflag:s25], $0x40  }
0x3a: {  	[sflag:s25] =	ssyncset.done $0x0  }
0x3b: {  	[sflag:s25] =	ssyncadd.s32 $0xFFFFFFC0  }
0x3c: {  	[spmem:s1] =	stream.indirect.scatter.add.f32 [tilespmem:s21], [sflag:$0x7], $0x28, s16, s20, $0xb8;
	[tilespmem:$0x1FF00] =	vst v63  }
0x3d: {  	_ =	swait.ge [sflag:s26], $0xA00  }
0x3e: {  	s17 =	sadd.s32 $0x0, s5;
	[sflag:s26] =	ssyncset.done $0x0  }
0x3f: {  	s22 =	sadd.s32 $0x187A0, s17;
	[sflag:s26] =	ssyncadd.s32 $0xFFFFF600  }
0x40: {  	[tilespmem:s16], [sflag:$0x5] =	stream.linear.gather [hbm4b:s22+s3], $0x40, $0x38;
	[tilespmem:$0x1FF00] =	vst v63  }
0x41: {  	s0 =	sadd.s32 $0x100, s17  }
0x42: {  	[tilespmem:s15], [sflag:$0x3] =	stream.linear.gather [hbm4b:s0+s3], $0x40, $0x38;
	[tilespmem:$0x1FF00] =	vst v63  }
0x43: {  	_ =	swait.ge [sflag:s19], $0x40  }
0x44: {  	[sflag:s19] =	ssyncset.done $0x0  }
0x45: {  	[sflag:s19] =	ssyncadd.s32 $0xFFFFFFC0  }
0x46: {  	[tilespmem:s21], [sflag:$0x1] =	stream.indirect.gather [hbm4b:s9+s20], $0x28, s15, s20, $0xb8;
	[tilespmem:$0x1FF00] =	vst v63  }
0x47: {  	_ =	swait.ge [sflag:s28], $0xA00  }
0x48: {  	[sflag:s28] =	ssyncset.done $0x0  }
0x49: {  	[sflag:s28] =	ssyncadd.s32 $0xFFFFF600  }
0x4a: {  	_ =	swait.ge [sflag:s29], $0x40  }
0x4b: {  	[sflag:s29] =	ssyncset.done $0x0  }
0x4c: {  	[sflag:s29] =	ssyncadd.s32 $0xFFFFFFC0  }
0x4d: {  	[spmem:s1] =	stream.indirect.scatter.add.f32 [tilespmem:s23], [sflag:$0x7], $0x28, s18, s20, $0xb8;
	[tilespmem:$0x1FF00] =	vst v63  }
0x4e: {  	p2 =	sgt.u32 s13, $0x30D3;
	_ =	swait.ge [sflag:s26], $0xA00  }
0x4f: {  	s6 =	simm.s32 @!p2 $0x1EAC0;
	s0 =	sadd.s32 @!p2 $0x0, s5;
	[sflag:s26] =	ssyncset.done $0x0  }
0x50: {  	s8 =	simm.s32 @!p2 $0x0;
	s7 =	sadd.s32 @!p2 $0x18820, s0;
	[sflag:s26] =	ssyncadd.s32 $0xFFFFF600  }
0x51: {  	[tilespmem:s6], [sflag:$0x6] =	stream.linear.gather @!p2 [hbm4b:s7+s8], $0x40, $0x38;
	[tilespmem:$0x1FF00] =	vst v63  }
0x52: {  	s0 =	sadd.s32 @!p2 $0x180, s0;
	s6 =	simm.s32 @!p2 $0x1EA40;
	s7 =	simm.s32 @!p2 $0x4  }
0x53: {  	[tilespmem:s6], [sflag:$0x4] =	stream.linear.gather @!p2 [hbm4b:s0+s8], $0x40, $0x38;
	[tilespmem:$0x1FF00] =	vst v63  }
0x54: {  	_ =	swait.ge @!p2 [sflag:s7], $0x40  }
0x55: {  	s31 =	simm.s32 $0x100;
	s0 =	sadd.s32 $0x20, s13;
	[sflag:s7] =	ssyncset.done @!p2 $0x0  }
0x56: {  	s8 =	simm.s32 @!p2 $0x1F500;
	[sflag:s7] =	ssyncadd.s32 @!p2 $0xFFFFFFC0;
	s7 =	simm.s32 @!p2 $0x40  }
.LBB2_4:
0x57: {  	[tilespmem:s8], [sflag:$0x2] =	stream.indirect.gather @!p2 [hbm4b:s9+s7], $0x28, s6, s7, $0xb8;
	[tilespmem:$0x1FF00] =	vst v63  }
0x58: {  	s6 =	smov.u32 s31;
	s31 =	sadd.s32 $0x100, s31  }
0x59: {  	p1 =	sne.s32 s31, $0x18600;
	_ =	swait.ge [sflag:s24], $0xA00  }
0x5a: {  	[sflag:s24] =	ssyncset.done $0x0  }
0x5b: {  	[sflag:s24] =	ssyncadd.s32 $0xFFFFF600  }
0x5c: {  	_ =	swait.ge [sflag:s25], $0x40  }
0x5d: {  	[sflag:s25] =	ssyncset.done $0x0  }
0x5e: {  	[sflag:s25] =	ssyncadd.s32 $0xFFFFFFC0  }
0x5f: {  	[spmem:s1] =	stream.indirect.scatter.add.f32 [tilespmem:s21], [sflag:$0x7], $0x28, s16, s20, $0xb8;
	[tilespmem:$0x1FF00] =	vst v63  }
0x60: {  	_ =	swait.ge [sflag:s26], $0xA00  }
0x61: {  	s7 =	sadd.s32 s6, s5;
	[sflag:s26] =	ssyncset.done $0x0  }
0x62: {  	s8 =	sadd.s32 $0x187A0, s7;
	[sflag:s26] =	ssyncadd.s32 $0xFFFFF600  }
0x63: {  	[tilespmem:s16], [sflag:$0x5] =	stream.linear.gather [hbm4b:s8+s3], $0x40, $0x38;
	[tilespmem:$0x1FF00] =	vst v63  }
0x64: {  	s7 =	sadd.s32 $0x100, s7  }
0x65: {  	[tilespmem:s15], [sflag:$0x3] =	stream.linear.gather [hbm4b:s7+s3], $0x40, $0x38;
	[tilespmem:$0x1FF00] =	vst v63  }
0x66: {  	_ =	swait.ge [sflag:s19], $0x40  }
0x67: {  	[sflag:s19] =	ssyncset.done $0x0  }
0x68: {  	[sflag:s19] =	ssyncadd.s32 $0xFFFFFFC0  }
0x69: {  	[tilespmem:s21], [sflag:$0x1] =	stream.indirect.gather [hbm4b:s9+s20], $0x28, s15, s20, $0xb8;
	[tilespmem:$0x1FF00] =	vst v63  }
0x6a: {  	_ =	swait.ge [sflag:s28], $0xA00  }
0x6b: {  	[sflag:s28] =	ssyncset.done $0x0  }
0x6c: {  	[sflag:s28] =	ssyncadd.s32 $0xFFFFF600  }
0x6d: {  	_ =	swait.ge [sflag:s29], $0x40  }
0x6e: {  	[sflag:s29] =	ssyncset.done $0x0  }
0x6f: {  	[sflag:s29] =	ssyncadd.s32 $0xFFFFFFC0  }
0x70: {  	[spmem:s1] =	stream.indirect.scatter.add.f32 [tilespmem:s23], [sflag:$0x7], $0x28, s18, s20, $0xb8;
	[tilespmem:$0x1FF00] =	vst v63  }
0x71: {  	p2 =	sgt.u32 s0, $0x30D3;
	_ =	swait.ge [sflag:s26], $0xA00  }
0x72: {  	s6 =	sadd.s32 @!p2 s6, s5;
	s7 =	simm.s32 @!p2 $0x1EAC0;
	[sflag:s26] =	ssyncset.done $0x0  }
0x73: {  	s11 =	simm.s32 @!p2 $0x0;
	s8 =	sadd.s32 @!p2 $0x18820, s6;
	[sflag:s26] =	ssyncadd.s32 $0xFFFFF600  }
0x74: {  	[tilespmem:s7], [sflag:$0x6] =	stream.linear.gather @!p2 [hbm4b:s8+s11], $0x40, $0x38;
	[tilespmem:$0x1FF00] =	vst v63  }
0x75: {  	s7 =	sadd.s32 @!p2 $0x180, s6  }
.Ltmp1:
0x76: {  	s6 =	simm.s32 @!p2 $0x1EA40;
	s8 =	simm.s32 @!p2 $0x4;
	(pc) =	sbr.rel @p1 .LBB2_4-.Ltmp1, $4  }
0x77: {  	[tilespmem:s6], [sflag:$0x4] =	stream.linear.gather @!p2 [hbm4b:s7+s11], $0x40, $0x38;
	[tilespmem:$0x1FF00] =	vst v63  }
0x78: {  	_ =	swait.ge @!p2 [sflag:s8], $0x40  }
0x79: {  	s0 =	sadd.s32 $0x20, s0;
	[sflag:s8] =	ssyncset.done @!p2 $0x0  }
0x7a: {  	s7 =	simm.s32 @!p2 $0x40;
	[sflag:s8] =	ssyncadd.s32 @!p2 $0xFFFFFFC0;
	s8 =	simm.s32 @!p2 $0x1F500  }
0x7b: {  	[tilespmem:s8], [sflag:$0x2] =	stream.indirect.gather @!p2 [hbm4b:s9+s7], $0x28, s6, s7, $0xb8;
	[tilespmem:$0x1FF00] =	vst v63  }
0x7c: {  	_ =	swait.ge [sflag:s24], $0xA00  }
0x7d: {  	[sflag:s24] =	ssyncset.done $0x0  }
0x7e: {  	[sflag:s24] =	ssyncadd.s32 $0xFFFFF600  }
0x7f: {  	_ =	swait.ge [sflag:s25], $0x40  }
0x80: {  	[sflag:s25] =	ssyncset.done $0x0  }
0x81: {  	[sflag:s25] =	ssyncadd.s32 $0xFFFFFFC0  }
0x82: {  	[spmem:s1] =	stream.indirect.scatter.add.f32 [tilespmem:s21], [sflag:$0x7], $0x28, s16, s20, $0xb8;
	[tilespmem:$0x1FF00] =	vst v63  }
0x83: {  	_ =	swait.ge [sflag:s26], $0xA00  }
0x84: {  	[sflag:s26] =	ssyncset.done $0x0  }
0x85: {  	s0 =	simm.s32 @!p0 $0x2;
	[sflag:s26] =	ssyncadd.s32 $0xFFFFF600  }
0x86: {  	_ =	swait.ge @!p0 [sflag:s0], $0xA00  }
0x87: {  	[sflag:s0] =	ssyncset.done @!p0 $0x0  }
0x88: {  	[sflag:s0] =	ssyncadd.s32 @!p0 $0xFFFFF600;
	s0 =	simm.s32 @!p0 $0x6  }
0x89: {  	_ =	swait.ge @!p0 [sflag:s0], $0x40  }
0x8a: {  	s6 =	simm.s32 @!p0 $0x1EAC0;
	[sflag:s0] =	ssyncset.done @!p0 $0x0  }
0x8b: {  	s7 =	simm.s32 @!p0 $0x1F500;
	[sflag:s0] =	ssyncadd.s32 @!p0 $0xFFFFFFC0;
	s0 =	simm.s32 @!p0 $0x40  }
0x8c: {  	[spmem:s1] =	stream.indirect.scatter.add.f32 @!p0 [tilespmem:s7], [sflag:$0x7], $0x28, s6, s0, $0xb8;
	[tilespmem:$0x1FF00] =	vst v63  }
0x8d: {  	s22 =	sadd.s32 $0x0, s2;
	s0 =	simm.s32 @!p0 $0x7  }
0x8e: {  	p1 =	sgt.u32 s22, $0x187;
	_ =	swait.ge @!p0 [sflag:s0], $0xA00  }
0x8f: {  	s31 =	simm.s32 @!p1 $0x7;
	[sflag:s0] =	ssyncset.done @!p0 $0x0  }
0x90: {  	s6 =	sadd.s32 @!p1 s14, s10;
	[sflag:s0] =	ssyncadd.s32 @!p0 $0xFFFFF600;
	s0 =	sshll.u32 @!p1 s2, $0x6  }
0x91: {  	s7 =	sshrl.u32 @!p1 s12, $0x3;
	[bflag:$0x0] =	sbarrier.arrive $0xFFFF;
	s0 =	sor.u32 @!p1 $0x1C07, s0  }
0x92: {  	[hbm:s6], [sflag:s0] =	dma.local @!p1 [spmem:s7], $0x280  }
0x93: {  	s8 =	sadd.s32 $0x10, s2;
	s7 =	simm.s32 $0x20;
	_ =	swait.ge @!p1 [sflag:s31], $0x280  }
0x94: {  	s0 =	sadd.s32 $0x14000, s12;
	s6 =	sadd.s32 $0x2800, s14;
	[sflag:s31] =	ssyncset.done @!p1 $0x0  }
.LBB2_6:
0x95: {  	[sflag:s31] =	ssyncadd.s32 @!p1 $0xFFFFFD80  }
0x96: {  	p1 =	sgt.u32 s8, $0x187;
	s8 =	smov.u32 s7;
	s7 =	sadd.s32 $0x10, s7  }
0x97: {  	p2 =	sne.s32 s7, $0x190  }
.Ltmp2:
0x98: {  	s11 =	sshll.u32 @!p1 s2, $0x6;
	s31 =	simm.s32 @!p1 $0x7;
	(pc) =	sbr.rel @p2 .LBB2_6-.Ltmp2, $4  }
0x99: {  	s17 =	sadd.s32 @!p1 s6, s10;
	s22 =	sshrl.u32 @!p1 s0, $0x3;
	s11 =	sor.u32 @!p1 $0x1C07, s11  }
0x9a: {  	[hbm:s17], [sflag:s11] =	dma.local @!p1 [spmem:s22], $0x280  }
0x9b: {  	s0 =	sadd.s32 $0x14000, s0;
	_ =	swait.ge @!p1 [sflag:s31], $0x280  }
0x9c: {  	s8 =	sadd.s32 s8, s2;
	s6 =	sadd.s32 $0x2800, s6;
	[sflag:s31] =	ssyncset.done @!p1 $0x0  }
0x9d: {  	p2 =	sgt.u32 s8, $0x187  }
0x9e: {  	[sflag:s31] =	ssyncadd.s32 @!p1 $0xFFFFFD80;
	s7 =	sshll.u32 @!p2 s2, $0x6;
	s8 =	simm.s32 @!p2 $0x7  }
0x9f: {  	s6 =	sadd.s32 @!p2 s6, s10;
	s0 =	sshrl.u32 @!p2 s0, $0x3;
	s7 =	sor.u32 @!p2 $0x1C07, s7  }
0xa0: {  	[hbm:s6], [sflag:s7] =	dma.local @!p2 [spmem:s0], $0x280  }
0xa1: {  	_ =	swait.ge @!p2 [sflag:s8], $0x280  }
0xa2: {  	s30 =	sadd.s32 $0x1, s30;
	s31 =	rddreg [dreg:$0x6]  }
0xa3: {  	p1 =	sne.s32 s30, s31  }
.Ltmp3:
0xa4: {  	_ = 	snop;
	(pc) =	sbr.rel @p1 .LBB2_1-.Ltmp3, $3  }
0xa5: {  	_ =	sdelay $0x1  }
0xa6: {  	[sflag:s8] =	ssyncset.done @!p2 $0x0  }
0xa7: {  	[sflag:s8] =	ssyncadd.s32 @!p2 $0xFFFFFD80  }
0xa8: {  	_ =	sfence.sel $0x180000  }
0xa9: {  	[bflag:$0x0] =	sbarrier.arrive $0xFFFF  }
0xaa: {  	_ =	strace $0x9000004D  }
0xab: {  	[bflag:$0x2] =	sbarrier.arrive $0xFFFF  }
0xac: {  	p0 =	sne.s32 s2, $0x0;
	s0 =	rddreg [dreg:$0x2]  }
0xad: {  	s0 =	sadd.s32 @!p0 $0x100000, s0  }
0xae: {  	[sflag:s0] =	ssyncadd.tile.s32 @!p0 $0x1;
	_ =	shalt  }
.Lfunc_end2:
_tile_overlayer_lowered:
.L_overlay_start_2:
0xaf: {  	(tag) =	ssettag $0x2  }
0xb0: {  	s0 =	rddreg [dreg:$0x0];
	s2 =	stileid.u32  }
0xb1: {  	s1 =	rddreg [dreg:$0x1];
	p0 =	sne.s32 s2, $0x0  }
0xb2: {  	s3 =	rddreg [dreg:$0x2];
	[bflag:$0x3] =	sbarrier.arrive $0xFFFF;
	s2 =	simm.s32 @!p0 $0x1C07  }
0xb3: {  	[timem:s3], [sflag:s2] =	dma.local @!p0 [hbm:s0], s1  }
0xb4: {  	s0 =	simm.s32 @!p0 $0x7  }
0xb5: {  	_ =	swait.ge @!p0 [sflag:s0], s1  }
0xb6: {  	s1 =	ssub.s32 @!p0 $0x0, s1;
	[sflag:s0] =	ssyncset.done @!p0 $0x0  }
0xb7: {  	[sflag:s0] =	ssyncadd.s32 @!p0 s1  }
0xb8: {  	[bflag:$0x3] =	sbarrier.arrive $0xFFFF  }
0xb9: {  	_ =	shalt  }

// kernel: kernel.21.cloned.1.call-start
scs
__scs_entry_jumppad:
0x0: {  	(pc) =	sbr.rel $0x88, $3  }
0x1: {  	(tag) =	ssettag $0x0;
	lr =	simm.s32 $0x1  }
0x2: {  	[smem:$0x3F8C] =	sst lr;
	_ =	strace $0xD0000000  }
0x3: {  	_ = 	snop  }
0x4: {  	_ = 	snop  }
0x5: {  	_ = 	snop  }
0x6: {  	_ = 	snop  }
0x7: {  	_ = 	snop  }
__scs_overlays_trampoline_lowered:
0x8: {  	[smem:$0x3F9B] =	sst s0  }
0x9: {  	[smem:$0x3F9C] =	sst s1  }
0xa: {  	[smem:$0x3F9D] =	sst s2  }
0xb: {  	[smem:$0x3F9E] =	sst s3  }
0xc: {  	[smem:$0x3F9F] =	sst s4  }
0xd: {  	[smem:$0x3FA0] =	sst s5  }
0xe: {  	[smem:$0x3FA1] =	sst s6  }
0xf: {  	[smem:$0x3FA2] =	sst s7  }
0x10: {  	[smem:$0x3FA3] =	sst s8  }
0x11: {  	[smem:$0x3FA4] =	sst s9;
	s0 =	simm.s32 @!p0 $0x0  }
0x12: {  	s1 =	sld [smem:$0x3F8A];
	s0 =	simm.s32 @p0 $0x1  }
0x13: {  	[smem:$0x3FA5] =	sst s0;
	s0 =	simm.s32 @!p1 $0x0  }
0x14: {  	s2 =	sld [smem:$0x3F89];
	s0 =	simm.s32 @p1 $0x1  }
0x15: {  	[smem:$0x3FA6] =	sst s0;
	s0 =	simm.s32 @!p2 $0x0  }
0x16: {  	s3 =	sld [smem:$0x3FDB];
	s0 =	simm.s32 @p2 $0x1  }
0x17: {  	s4 =	simm.s32 $0x1BF5;
	[smem:$0x3FA8] =	sst s0  }
0x18: {  	s0 =	sld [smem:$0x3F8B];
	_ =	swait.ge [sflag:s4], $0x0  }
0x19: {  	s7 =	sld [smem:$0x3F8C]  }
0x1a: {  	s8 =	sadd.s32 $0xFFFFE003, lr  }
0x1b: {  	s9 =	sadd.s32 $0xFFFFFEF7, lr;
	s5 =	simm.s32 $0xFFFFFFFF;
	p2 =	slt.u32 s8, $0xFFFFF086  }
0x1c: {  	p1 =	slt.u32 s9, $0xF7A;
	s5 =	simm.s32 @!p2 $0x0  }
0x1d: {  	s5 =	simm.s32 @p1 $0x1;
	p0 =	seq.s32 s7, s2  }
0x1e: {  	s7 =	smul.u32 @!p0 $0xF7A, s2;
	p2 =	seq.s32 @!p0 s5, $0x0  }
0x1f: {  	s9 =	smul.u32 $0xF7A, s1;
	s8 =	simm.s32 @!p0 $0x1BF5;
	p2 =	por !p2, p0  }
0x20: {  	[sflag:s8] =	ssyncset.s32 @!p0 $0xFFFFF086;
	s6 =	sadd.s32 @!p0 s3, s7;
	s7 =	simm.s32 @!p0 $0x108  }
0x21: {  	s3 =	sadd.s32 s3, s9;
	s6 =	sadd.s32 @!p0 $0x88, s6;
	s7 =	simm.s32 @p2 $0x1082  }
0x22: {  	[simem:s7], [sflag:s8] =	dma.local @!p0 [hbm:s6], $0xF7A  }
0x23: {  	s9 =	sor.u32 $0xD0000000, s2;
	s6 =	simm.s32 $0x108;
	_ =	swait.ge @!p0 [sflag:s8], $0x0  }
0x24: {  	s3 =	sadd.s32 $0x88, s3;
	s6 =	simm.s32 @!p1 $0x1082;
	[sflag:s4] =	ssyncset.s32 $0xFFFFF086  }
0x25: {  	[simem:s6], [sflag:s4] =	dma.local [hbm:s3], $0xF7A  }
0x26: {  	[smem:$0x3F8C] =	sst s1;
	(tag) =	ssettag s2;
	_ =	strace s9  }
0x27: {  	s1 =	sld [smem:$0x3F9C]  }
0x28: {  	s2 =	sld [smem:$0x3F9D]  }
0x29: {  	s4 =	sld [smem:$0x3F9F]  }
0x2a: {  	p0 =	seq.s32 s5, $0x0;
	s5 =	sld [smem:$0x3FA0]  }
0x2b: {  	s6 =	sld [smem:$0x3FA1]  }
0x2c: {  	s7 =	sld [smem:$0x3FA2]  }
0x2d: {  	s3 =	simm.s32 $0x108;
	s8 =	sld [smem:$0x3FA3]  }
0x2e: {  	s3 =	simm.s32 @!p0 $0x1082;
	s9 =	sld [smem:$0x3FA4]  }
0x2f: {  	lr =	sadd.s32 s0, s3;
	s0 =	sld [smem:$0x3F9B]  }
0x30: {  	s3 =	sld [smem:$0x3F9E]  }
0x31: {  	[smem:$0x3FA7] =	sst s10  }
0x32: {  	s10 =	sld [smem:$0x3FA5];
	_ =	sdelay $0x3  }
0x33: {  	p0 =	seq.s32 s10, $0x1;
	s10 =	sld [smem:$0x3FA7];
	_ =	sdelay $0x3  }
0x34: {  	[smem:$0x3FA7] =	sst s10  }
0x35: {  	s10 =	sld [smem:$0x3FA6];
	_ =	sdelay $0x3  }
0x36: {  	p1 =	seq.s32 s10, $0x1;
	s10 =	sld [smem:$0x3FA7];
	_ =	sdelay $0x3  }
0x37: {  	[smem:$0x3FA7] =	sst s10  }
0x38: {  	s10 =	sld [smem:$0x3FA8]  }
0x39: {  	_ = 	snop;
	(pc) =	sbr.ind lr, $3  }
0x3a: {  	_ = 	snop  }
0x3b: {  	_ = 	snop  }
0x3c: {  	p2 =	seq.s32 s10, $0x1;
	s10 =	sld [smem:$0x3FA7]  }
0x3d: {  	_ =	shalt  }
0x3e: {  	_ =	shalt  }
0x3f: {  	_ =	shalt  }
0x40: {  	_ =	shalt  }
0x41: {  	_ =	shalt  }
0x42: {  	_ =	shalt  }
0x43: {  	_ =	shalt  }
0x44: {  	_ =	shalt  }
0x45: {  	_ =	shalt  }
0x46: {  	_ =	shalt  }
0x47: {  	_ =	shalt  }
0x48: {  	_ =	shalt  }
0x49: {  	_ =	shalt  }
0x4a: {  	_ =	shalt  }
0x4b: {  	_ =	shalt  }
0x4c: {  	_ =	shalt  }
0x4d: {  	_ =	shalt  }
0x4e: {  	_ =	shalt  }
0x4f: {  	_ =	shalt  }
0x50: {  	_ =	shalt  }
0x51: {  	_ =	shalt  }
0x52: {  	_ =	shalt  }
0x53: {  	_ =	shalt  }
0x54: {  	_ =	shalt  }
0x55: {  	_ =	shalt  }
0x56: {  	_ =	shalt  }
0x57: {  	_ =	shalt  }
0x58: {  	_ =	shalt  }
0x59: {  	_ =	shalt  }
0x5a: {  	_ =	shalt  }
0x5b: {  	_ =	shalt  }
0x5c: {  	_ =	shalt  }
0x5d: {  	_ =	shalt  }
0x5e: {  	_ =	shalt  }
0x5f: {  	_ =	shalt  }
0x60: {  	_ =	shalt  }
0x61: {  	_ =	shalt  }
0x62: {  	_ =	shalt  }
0x63: {  	_ =	shalt  }
0x64: {  	_ =	shalt  }
0x65: {  	_ =	shalt  }
0x66: {  	_ =	shalt  }
0x67: {  	_ =	shalt  }
0x68: {  	_ =	shalt  }
0x69: {  	_ =	shalt  }
0x6a: {  	_ =	shalt  }
0x6b: {  	_ =	shalt  }
0x6c: {  	_ =	shalt  }
0x6d: {  	_ =	shalt  }
0x6e: {  	_ =	shalt  }
0x6f: {  	_ =	shalt  }
0x70: {  	_ =	shalt  }
0x71: {  	_ =	shalt  }
0x72: {  	_ =	shalt  }
0x73: {  	_ =	shalt  }
0x74: {  	_ =	shalt  }
0x75: {  	_ =	shalt  }
0x76: {  	_ =	shalt  }
0x77: {  	_ =	shalt  }
0x78: {  	_ =	shalt  }
0x79: {  	_ =	shalt  }
0x7a: {  	_ =	shalt  }
0x7b: {  	_ =	shalt  }
0x7c: {  	_ =	shalt  }
0x7d: {  	_ =	shalt  }
0x7e: {  	_ =	shalt  }
0x7f: {  	_ =	shalt  }
0x80: {  	_ =	shalt  }
0x81: {  	_ =	shalt  }
0x82: {  	_ =	shalt  }
0x83: {  	_ =	shalt  }
0x84: {  	_ =	shalt  }
0x85: {  	_ =	shalt  }
0x86: {  	_ =	shalt  }
0x87: {  	_ =	shalt  }
.Lfunc_end0:
.L_simem_size_0:
called_computation.3_lowered:
.L_overlay_start_0:
0x88: {  	s2 =	sld [smem:$0x3FD9]  }
0x89: {  	s3 =	sld [smem:$0x3FFE];
	_ =	sdelay $0x1  }
0x8a: {  	s1 =	srdreg.scid  }
0x8b: {  	s0 =	sand.u32 $0x1, s1  }
0x8c: {  	s16 =	sshll.u32 s0, $0xA;
	s2 =	sadd.s32 s3, s2  }
0x8d: {  	s2 =	sadd.s32 s2, s16  }
0x8e: {  	[smem:$0x3FB3] =	sst s2  }
0x8f: {  	_ = 	snop  }
0x90: {  	(tm) =	ssettm $0x1  }
0x91: {  	s17 =	sld [smem:$0x3FFB];
	_ =	sdelay $0x3  }
0x92: {  	_ =	strace s17  }
0x93: {  	s2 =	sld [smem:$0x3FFC];
	_ =	sdelay $0x3  }
0x94: {  	_ =	strace s2  }
0x95: {  	s2 =	sld [smem:$0x3FFD];
	_ =	sdelay $0x3  }
0x96: {  	_ =	strace s2  }
0x97: {  	_ =	strace $0x8FFFFFFF  }
0x98: {  	s18 =	sld [smem:$0x3FDB];
	_ =	sdelay $0x1  }
0x99: {  	s19 =	simm.s32 $_scs_section_size  }
0x9a: {  	s4 =	simm.s32 $_size__tile_overlayer_lowered;
	s5 =	simm.s32 $_tile_overlayer_lowered  }
0x9b: {  	s22 =	simm.s32 $0x1BFF;
	s21 =	sshll.u32 s5, $0x1;
	s2 =	sadd.s32 s19, s18  }
0x9c: {  	s6 =	simm.s32 $0x0;
	s20 =	sshll.u32 s4, $0x1;
	s4 =	sadd.s32 s21, s2  }
0x9d: {  	[timem:s6], [sflag:s22] =	dma.local [hbm:s4], s20  }
0x9e: {  	_ =	swait.ge [sflag:s22], s20  }
0x9f: {  	s3 =	ssub.s32 $0x0, s20;
	[sflag:s22] =	ssyncset.done $0x0  }
0xa0: {  	[sflag:s22] =	ssyncadd.s32 s3;
	_ =	sdelay $0x1  }
0xa1: {  	s23 =	simm.s32 $0x1B8B  }
0xa2: {  	_ =	swait.ge [sflag:s23], $0x1  }
0xa3: {  	[sflag:s23] =	ssyncset.done $0x0  }
0xa4: {  	s25 =	simm.s32 $0x1B8E;
	s24 =	sld [smem:$0x3FFE];
	[sflag:s23] =	ssyncadd.s32 $0xFFFFFFFF  }
0xa5: {  	s26 =	simm.s32 $execute0_lowered;
	[smem:$0x3FD2] =	sst s25  }
0xa6: {  	s4 =	sshll.u32 s26, $0x1;
	_ =	strace $0x8000004F;
	[dreg:$0x1] =	wrdreg $0xFFFFFFFF  }
0xa7: {  	s28 =	simm.s32 $_size_execute0_lowered;
	s2 =	sadd.s32 s2, s4;
	[dreg:$0x0] =	wrdreg $0x0  }
0xa8: {  	s4 =	sshll.u32 s28, $0x1;
	[dreg:$0x2] =	wrdreg s2  }
0xa9: {  	[dreg:$0x3] =	wrdreg s4  }
0xaa: {  	[dreg:$0x4] =	wrdreg $0xC0  }
0xab: {  	_ =	task [dreg:s6], $0x5FFFF  }
0xac: {  	[dreg:$0x1] =	wrdreg $0xFFFFFFFF  }
0xad: {  	[dreg:$0x0] =	wrdreg $0x60  }
0xae: {  	[dreg:$0x2] =	wrdreg s24  }
0xaf: {  	[dreg:$0x3] =	wrdreg $0x0  }
0xb0: {  	[dreg:$0x4] =	wrdreg $0x9  }
0xb1: {  	_ =	task.clear_ibuf [dreg:s6], $0x5FFFF;
	_ =	strace $0x9000004F  }
0xb2: {  	s29 =	simm.s32 $0x9;
	_ =	strace $0x80000051  }
0xb3: {  	_ =	swait.ge [sflag:s29], $0x1  }
0xb4: {  	[sflag:s29] =	ssyncadd.s32 $0xFFFFFFFF  }
0xb5: {  	_ =	strace $0x90000051  }
0xb6: {  	_ =	sfence  }
0xb7: {  	s30 =	sld [smem:$0x0];
	_ =	sdelay $0x2  }
0xb8: {  	s31 =	sshll.u32 s1, $0xD;
	s1 =	sshrl.u32 s1, $0x2  }
0xb9: {  	s3 =	sand.u32 $0x4000, s31;
	s1 =	sadd.s32 s1, s30  }
0xba: {  	s0 =	sor.u32 s3, s0;
	s1 =	sshll.u32 s1, $0x11  }
0xbb: {  	s0 =	sor.u32 s1, s0  }
0xbc: {  	s0 =	sadd.s32 $0x8F2B, s0  }
0xbd: {  	[sflag:s0] =	ssyncadd.remote.s32 $0x1  }
0xbe: {  	_ =	sfence.sel $0xFFFF  }
0xbf: {  	[dreg:$0x0] =	wrdreg $0xFFFFFFFF;
	(pc) =	sbr.abs _section_cstart, $3  }
0xc0: {  	[dreg:$0x1] =	wrdreg $0xFFFFFFFF  }
0xc1: {  	_ =	task.clear_ibuf [dreg:s6], $0x2FFFF;
	_ =	strace $0x9FFFFFFF  }
0xc2: {  	(tm) =	ssettm $0x7FFFFFFF  }
0xc3: {  	_ =	shalt  }
tec
execute0_lowered:
.L_overlay_start_1:
0x0: {  	(tag) =	ssettag $0x1  }
0x1: {  	s0 =	rddreg [dreg:$0x0]  }
0x2: {  	s1 =	rddreg [dreg:$0x1];
	s3 =	simm.s32 $0x0;
	s4 =	srdreg.scid  }
0x3: {  	s2 =	stileid.u32;
	s15 =	simm.s32 $0x1EA00;
	s16 =	simm.s32 $0x1EA80  }
0x4: {  	s18 =	simm.s32 $0x1EAC0;
	s19 =	simm.s32 $0x3;
	s20 =	simm.s32 $0x40  }
0x5: {  	s21 =	simm.s32 $0x1EB00;
	s28 =	simm.s32 $0x2;
	s29 =	simm.s32 $0x6  }
0x6: {  	s30 =	simm.s32 $0x0;
	[smem:$0x7FF] =	sst s3;
	s4 =	sand.u32 $0x1, s4  }
0x7: {  	s5 =	sshll.u32 s2, $0x3;
	s25 =	smul.u32 $0x5000, s2;
	s13 =	sor.u32 $0x30, s2  }
0x8: {  	s14 =	smul.u32 $0x280, s2;
	p0 =	sgt.u32 s2, $0x3;
	_ =	strace $0x80000050  }
0x9: {  	s6 =	smul.u32 $0x3D400, s4;
	s7 =	ssub.s32 $0x2, s4;
	s8 =	sadd.s32 s5, s0  }
0xa: {  	s4 =	sadd.s32 $0xB1200, s0;
	s23 =	sshrl.u32 s7, $0x1;
	s9 =	sadd.s32 $0x1E2A0, s8  }
0xb: {  	s5 =	sadd.s32 $0x5C00, s8;
	s26 =	sadd.s32 $0x5C80, s8;
	[dreg:$0x3] =	wrdreg s9  }
0xc: {  	s8 =	sadd.s32 $0x1E320, s8;
	s0 =	sadd.s32 s6, s0;
	[dreg:$0x4] =	wrdreg s26  }
0xd: {  	s24 =	ssub.s32 s7, s23;
	[dreg:$0x5] =	wrdreg s8;
	s7 =	sshrl.u32 s25, $0x2  }
0xe: {  	s23 =	simm.s32 $0x1F500;
	s25 =	simm.s32 $0x5;
	s26 =	simm.s32 $0x7  }
0xf: {  	s9 =	sadd.s32 $0x36A00, s0;
	s10 =	sadd.s32 $0x346000, s0;
	s31 =	smax.u32 s24, $0x1  }
0x10: {  	s12 =	sadd.s32 s7, s1;
	s24 =	simm.s32 $0x1;
	[dreg:$0x6] =	wrdreg s31  }
.LBB2_1:
0x11: {  	s0 =	sadd.s32 $0x0, s2  }
0x12: {  	p1 =	sgt.u32 s0, $0x187  }
0x13: {  	s0 =	sshll.u32 @!p1 s2, $0x6  }
0x14: {  	s6 =	sshrl.u32 @!p1 s12, $0x3;
	s7 =	simm.s32 @!p1 $0x7;
	s0 =	sor.u32 @!p1 $0x1C07, s0  }
0x15: {  	[spmem:s6], [sflag:s0] =	dma.local @!p1 [hbm:s4], $0x280  }
0x16: {  	s31 =	sadd.s32 $0x10, s2;
	_ =	swait.ge @!p1 [sflag:s7], $0x280  }
0x17: {  	s6 =	simm.s32 $0x20;
	s0 =	sadd.s32 $0x14000, s12;
	[sflag:s7] =	ssyncset.done @!p1 $0x0  }
.LBB2_2:
0x18: {  	s8 =	smov.u32 s6;
	s6 =	sadd.s32 $0x10, s6  }
0x19: {  	[sflag:s7] =	ssyncadd.s32 @!p1 $0xFFFFFD80;
	p1 =	sgt.u32 s31, $0x187;
	p2 =	sne.s32 s6, $0x190  }
.Ltmp0:
0x1a: {  	s7 =	sshll.u32 @!p1 s2, $0x6;
	s31 =	sshrl.u32 @!p1 s0, $0x3;
	(pc) =	sbr.rel @p2 .LBB2_2-.Ltmp0, $4  }
0x1b: {  	s11 =	sor.u32 @!p1 $0x1C07, s7;
	s7 =	simm.s32 @!p1 $0x7  }
0x1c: {  	[spmem:s31], [sflag:s11] =	dma.local @!p1 [hbm:s4], $0x280  }
0x1d: {  	_ =	swait.ge @!p1 [sflag:s7], $0x280  }
0x1e: {  	s0 =	sadd.s32 $0x14000, s0;
	s31 =	sadd.s32 s8, s2;
	[sflag:s7] =	ssyncset.done @!p1 $0x0  }
0x1f: {  	p2 =	sgt.u32 s31, $0x187  }
0x20: {  	[sflag:s7] =	ssyncadd.s32 @!p1 $0xFFFFFD80;
	s6 =	sshll.u32 @!p2 s2, $0x6  }
0x21: {  	s0 =	sshrl.u32 @!p2 s0, $0x3;
	s7 =	simm.s32 @!p2 $0x7;
	s6 =	sor.u32 @!p2 $0x1C07, s6  }
0x22: {  	[spmem:s0], [sflag:s6] =	dma.local @!p2 [hbm:s4], $0x280  }
0x23: {  	_ =	swait.ge @!p2 [sflag:s7], $0x280  }
0x24: {  	[sflag:s7] =	ssyncset.done @!p2 $0x0  }
0x25: {  	[sflag:s7] =	ssyncadd.s32 @!p2 $0xFFFFFD80  }
0x26: {  	s7 =	simm.s32 $0x0;
	[bflag:$0x0] =	sbarrier.arrive $0xFFFF  }
0x27: {  	[tilespmem:s15], [sflag:$0x3] =	stream.linear.gather [hbm4b:s5+s7], $0x40, $0x38;
	[tilespmem:$0x1FF00] =	vst v63  }
0x28: {  	s11 =	rddreg [dreg:$0x3]  }
0x29: {  	[tilespmem:s16], [sflag:$0x5] =	stream.linear.gather [hbm4b:s11+s7], $0x40, $0x38;
	[tilespmem:$0x1FF00] =	vst v63  }
0x2a: {  	s22 =	simm.s32 $0x1EA40;
	s17 =	rddreg [dreg:$0x4]  }
0x2b: {  	[tilespmem:s22], [sflag:$0x4] =	stream.linear.gather [hbm4b:s17+s7], $0x40, $0x38;
	[tilespmem:$0x1FF00] =	vst v63  }
0x2c: {  	s8 =	rddreg [dreg:$0x5]  }
0x2d: {  	[tilespmem:s18], [sflag:$0x6] =	stream.linear.gather [hbm4b:s8+s7], $0x40, $0x38;
	[tilespmem:$0x1FF00] =	vst v63  }
0x2e: {  	_ =	swait.ge [sflag:s19], $0x40  }
0x2f: {  	[sflag:s19] =	ssyncset.done $0x0  }
0x30: {  	s11 =	simm.s32 $0x4;
	[sflag:s19] =	ssyncadd.s32 $0xFFFFFFC0  }
0x31: {  	[tilespmem:s21], [sflag:$0x1] =	stream.indirect.gather [hbm4b:s9+s20], $0x28, s15, s20, $0xb8;
	[tilespmem:$0x1FF00] =	vst v63  }
0x32: {  	_ =	swait.ge [sflag:s11], $0x40  }
0x33: {  	[sflag:s11] =	ssyncset.done $0x0  }
0x34: {  	[sflag:s11] =	ssyncadd.s32 $0xFFFFFFC0  }
0x35: {  	[tilespmem:s23], [sflag:$0x2] =	stream.indirect.gather [hbm4b:s9+s20], $0x28, s22, s20, $0xb8;
	[tilespmem:$0x1FF00] =	vst v63  }
0x36: {  	_ =	swait.ge [sflag:s24], $0xA00  }
0x37: {  	[sflag:s24] =	ssyncset.done $0x0  }
0x38: {  	[sflag:s24] =	ssyncadd.s32 $0xFFFFF600  }
0x39: {  	_ =	swait.ge [sflag:s25], $0x40  }
0x3a: {  	[sflag:s25] =	ssyncset.done $0x0  }
0x3b: {  	[sflag:s25] =	ssyncadd.s32 $0xFFFFFFC0  }
0x3c: {  	[spmem:s1] =	stream.indirect.scatter.add.f32 [tilespmem:s21], [sflag:$0x7], $0x28, s16, s20, $0xb8;
	[tilespmem:$0x1FF00] =	vst v63  }
0x3d: {  	_ =	swait.ge [sflag:s26], $0xA00  }
0x3e: {  	s17 =	sadd.s32 $0x0, s5;
	[sflag:s26] =	ssyncset.done $0x0  }
0x3f: {  	s22 =	sadd.s32 $0x187A0, s17;
	[sflag:s26] =	ssyncadd.s32 $0xFFFFF600  }
0x40: {  	[tilespmem:s16], [sflag:$0x5] =	stream.linear.gather [hbm4b:s22+s3], $0x40, $0x38;
	[tilespmem:$0x1FF00] =	vst v63  }
0x41: {  	s0 =	sadd.s32 $0x100, s17  }
0x42: {  	[tilespmem:s15], [sflag:$0x3] =	stream.linear.gather [hbm4b:s0+s3], $0x40, $0x38;
	[tilespmem:$0x1FF00] =	vst v63  }
0x43: {  	_ =	swait.ge [sflag:s19], $0x40  }
0x44: {  	[sflag:s19] =	ssyncset.done $0x0  }
0x45: {  	[sflag:s19] =	ssyncadd.s32 $0xFFFFFFC0  }
0x46: {  	[tilespmem:s21], [sflag:$0x1] =	stream.indirect.gather [hbm4b:s9+s20], $0x28, s15, s20, $0xb8;
	[tilespmem:$0x1FF00] =	vst v63  }
0x47: {  	_ =	swait.ge [sflag:s28], $0xA00  }
0x48: {  	[sflag:s28] =	ssyncset.done $0x0  }
0x49: {  	[sflag:s28] =	ssyncadd.s32 $0xFFFFF600  }
0x4a: {  	_ =	swait.ge [sflag:s29], $0x40  }
0x4b: {  	[sflag:s29] =	ssyncset.done $0x0  }
0x4c: {  	[sflag:s29] =	ssyncadd.s32 $0xFFFFFFC0  }
0x4d: {  	[spmem:s1] =	stream.indirect.scatter.add.f32 [tilespmem:s23], [sflag:$0x7], $0x28, s18, s20, $0xb8;
	[tilespmem:$0x1FF00] =	vst v63  }
0x4e: {  	p2 =	sgt.u32 s13, $0x30D3;
	_ =	swait.ge [sflag:s26], $0xA00  }
0x4f: {  	s6 =	simm.s32 @!p2 $0x1EAC0;
	s0 =	sadd.s32 @!p2 $0x0, s5;
	[sflag:s26] =	ssyncset.done $0x0  }
0x50: {  	s8 =	simm.s32 @!p2 $0x0;
	s7 =	sadd.s32 @!p2 $0x18820, s0;
	[sflag:s26] =	ssyncadd.s32 $0xFFFFF600  }
0x51: {  	[tilespmem:s6], [sflag:$0x6] =	stream.linear.gather @!p2 [hbm4b:s7+s8], $0x40, $0x38;
	[tilespmem:$0x1FF00] =	vst v63  }
0x52: {  	s0 =	sadd.s32 @!p2 $0x180, s0;
	s6 =	simm.s32 @!p2 $0x1EA40;
	s7 =	simm.s32 @!p2 $0x4  }
0x53: {  	[tilespmem:s6], [sflag:$0x4] =	stream.linear.gather @!p2 [hbm4b:s0+s8], $0x40, $0x38;
	[tilespmem:$0x1FF00] =	vst v63  }
0x54: {  	_ =	swait.ge @!p2 [sflag:s7], $0x40  }
0x55: {  	s31 =	simm.s32 $0x100;
	s0 =	sadd.s32 $0x20, s13;
	[sflag:s7] =	ssyncset.done @!p2 $0x0  }
0x56: {  	s8 =	simm.s32 @!p2 $0x1F500;
	[sflag:s7] =	ssyncadd.s32 @!p2 $0xFFFFFFC0;
	s7 =	simm.s32 @!p2 $0x40  }
.LBB2_4:
0x57: {  	[tilespmem:s8], [sflag:$0x2] =	stream.indirect.gather @!p2 [hbm4b:s9+s7], $0x28, s6, s7, $0xb8;
	[tilespmem:$0x1FF00] =	vst v63  }
0x58: {  	s6 =	smov.u32 s31;
	s31 =	sadd.s32 $0x100, s31  }
0x59: {  	p1 =	sne.s32 s31, $0x18600;
	_ =	swait.ge [sflag:s24], $0xA00  }
0x5a: {  	[sflag:s24] =	ssyncset.done $0x0  }
0x5b: {  	[sflag:s24] =	ssyncadd.s32 $0xFFFFF600  }
0x5c: {  	_ =	swait.ge [sflag:s25], $0x40  }
0x5d: {  	[sflag:s25] =	ssyncset.done $0x0  }
0x5e: {  	[sflag:s25] =	ssyncadd.s32 $0xFFFFFFC0  }
0x5f: {  	[spmem:s1] =	stream.indirect.scatter.add.f32 [tilespmem:s21], [sflag:$0x7], $0x28, s16, s20, $0xb8;
	[tilespmem:$0x1FF00] =	vst v63  }
0x60: {  	_ =	swait.ge [sflag:s26], $0xA00  }
0x61: {  	s7 =	sadd.s32 s6, s5;
	[sflag:s26] =	ssyncset.done $0x0  }
0x62: {  	s8 =	sadd.s32 $0x187A0, s7;
	[sflag:s26] =	ssyncadd.s32 $0xFFFFF600  }
0x63: {  	[tilespmem:s16], [sflag:$0x5] =	stream.linear.gather [hbm4b:s8+s3], $0x40, $0x38;
	[tilespmem:$0x1FF00] =	vst v63  }
0x64: {  	s7 =	sadd.s32 $0x100, s7  }
0x65: {  	[tilespmem:s15], [sflag:$0x3] =	stream.linear.gather [hbm4b:s7+s3], $0x40, $0x38;
	[tilespmem:$0x1FF00] =	vst v63  }
0x66: {  	_ =	swait.ge [sflag:s19], $0x40  }
0x67: {  	[sflag:s19] =	ssyncset.done $0x0  }
0x68: {  	[sflag:s19] =	ssyncadd.s32 $0xFFFFFFC0  }
0x69: {  	[tilespmem:s21], [sflag:$0x1] =	stream.indirect.gather [hbm4b:s9+s20], $0x28, s15, s20, $0xb8;
	[tilespmem:$0x1FF00] =	vst v63  }
0x6a: {  	_ =	swait.ge [sflag:s28], $0xA00  }
0x6b: {  	[sflag:s28] =	ssyncset.done $0x0  }
0x6c: {  	[sflag:s28] =	ssyncadd.s32 $0xFFFFF600  }
0x6d: {  	_ =	swait.ge [sflag:s29], $0x40  }
0x6e: {  	[sflag:s29] =	ssyncset.done $0x0  }
0x6f: {  	[sflag:s29] =	ssyncadd.s32 $0xFFFFFFC0  }
0x70: {  	[spmem:s1] =	stream.indirect.scatter.add.f32 [tilespmem:s23], [sflag:$0x7], $0x28, s18, s20, $0xb8;
	[tilespmem:$0x1FF00] =	vst v63  }
0x71: {  	p2 =	sgt.u32 s0, $0x30D3;
	_ =	swait.ge [sflag:s26], $0xA00  }
0x72: {  	s6 =	sadd.s32 @!p2 s6, s5;
	s7 =	simm.s32 @!p2 $0x1EAC0;
	[sflag:s26] =	ssyncset.done $0x0  }
0x73: {  	s11 =	simm.s32 @!p2 $0x0;
	s8 =	sadd.s32 @!p2 $0x18820, s6;
	[sflag:s26] =	ssyncadd.s32 $0xFFFFF600  }
0x74: {  	[tilespmem:s7], [sflag:$0x6] =	stream.linear.gather @!p2 [hbm4b:s8+s11], $0x40, $0x38;
	[tilespmem:$0x1FF00] =	vst v63  }
0x75: {  	s7 =	sadd.s32 @!p2 $0x180, s6  }
.Ltmp1:
0x76: {  	s6 =	simm.s32 @!p2 $0x1EA40;
	s8 =	simm.s32 @!p2 $0x4;
	(pc) =	sbr.rel @p1 .LBB2_4-.Ltmp1, $4  }
0x77: {  	[tilespmem:s6], [sflag:$0x4] =	stream.linear.gather @!p2 [hbm4b:s7+s11], $0x40, $0x38;
	[tilespmem:$0x1FF00] =	vst v63  }
0x78: {  	_ =	swait.ge @!p2 [sflag:s8], $0x40  }
0x79: {  	s0 =	sadd.s32 $0x20, s0;
	[sflag:s8] =	ssyncset.done @!p2 $0x0  }
0x7a: {  	s7 =	simm.s32 @!p2 $0x40;
	[sflag:s8] =	ssyncadd.s32 @!p2 $0xFFFFFFC0;
	s8 =	simm.s32 @!p2 $0x1F500  }
0x7b: {  	[tilespmem:s8], [sflag:$0x2] =	stream.indirect.gather @!p2 [hbm4b:s9+s7], $0x28, s6, s7, $0xb8;
	[tilespmem:$0x1FF00] =	vst v63  }
0x7c: {  	_ =	swait.ge [sflag:s24], $0xA00  }
0x7d: {  	[sflag:s24] =	ssyncset.done $0x0  }
0x7e: {  	[sflag:s24] =	ssyncadd.s32 $0xFFFFF600  }
0x7f: {  	_ =	swait.ge [sflag:s25], $0x40  }
0x80: {  	[sflag:s25] =	ssyncset.done $0x0  }
0x81: {  	[sflag:s25] =	ssyncadd.s32 $0xFFFFFFC0  }
0x82: {  	[spmem:s1] =	stream.indirect.scatter.add.f32 [tilespmem:s21], [sflag:$0x7], $0x28, s16, s20, $0xb8;
	[tilespmem:$0x1FF00] =	vst v63  }
0x83: {  	_ =	swait.ge [sflag:s26], $0xA00  }
0x84: {  	[sflag:s26] =	ssyncset.done $0x0  }
0x85: {  	s0 =	simm.s32 @!p0 $0x2;
	[sflag:s26] =	ssyncadd.s32 $0xFFFFF600  }
0x86: {  	_ =	swait.ge @!p0 [sflag:s0], $0xA00  }
0x87: {  	[sflag:s0] =	ssyncset.done @!p0 $0x0  }
0x88: {  	[sflag:s0] =	ssyncadd.s32 @!p0 $0xFFFFF600;
	s0 =	simm.s32 @!p0 $0x6  }
0x89: {  	_ =	swait.ge @!p0 [sflag:s0], $0x40  }
0x8a: {  	s6 =	simm.s32 @!p0 $0x1EAC0;
	[sflag:s0] =	ssyncset.done @!p0 $0x0  }
0x8b: {  	s7 =	simm.s32 @!p0 $0x1F500;
	[sflag:s0] =	ssyncadd.s32 @!p0 $0xFFFFFFC0;
	s0 =	simm.s32 @!p0 $0x40  }
0x8c: {  	[spmem:s1] =	stream.indirect.scatter.add.f32 @!p0 [tilespmem:s7], [sflag:$0x7], $0x28, s6, s0, $0xb8;
	[tilespmem:$0x1FF00] =	vst v63  }
0x8d: {  	s22 =	sadd.s32 $0x0, s2;
	s0 =	simm.s32 @!p0 $0x7  }
0x8e: {  	p1 =	sgt.u32 s22, $0x187;
	_ =	swait.ge @!p0 [sflag:s0], $0xA00  }
0x8f: {  	s31 =	simm.s32 @!p1 $0x7;
	[sflag:s0] =	ssyncset.done @!p0 $0x0  }
0x90: {  	s6 =	sadd.s32 @!p1 s14, s10;
	[sflag:s0] =	ssyncadd.s32 @!p0 $0xFFFFF600;
	s0 =	sshll.u32 @!p1 s2, $0x6  }
0x91: {  	s7 =	sshrl.u32 @!p1 s12, $0x3;
	[bflag:$0x0] =	sbarrier.arrive $0xFFFF;
	s0 =	sor.u32 @!p1 $0x1C07, s0  }
0x92: {  	[hbm:s6], [sflag:s0] =	dma.local @!p1 [spmem:s7], $0x280  }
0x93: {  	s8 =	sadd.s32 $0x10, s2;
	s7 =	simm.s32 $0x20;
	_ =	swait.ge @!p1 [sflag:s31], $0x280  }
0x94: {  	s0 =	sadd.s32 $0x14000, s12;
	s6 =	sadd.s32 $0x2800, s14;
	[sflag:s31] =	ssyncset.done @!p1 $0x0  }
.LBB2_6:
0x95: {  	[sflag:s31] =	ssyncadd.s32 @!p1 $0xFFFFFD80  }
0x96: {  	p1 =	sgt.u32 s8, $0x187;
	s8 =	smov.u32 s7;
	s7 =	sadd.s32 $0x10, s7  }
0x97: {  	p2 =	sne.s32 s7, $0x190  }
.Ltmp2:
0x98: {  	s11 =	sshll.u32 @!p1 s2, $0x6;
	s31 =	simm.s32 @!p1 $0x7;
	(pc) =	sbr.rel @p2 .LBB2_6-.Ltmp2, $4  }
0x99: {  	s17 =	sadd.s32 @!p1 s6, s10;
	s22 =	sshrl.u32 @!p1 s0, $0x3;
	s11 =	sor.u32 @!p1 $0x1C07, s11  }
0x9a: {  	[hbm:s17], [sflag:s11] =	dma.local @!p1 [spmem:s22], $0x280  }
0x9b: {  	s0 =	sadd.s32 $0x14000, s0;
	_ =	swait.ge @!p1 [sflag:s31], $0x280  }
0x9c: {  	s8 =	sadd.s32 s8, s2;
	s6 =	sadd.s32 $0x2800, s6;
	[sflag:s31] =	ssyncset.done @!p1 $0x0  }
0x9d: {  	p2 =	sgt.u32 s8, $0x187  }
0x9e: {  	[sflag:s31] =	ssyncadd.s32 @!p1 $0xFFFFFD80;
	s7 =	sshll.u32 @!p2 s2, $0x6;
	s8 =	simm.s32 @!p2 $0x7  }
0x9f: {  	s6 =	sadd.s32 @!p2 s6, s10;
	s0 =	sshrl.u32 @!p2 s0, $0x3;
	s7 =	sor.u32 @!p2 $0x1C07, s7  }
0xa0: {  	[hbm:s6], [sflag:s7] =	dma.local @!p2 [spmem:s0], $0x280  }
0xa1: {  	_ =	swait.ge @!p2 [sflag:s8], $0x280  }
0xa2: {  	s30 =	sadd.s32 $0x1, s30;
	s31 =	rddreg [dreg:$0x6]  }
0xa3: {  	p1 =	sne.s32 s30, s31  }
.Ltmp3:
0xa4: {  	_ = 	snop;
	(pc) =	sbr.rel @p1 .LBB2_1-.Ltmp3, $3  }
0xa5: {  	_ =	sdelay $0x1  }
0xa6: {  	[sflag:s8] =	ssyncset.done @!p2 $0x0  }
0xa7: {  	[sflag:s8] =	ssyncadd.s32 @!p2 $0xFFFFFD80  }
0xa8: {  	_ =	sfence.sel $0x180000  }
0xa9: {  	[bflag:$0x0] =	sbarrier.arrive $0xFFFF  }
0xaa: {  	_ =	strace $0x90000050  }
0xab: {  	[bflag:$0x2] =	sbarrier.arrive $0xFFFF  }
0xac: {  	p0 =	sne.s32 s2, $0x0;
	s0 =	rddreg [dreg:$0x2]  }
0xad: {  	s0 =	sadd.s32 @!p0 $0x100000, s0  }
0xae: {  	[sflag:s0] =	ssyncadd.tile.s32 @!p0 $0x1;
	_ =	shalt  }
.Lfunc_end2:
_tile_overlayer_lowered:
.L_overlay_start_2:
0xaf: {  	(tag) =	ssettag $0x2  }
0xb0: {  	s0 =	rddreg [dreg:$0x0];
	s2 =	stileid.u32  }
0xb1: {  	s1 =	rddreg [dreg:$0x1];
	p0 =	sne.s32 s2, $0x0  }
0xb2: {  	s3 =	rddreg [dreg:$0x2];
	[bflag:$0x3] =	sbarrier.arrive $0xFFFF;
	s2 =	simm.s32 @!p0 $0x1C07  }
0xb3: {  	[timem:s3], [sflag:s2] =	dma.local @!p0 [hbm:s0], s1  }
0xb4: {  	s0 =	simm.s32 @!p0 $0x7  }
0xb5: {  	_ =	swait.ge @!p0 [sflag:s0], s1  }
0xb6: {  	s1 =	ssub.s32 @!p0 $0x0, s1;
	[sflag:s0] =	ssyncset.done @!p0 $0x0  }
0xb7: {  	[sflag:s0] =	ssyncadd.s32 @!p0 s1  }
0xb8: {  	[bflag:$0x3] =	sbarrier.arrive $0xFFFF  }
0xb9: {  	_ =	shalt  }

</sc_bundles>
